<compile_context>
chip_gen: v7x
topology: tpu7x:2x2x1
jax: 0.10.2.dev20260603
libtpu: 0.0.44.dev20260713+nightly
codegen_flags: <defaults>
</compile_context>

<pallas_src>
import jax
import jax.numpy as jnp
from jax import lax
from jax.experimental import pallas as pl
from jax.experimental.pallas import tpu as pltpu
from jax.experimental.pallas import tpu_sc as plsc

M, D, B = 100000, 64, 16384
L = 16
NG = D // L
NC = 2
NS = 16
GPC = NG // NC

UPD_ROWS = B // NS
SUB = 128
NSUB = UPD_ROWS // SUB
RPC = 8
SEG = M * L // NS
OUT_ROWS = M // NS
RCH = 125
NRCH = OUT_ROWS // RCH
ZCH = 2500
NZ = SEG // ZCH


def _body(y0_hbm, y1_hbm, z_hbm, out0_hbm, out1_hbm,
          acc, y_v, z_v, idx_v, val_v, zero_v,
          sem_y, sem_z, sem_sc, sem_zero):
    c = lax.axis_index("c")
    s = lax.axis_index("s")
    iota = lax.iota(jnp.int32, L)
    seg0 = pl.multiple_of(s * SEG, 8)

    @pl.loop(0, ZCH // L)
    def _(i):
        zero_v[pl.ds(pl.multiple_of(i * L, L), L)] = jnp.zeros((L,), jnp.float32)

    for y_hbm, out_hbm in ((y0_hbm, out0_hbm), (y1_hbm, out1_hbm)):
        for gg in range(GPC):
            g = c * GPC + gg
            col0 = pl.multiple_of(g * L, L)

            def upd_load(sb, b, y_hbm=y_hbm):
                r0 = s * UPD_ROWS + sb * SUB
                pltpu.async_copy(
                    y_hbm.at[pl.ds(r0, SUB), pl.ds(col0, L)],
                    y_v.at[b], sem_y)
                pltpu.async_copy(
                    z_hbm.at[pl.ds(r0, SUB), pl.ds(col0, L)],
                    z_v.at[b], sem_z)

            def upd_load_wait(b, y_hbm=y_hbm):
                pltpu.make_async_copy(
                    y_hbm.at[pl.ds(0, SUB), pl.ds(col0, L)],
                    y_v.at[b], sem_y).wait()
                pltpu.make_async_copy(
                    z_hbm.at[pl.ds(0, SUB), pl.ds(col0, L)],
                    z_v.at[b], sem_z).wait()

            @pl.loop(0, NZ)
            def _(k):
                off = pl.multiple_of(seg0 + k * ZCH, 8)
                pltpu.async_copy(zero_v, acc.at[pl.ds(off, ZCH)], sem_zero)

            upd_load(0, 0)

            @pl.loop(0, NZ)
            def _(k):
                off = pl.multiple_of(seg0 + k * ZCH, 8)
                pltpu.make_async_copy(
                    zero_v, acc.at[pl.ds(off, ZCH)], sem_zero).wait()

            plsc.subcore_barrier()

            @pl.loop(0, NSUB)
            def _(sb):
                b = lax.rem(sb, 2)
                upd_load_wait(b)

                @pl.loop(0, SUB // RPC)
                def _(cc):
                    for u in range(RPC):
                        r = cc * RPC + u
                        off = pl.multiple_of((r % RPC) * L, L)
                        idx_v[cc, pl.ds(off, L)] = y_v[b, r, :] * L + iota
                        val_v[cc, pl.ds(off, L)] = z_v[b, r, :]

                @pl.loop(0, SUB // RPC)
                def _(cc):
                    pltpu.async_copy(val_v.at[cc],
                                     acc.at[idx_v.at[cc]],
                                     sem_sc, add=True).wait()

                @pl.when(sb < NSUB - 1)
                def _():
                    upd_load(sb + 1, 1 - b)

            plsc.subcore_barrier()

            pltpu.sync_copy(acc.at[pl.ds(seg0, SEG)],
                            out_hbm.at[g, pl.ds(seg0, SEG)])


_sc_call = pl.kernel(
    _body,
    out_type=(
        jax.ShapeDtypeStruct((NG, M * L), jnp.float32),
        jax.ShapeDtypeStruct((NG, M * L), jnp.float32),
    ),
    mesh=plsc.VectorSubcoreMesh(core_axis_name="c", subcore_axis_name="s"),
    compiler_params=pltpu.CompilerParams(use_tc_tiling_on_sc=False),
    scratch_types=[
        pltpu.VMEM_SHARED((M * L,), jnp.float32),
        pltpu.VMEM((2, SUB, L), jnp.int32),
        pltpu.VMEM((2, SUB, L), jnp.float32),
        pltpu.VMEM((SUB // RPC, RPC * L), jnp.int32),
        pltpu.VMEM((SUB // RPC, RPC * L), jnp.float32),
        pltpu.VMEM((ZCH,), jnp.float32),
        pltpu.SemaphoreType.DMA,
        pltpu.SemaphoreType.DMA,
        pltpu.SemaphoreType.DMA,
        pltpu.SemaphoreType.DMA,
    ],
)


def kernel(x, y0, y1, z):
    a0, a1 = _sc_call(y0, y1, z)
    a0 = a0.reshape(NG, M, L).transpose(1, 0, 2).reshape(M, D)
    a1 = a1.reshape(NG, M, L).transpose(1, 0, 2).reshape(M, D)
    return (x + a0, x + a1)

# --- scband reference (transcript-rebuilt; emitter-appended) ---
"""Pipeline reference for scband-model-8753143349598 (READ-ONLY COPY).

The authoritative reference and input builder live on the scoring server;
editing this copy changes nothing except your own understanding.
"""

import jax, jax.numpy as jnp
import numpy as np

M, D, B = 100000, 64, 16384

def setup_inputs(seed: int = 0) -> dict:
    key = jax.random.key(seed)
    k1, k2, k3, k4 = jax.random.split(key, 4)
    x = jax.random.normal(k1, (M, D), dtype=jnp.float32)
    y0 = jax.random.randint(k2, (B, D), 0, M, dtype=jnp.int32)
    y1 = jax.random.randint(k3, (B, D), 0, M, dtype=jnp.int32)
    z = jax.random.normal(k4, (B, D), dtype=jnp.float32)
    return {"x": x, "y0": y0, "y1": y1, "z": z}

def reference(x, y0, y1, z):
    # torch.scatter_add(x, 0, y, z): out[y[i,j], j] += z[i,j], out initialized to x
    col = jnp.broadcast_to(jnp.arange(x.shape[1], dtype=y0.dtype)[None, :], y0.shape)
    out0 = x.at[y0, col].add(z)
    out1 = x.at[y1, col].add(z)
    return (out0, out1)

if __name__ == "__main__":
    import jax
    _d = setup_inputs()
    print(jax.jit(kernel)(*tuple(_d.values())))

</pallas_src>

<mosaic_0001>
#map = affine_map<(d0, d1) -> (0, 0)>
module attributes {stable_mosaic.version = 14 : i64} {
  func.func @_body(%arg0: i32, %arg1: i32, %arg2: memref<16384x64xi32, #tpu.memory_space<hbm>>, %arg3: memref<16384x64xi32, #tpu.memory_space<hbm>>, %arg4: memref<16384x64xf32, #tpu.memory_space<hbm>>, %arg5: memref<4x1600000xf32, #tpu.memory_space<hbm>>, %arg6: memref<4x1600000xf32, #tpu.memory_space<hbm>>, %arg7: memref<1600000xf32, #tpu.memory_space<vmem_shared>>, %arg8: memref<2x128x16xi32, #tpu.memory_space<vmem>>, %arg9: memref<2x128x16xf32, #tpu.memory_space<vmem>>, %arg10: memref<16x128xi32, #tpu.memory_space<vmem>>, %arg11: memref<16x128xf32, #tpu.memory_space<vmem>>, %arg12: memref<2500xf32, #tpu.memory_space<vmem>>, %arg13: memref<!tpu.dma_semaphore, #tpu.memory_space<semaphore_mem>>, %arg14: memref<!tpu.dma_semaphore, #tpu.memory_space<semaphore_mem>>, %arg15: memref<!tpu.dma_semaphore, #tpu.memory_space<semaphore_mem>>, %arg16: memref<!tpu.dma_semaphore, #tpu.memory_space<semaphore_mem>>) attributes {dimension_semantics = [#tpu.dimension_semantics<core_parallel>, #tpu.dimension_semantics<subcore_parallel>], iteration_bounds = array<i64: 2, 16>, scalar_prefetch = 0 : i64, scratch_operands = 10 : i64, tpu.core_type = #tpu.core_type<sc_vector_subcore>, window_params = [{transform_indices = #map}, {transform_indices = #map}, {transform_indices = #map}, {transform_indices = #map}, {transform_indices = #map}]} {
    %iota3A = tpu.iota {dimensions = array<i32: 0>} : vector<16xi32>
    %mul3A = arith.constant 100000 : i32
    %mul3A_0 = arith.muli %arg1, %mul3A : i32
    %multiple_of3A = tpu.assume_multiple %mul3A_0, 8 : i32
    %scan3A = arith.constant 0 : i32
    %scan3A_1 = arith.constant 156 : i32
    %scan3A_2 = arith.addi %scan3A, %scan3A_1 : i32
    %scan3A_3 = arith.constant 1 : i32
    scf.for %scan3A_202 = %scan3A to %scan3A_2 step %scan3A_3  : i32 {
      %mul3A_203 = arith.constant 1 : i32
      %mul3A_204 = arith.muli %scan3A_202, %mul3A_203 : i32
      %add3A_205 = arith.constant 0 : i32
      %add3A_206 = arith.addi %add3A_205, %mul3A_204 : i32
      %broadcast_in_dim3A = arith.constant 0.000000e+00 : f32
      %broadcast_in_dim3A_207 = vector.broadcast %broadcast_in_dim3A : f32 to vector<16xf32>
      %mul3A_208 = arith.constant 16 : i32
      %mul3A_209 = arith.muli %add3A_206, %mul3A_208 : i32
      %multiple_of3A_210 = tpu.assume_multiple %mul3A_209, 16 : i32
      %swap3A = arith.index_cast %multiple_of3A_210 : i32 to index
      %swap3A_211 = tpu.vector_load %arg12[%swap3A] {strides = array<i32>} : memref<2500xf32, #tpu.memory_space<vmem>>, vector<16xf32>,
      %swap3A_212 = vector.shape_cast %swap3A_211 : vector<16xf32> to vector<16xf32>
      %swap3A_213 = vector.shape_cast %broadcast_in_dim3A_207 : vector<16xf32> to vector<16xf32>
      tpu.vector_store %arg12[%swap3A], %swap3A_213 {strides = array<i32>} : memref<2500xf32, #tpu.memory_space<vmem>>, vector<16xf32>,
    }
    %scan3A_4 = arith.constant 156 : i32
    %mul3A_5 = arith.constant 2 : i32
    %mul3A_6 = arith.muli %arg0, %mul3A_5 : i32
    %add3A = arith.constant 0 : i32
    %add3A_7 = arith.addi %mul3A_6, %add3A : i32
    %mul3A_8 = arith.constant 16 : i32
    %mul3A_9 = arith.muli %add3A_7, %mul3A_8 : i32
    %multiple_of3A_10 = tpu.assume_multiple %mul3A_9, 16 : i32
    %scan3A_11 = arith.constant 0 : i32
    %scan3A_12 = arith.constant 40 : i32
    %scan3A_13 = arith.addi %scan3A_11, %scan3A_12 : i32
    %scan3A_14 = arith.constant 1 : i32
    scf.for %scan3A_202 = %scan3A_11 to %scan3A_13 step %scan3A_14  : i32 {
      %mul3A_203 = arith.constant 1 : i32
      %mul3A_204 = arith.muli %scan3A_202, %mul3A_203 : i32
      %add3A_205 = arith.constant 0 : i32
      %add3A_206 = arith.addi %add3A_205, %mul3A_204 : i32
      %mul3A_207 = arith.constant 2500 : i32
      %mul3A_208 = arith.muli %add3A_206, %mul3A_207 : i32
      %add3A_209 = arith.addi %multiple_of3A, %mul3A_208 : i32
      %multiple_of3A_210 = tpu.assume_multiple %add3A_209, 8 : i32
      %dma_start3A_211 = tpu.memref_slice %arg7[%multiple_of3A_210] : memref<1600000xf32, #tpu.memory_space<vmem_shared>> -> memref<2500xf32, #tpu.memory_space<vmem_shared>>
      %dma_start3A_212 = tpu.memref_slice %arg7[%multiple_of3A_210] : memref<1600000xf32, #tpu.memory_space<vmem_shared>> -> memref<2500xf32, #tpu.memory_space<vmem_shared>>
      tpu.enqueue_dma source(%arg12 : memref<2500xf32, #tpu.memory_space<vmem>>) target(%dma_start3A_212 : memref<2500xf32, #tpu.memory_space<vmem_shared>>) target_semaphore(%arg16 : memref<!tpu.dma_semaphore, #tpu.memory_space<semaphore_mem>>)
    }
    %scan3A_15 = arith.constant 40 : i32
    %mul3A_16 = arith.constant 1024 : i32
    %mul3A_17 = arith.muli %arg1, %mul3A_16 : i32
    %add3A_18 = arith.constant 0 : i32
    %add3A_19 = arith.addi %mul3A_17, %add3A_18 : i32
    %dma_start3A = arith.constant 0 : i32
    %dma_start3A_20 = arith.constant 0 : i32
    %dma_start3A_21 = arith.constant 0 : i32
    %dma_start3A_22 = tpu.memref_slice %arg8[%dma_start3A, %dma_start3A_20, %dma_start3A_21] : memref<2x128x16xi32, #tpu.memory_space<vmem>> -> memref<1x128x16xi32, #tpu.memory_space<vmem>>
    %dma_start3A_23 = tpu.memref_squeeze %dma_start3A_22 : memref<1x128x16xi32, #tpu.memory_space<vmem>> -> memref<128x16xi32, #tpu.memory_space<vmem>>
    %dma_start3A_24 = tpu.memref_slice %arg2[%add3A_19, %multiple_of3A_10] : memref<16384x64xi32, #tpu.memory_space<hbm>> -> memref<128x16xi32, #tpu.memory_space<hbm>>
    %dma_start3A_25 = arith.constant 0 : i32
    %dma_start3A_26 = arith.constant 0 : i32
    %dma_start3A_27 = tpu.memref_slice %arg8[%dma_start3A, %dma_start3A_25, %dma_start3A_26] : memref<2x128x16xi32, #tpu.memory_space<vmem>> -> memref<1x128x16xi32, #tpu.memory_space<vmem>>
    %dma_start3A_28 = tpu.memref_squeeze %dma_start3A_27 : memref<1x128x16xi32, #tpu.memory_space<vmem>> -> memref<128x16xi32, #tpu.memory_space<vmem>>
    %dma_start3A_29 = tpu.memref_slice %arg2[%add3A_19, %multiple_of3A_10] : memref<16384x64xi32, #tpu.memory_space<hbm>> -> memref<128x16xi32, #tpu.memory_space<hbm>>
    tpu.enqueue_dma source(%dma_start3A_29 : memref<128x16xi32, #tpu.memory_space<hbm>>) target(%dma_start3A_28 : memref<128x16xi32, #tpu.memory_space<vmem>>) target_semaphore(%arg13 : memref<!tpu.dma_semaphore, #tpu.memory_space<semaphore_mem>>)
    %dma_start3A_30 = arith.constant 0 : i32
    %dma_start3A_31 = arith.constant 0 : i32
    %dma_start3A_32 = arith.constant 0 : i32
    %dma_start3A_33 = tpu.memref_slice %arg9[%dma_start3A_30, %dma_start3A_31, %dma_start3A_32] : memref<2x128x16xf32, #tpu.memory_space<vmem>> -> memref<1x128x16xf32, #tpu.memory_space<vmem>>
    %dma_start3A_34 = tpu.memref_squeeze %dma_start3A_33 : memref<1x128x16xf32, #tpu.memory_space<vmem>> -> memref<128x16xf32, #tpu.memory_space<vmem>>
    %dma_start3A_35 = tpu.memref_slice %arg4[%add3A_19, %multiple_of3A_10] : memref<16384x64xf32, #tpu.memory_space<hbm>> -> memref<128x16xf32, #tpu.memory_space<hbm>>
    %dma_start3A_36 = arith.constant 0 : i32
    %dma_start3A_37 = arith.constant 0 : i32
    %dma_start3A_38 = tpu.memref_slice %arg9[%dma_start3A_30, %dma_start3A_36, %dma_start3A_37] : memref<2x128x16xf32, #tpu.memory_space<vmem>> -> memref<1x128x16xf32, #tpu.memory_space<vmem>>
    %dma_start3A_39 = tpu.memref_squeeze %dma_start3A_38 : memref<1x128x16xf32, #tpu.memory_space<vmem>> -> memref<128x16xf32, #tpu.memory_space<vmem>>
    %dma_start3A_40 = tpu.memref_slice %arg4[%add3A_19, %multiple_of3A_10] : memref<16384x64xf32, #tpu.memory_space<hbm>> -> memref<128x16xf32, #tpu.memory_space<hbm>>
    tpu.enqueue_dma source(%dma_start3A_40 : memref<128x16xf32, #tpu.memory_space<hbm>>) target(%dma_start3A_39 : memref<128x16xf32, #tpu.memory_space<vmem>>) target_semaphore(%arg14 : memref<!tpu.dma_semaphore, #tpu.memory_space<semaphore_mem>>)
    %scan3A_41 = arith.constant 0 : i32
    %scan3A_42 = arith.constant 40 : i32
    %scan3A_43 = arith.addi %scan3A_41, %scan3A_42 : i32
    %scan3A_44 = arith.constant 1 : i32
    scf.for %scan3A_202 = %scan3A_41 to %scan3A_43 step %scan3A_44  : i32 {
      %mul3A_203 = arith.constant 1 : i32
      %mul3A_204 = arith.muli %scan3A_202, %mul3A_203 : i32
      %add3A_205 = arith.constant 0 : i32
      %add3A_206 = arith.addi %add3A_205, %mul3A_204 : i32
      %mul3A_207 = arith.constant 2500 : i32
      %mul3A_208 = arith.muli %add3A_206, %mul3A_207 : i32
      %add3A_209 = arith.addi %multiple_of3A, %mul3A_208 : i32
      %multiple_of3A_210 = tpu.assume_multiple %add3A_209, 8 : i32
      %dma_wait3A = tpu.memref_slice %arg7[%multiple_of3A_210] : memref<1600000xf32, #tpu.memory_space<vmem_shared>> -> memref<2500xf32, #tpu.memory_space<vmem_shared>>
      %dma_wait3A_211 = tpu.memref_slice %arg7[%multiple_of3A_210] : memref<1600000xf32, #tpu.memory_space<vmem_shared>> -> memref<2500xf32, #tpu.memory_space<vmem_shared>>
      tpu.wait_dma2 semaphore(%arg16 : memref<!tpu.dma_semaphore, #tpu.memory_space<semaphore_mem>>) src(%arg12 : memref<2500xf32, #tpu.memory_space<vmem>>) dst(%dma_wait3A_211 : memref<2500xf32, #tpu.memory_space<vmem_shared>>)
    }
    %scan3A_45 = arith.constant 40 : i32
    %barrier3A = arith.constant 0 : index
    tpu.barrier barrier_id(%barrier3A)
    %scan3A_46 = arith.constant 0 : i32
    %scan3A_47 = arith.constant 8 : i32
    %scan3A_48 = arith.addi %scan3A_46, %scan3A_47 : i32
    %scan3A_49 = arith.constant 1 : i32
    scf.for %scan3A_202 = %scan3A_46 to %scan3A_48 step %scan3A_49  : i32 {
      %mul3A_203 = arith.constant 1 : i32
      %mul3A_204 = arith.muli %scan3A_202, %mul3A_203 : i32
      %add3A_205 = arith.constant 0 : i32
      %add3A_206 = arith.addi %add3A_205, %mul3A_204 : i32
      %rem3A = arith.constant 2 : i32
      %rem3A_207 = arith.remsi %add3A_206, %rem3A : i32
      %dma_wait3A = arith.constant 0 : i32
      %dma_wait3A_208 = arith.constant 0 : i32
      %dma_wait3A_209 = tpu.memref_slice %arg8[%rem3A_207, %dma_wait3A, %dma_wait3A_208] : memref<2x128x16xi32, #tpu.memory_space<vmem>> -> memref<1x128x16xi32, #tpu.memory_space<vmem>>
      %dma_wait3A_210 = tpu.memref_squeeze %dma_wait3A_209 : memref<1x128x16xi32, #tpu.memory_space<vmem>> -> memref<128x16xi32, #tpu.memory_space<vmem>>
      %dma_wait3A_211 = arith.constant 0 : i32
      %dma_wait3A_212 = tpu.memref_slice %arg2[%dma_wait3A_211, %multiple_of3A_10] : memref<16384x64xi32, #tpu.memory_space<hbm>> -> memref<128x16xi32, #tpu.memory_space<hbm>>
      %dma_wait3A_213 = arith.constant 0 : i32
      %dma_wait3A_214 = arith.constant 0 : i32
      %dma_wait3A_215 = tpu.memref_slice %arg8[%rem3A_207, %dma_wait3A_213, %dma_wait3A_214] : memref<2x128x16xi32, #tpu.memory_space<vmem>> -> memref<1x128x16xi32, #tpu.memory_space<vmem>>
      %dma_wait3A_216 = tpu.memref_squeeze %dma_wait3A_215 : memref<1x128x16xi32, #tpu.memory_space<vmem>> -> memref<128x16xi32, #tpu.memory_space<vmem>>
      %dma_wait3A_217 = arith.constant 0 : i32
      %dma_wait3A_218 = tpu.memref_slice %arg2[%dma_wait3A_217, %multiple_of3A_10] : memref<16384x64xi32, #tpu.memory_space<hbm>> -> memref<128x16xi32, #tpu.memory_space<hbm>>
      tpu.wait_dma2 semaphore(%arg13 : memref<!tpu.dma_semaphore, #tpu.memory_space<semaphore_mem>>) src(%dma_wait3A_218 : memref<128x16xi32, #tpu.memory_space<hbm>>) dst(%dma_wait3A_216 : memref<128x16xi32, #tpu.memory_space<vmem>>)
      %dma_wait3A_219 = arith.constant 0 : i32
      %dma_wait3A_220 = arith.constant 0 : i32
      %dma_wait3A_221 = tpu.memref_slice %arg9[%rem3A_207, %dma_wait3A_219, %dma_wait3A_220] : memref<2x128x16xf32, #tpu.memory_space<vmem>> -> memref<1x128x16xf32, #tpu.memory_space<vmem>>
      %dma_wait3A_222 = tpu.memref_squeeze %dma_wait3A_221 : memref<1x128x16xf32, #tpu.memory_space<vmem>> -> memref<128x16xf32, #tpu.memory_space<vmem>>
      %dma_wait3A_223 = arith.constant 0 : i32
      %dma_wait3A_224 = tpu.memref_slice %arg4[%dma_wait3A_223, %multiple_of3A_10] : memref<16384x64xf32, #tpu.memory_space<hbm>> -> memref<128x16xf32, #tpu.memory_space<hbm>>
      %dma_wait3A_225 = arith.constant 0 : i32
      %dma_wait3A_226 = arith.constant 0 : i32
      %dma_wait3A_227 = tpu.memref_slice %arg9[%rem3A_207, %dma_wait3A_225, %dma_wait3A_226] : memref<2x128x16xf32, #tpu.memory_space<vmem>> -> memref<1x128x16xf32, #tpu.memory_space<vmem>>
      %dma_wait3A_228 = tpu.memref_squeeze %dma_wait3A_227 : memref<1x128x16xf32, #tpu.memory_space<vmem>> -> memref<128x16xf32, #tpu.memory_space<vmem>>
      %dma_wait3A_229 = arith.constant 0 : i32
      %dma_wait3A_230 = tpu.memref_slice %arg4[%dma_wait3A_229, %multiple_of3A_10] : memref<16384x64xf32, #tpu.memory_space<hbm>> -> memref<128x16xf32, #tpu.memory_space<hbm>>
      tpu.wait_dma2 semaphore(%arg14 : memref<!tpu.dma_semaphore, #tpu.memory_space<semaphore_mem>>) src(%dma_wait3A_230 : memref<128x16xf32, #tpu.memory_space<hbm>>) dst(%dma_wait3A_228 : memref<128x16xf32, #tpu.memory_space<vmem>>)
      %scan3A_231 = arith.constant 0 : i32
      %scan3A_232 = arith.constant 16 : i32
      %scan3A_233 = arith.addi %scan3A_231, %scan3A_232 : i32
      %scan3A_234 = arith.constant 1 : i32
      scf.for %scan3A_243 = %scan3A_231 to %scan3A_233 step %scan3A_234  : i32 {
        %mul3A_244 = arith.constant 1 : i32
        %mul3A_245 = arith.muli %scan3A_243, %mul3A_244 : i32
        %add3A_246 = arith.constant 0 : i32
        %add3A_247 = arith.addi %add3A_246, %mul3A_245 : i32
        %mul3A_248 = arith.constant 8 : i32
        %mul3A_249 = arith.muli %add3A_247, %mul3A_248 : i32
        %add3A_250 = arith.constant 0 : i32
        %add3A_251 = arith.addi %mul3A_249, %add3A_250 : i32
        %jit3A = arith.constant 8 : i32
        %eq3A = arith.constant 0 : i32
        %eq3A_252 = arith.cmpi eq, %jit3A, %eq3A : i32
        %jit3A_253 = arith.constant 1 : i32
        %select_n3A = arith.select %eq3A_252, %jit3A_253, %jit3A : i32
        %rem3A_254 = arith.remsi %add3A_251, %select_n3A : i32
        %ne3A = arith.constant 0 : i32
        %ne3A_255 = arith.cmpi ne, %rem3A_254, %ne3A : i32
        %lt3A_256 = arith.constant 0 : i32
        %lt3A_257 = arith.cmpi slt, %rem3A_254, %lt3A_256 : i32
        %lt3A_258 = arith.constant 0 : i32
        %lt3A_259 = arith.cmpi slt, %select_n3A, %lt3A_258 : i32
        %ne3A_260 = arith.xori %lt3A_257, %lt3A_259 : i1
        %and3A = arith.andi %ne3A_260, %ne3A_255 : i1
        %add3A_261 = arith.addi %rem3A_254, %select_n3A : i32
        %select_n3A_262 = arith.select %and3A, %add3A_261, %rem3A_254 : i32
        %mul3A_263 = arith.constant 16 : i32
        %mul3A_264 = arith.muli %select_n3A_262, %mul3A_263 : i32
        %multiple_of3A_265 = tpu.assume_multiple %mul3A_264, 16 : i32
        %get3A = arith.index_cast %rem3A_207 : i32 to index
        %get3A_266 = arith.index_cast %add3A_251 : i32 to index
        %get3A_267 = arith.constant 0 : index
        %get3A_268 = tpu.vector_load %arg8[%get3A, %get3A_266, %get3A_267] {strides = array<i32>} : memref<2x128x16xi32, #tpu.memory_space<vmem>>, vector<1x1x16xi32>,
        %get3A_269 = vector.shape_cast %get3A_268 : vector<1x1x16xi32> to vector<16xi32>
        %mul3A_270 = arith.constant 16 : i32
        %mul3A_271 = vector.broadcast %mul3A_270 : i32 to vector<16xi32>
        %mul3A_272 = arith.muli %get3A_269, %mul3A_271 : vector<16xi32>
        %add3A_273 = arith.addi %mul3A_272, %iota3A : vector<16xi32>
        %swap3A = arith.index_cast %add3A_247 : i32 to index
        %swap3A_274 = arith.index_cast %multiple_of3A_265 : i32 to index
        %swap3A_275 = tpu.vector_load %arg10[%swap3A, %swap3A_274] {strides = array<i32>} : memref<16x128xi32, #tpu.memory_space<vmem>>, vector<1x16xi32>,
        %swap3A_276 = vector.shape_cast %swap3A_275 : vector<1x16xi32> to vector<16xi32>
        %swap3A_277 = vector.shape_cast %add3A_273 : vector<16xi32> to vector<1x16xi32>
        tpu.vector_store %arg10[%swap3A, %swap3A_274], %swap3A_277 {strides = array<i32>} : memref<16x128xi32, #tpu.memory_space<vmem>>, vector<1x16xi32>,
        %get3A_278 = arith.index_cast %rem3A_207 : i32 to index
        %get3A_279 = arith.index_cast %add3A_251 : i32 to index
        %get3A_280 = arith.constant 0 : index
        %get3A_281 = tpu.vector_load %arg9[%get3A_278, %get3A_279, %get3A_280] {strides = array<i32>} : memref<2x128x16xf32, #tpu.memory_space<vmem>>, vector<1x1x16xf32>,
        %get3A_282 = vector.shape_cast %get3A_281 : vector<1x1x16xf32> to vector<16xf32>
        %swap3A_283 = arith.index_cast %add3A_247 : i32 to index
        %swap3A_284 = arith.index_cast %multiple_of3A_265 : i32 to index
        %swap3A_285 = tpu.vector_load %arg11[%swap3A_283, %swap3A_284] {strides = array<i32>} : memref<16x128xf32, #tpu.memory_space<vmem>>, vector<1x16xf32>,
        %swap3A_286 = vector.shape_cast %swap3A_285 : vector<1x16xf32> to vector<16xf32>
        %swap3A_287 = vector.shape_cast %get3A_282 : vector<16xf32> to vector<1x16xf32>
        tpu.vector_store %arg11[%swap3A_283, %swap3A_284], %swap3A_287 {strides = array<i32>} : memref<16x128xf32, #tpu.memory_space<vmem>>, vector<1x16xf32>,
        %mul3A_288 = arith.constant 8 : i32
        %mul3A_289 = arith.muli %add3A_247, %mul3A_288 : i32
        %add3A_290 = arith.constant 1 : i32
        %add3A_291 = arith.addi %mul3A_289, %add3A_290 : i32
        %jit3A_292 = arith.constant 8 : i32
        %eq3A_293 = arith.constant 0 : i32
        %eq3A_294 = arith.cmpi eq, %jit3A_292, %eq3A_293 : i32
        %jit3A_295 = arith.constant 1 : i32
        %select_n3A_296 = arith.select %eq3A_294, %jit3A_295, %jit3A_292 : i32
        %rem3A_297 = arith.remsi %add3A_291, %select_n3A_296 : i32
        %ne3A_298 = arith.constant 0 : i32
        %ne3A_299 = arith.cmpi ne, %rem3A_297, %ne3A_298 : i32
        %lt3A_300 = arith.constant 0 : i32
        %lt3A_301 = arith.cmpi slt, %rem3A_297, %lt3A_300 : i32
        %lt3A_302 = arith.constant 0 : i32
        %lt3A_303 = arith.cmpi slt, %select_n3A_296, %lt3A_302 : i32
        %ne3A_304 = arith.xori %lt3A_301, %lt3A_303 : i1
        %and3A_305 = arith.andi %ne3A_304, %ne3A_299 : i1
        %add3A_306 = arith.addi %rem3A_297, %select_n3A_296 : i32
        %select_n3A_307 = arith.select %and3A_305, %add3A_306, %rem3A_297 : i32
        %mul3A_308 = arith.constant 16 : i32
        %mul3A_309 = arith.muli %select_n3A_307, %mul3A_308 : i32
        %multiple_of3A_310 = tpu.assume_multiple %mul3A_309, 16 : i32
        %get3A_311 = arith.index_cast %rem3A_207 : i32 to index
        %get3A_312 = arith.index_cast %add3A_291 : i32 to index
        %get3A_313 = arith.constant 0 : index
        %get3A_314 = tpu.vector_load %arg8[%get3A_311, %get3A_312, %get3A_313] {strides = array<i32>} : memref<2x128x16xi32, #tpu.memory_space<vmem>>, vector<1x1x16xi32>,
        %get3A_315 = vector.shape_cast %get3A_314 : vector<1x1x16xi32> to vector<16xi32>
        %mul3A_316 = arith.constant 16 : i32
        %mul3A_317 = vector.broadcast %mul3A_316 : i32 to vector<16xi32>
        %mul3A_318 = arith.muli %get3A_315, %mul3A_317 : vector<16xi32>
        %add3A_319 = arith.addi %mul3A_318, %iota3A : vector<16xi32>
        %swap3A_320 = arith.index_cast %add3A_247 : i32 to index
        %swap3A_321 = arith.index_cast %multiple_of3A_310 : i32 to index
        %swap3A_322 = tpu.vector_load %arg10[%swap3A_320, %swap3A_321] {strides = array<i32>} : memref<16x128xi32, #tpu.memory_space<vmem>>, vector<1x16xi32>,
        %swap3A_323 = vector.shape_cast %swap3A_322 : vector<1x16xi32> to vector<16xi32>
        %swap3A_324 = vector.shape_cast %add3A_319 : vector<16xi32> to vector<1x16xi32>
        tpu.vector_store %arg10[%swap3A_320, %swap3A_321], %swap3A_324 {strides = array<i32>} : memref<16x128xi32, #tpu.memory_space<vmem>>, vector<1x16xi32>,
        %get3A_325 = arith.index_cast %rem3A_207 : i32 to index
        %get3A_326 = arith.index_cast %add3A_291 : i32 to index
        %get3A_327 = arith.constant 0 : index
        %get3A_328 = tpu.vector_load %arg9[%get3A_325, %get3A_326, %get3A_327] {strides = array<i32>} : memref<2x128x16xf32, #tpu.memory_space<vmem>>, vector<1x1x16xf32>,
        %get3A_329 = vector.shape_cast %get3A_328 : vector<1x1x16xf32> to vector<16xf32>
        %swap3A_330 = arith.index_cast %add3A_247 : i32 to index
        %swap3A_331 = arith.index_cast %multiple_of3A_310 : i32 to index
        %swap3A_332 = tpu.vector_load %arg11[%swap3A_330, %swap3A_331] {strides = array<i32>} : memref<16x128xf32, #tpu.memory_space<vmem>>, vector<1x16xf32>,
        %swap3A_333 = vector.shape_cast %swap3A_332 : vector<1x16xf32> to vector<16xf32>
        %swap3A_334 = vector.shape_cast %get3A_329 : vector<16xf32> to vector<1x16xf32>
        tpu.vector_store %arg11[%swap3A_330, %swap3A_331], %swap3A_334 {strides = array<i32>} : memref<16x128xf32, #tpu.memory_space<vmem>>, vector<1x16xf32>,
        %mul3A_335 = arith.constant 8 : i32
        %mul3A_336 = arith.muli %add3A_247, %mul3A_335 : i32
        %add3A_337 = arith.constant 2 : i32
        %add3A_338 = arith.addi %mul3A_336, %add3A_337 : i32
        %jit3A_339 = arith.constant 8 : i32
        %eq3A_340 = arith.constant 0 : i32
        %eq3A_341 = arith.cmpi eq, %jit3A_339, %eq3A_340 : i32
        %jit3A_342 = arith.constant 1 : i32
        %select_n3A_343 = arith.select %eq3A_341, %jit3A_342, %jit3A_339 : i32
        %rem3A_344 = arith.remsi %add3A_338, %select_n3A_343 : i32
        %ne3A_345 = arith.constant 0 : i32
        %ne3A_346 = arith.cmpi ne, %rem3A_344, %ne3A_345 : i32
        %lt3A_347 = arith.constant 0 : i32
        %lt3A_348 = arith.cmpi slt, %rem3A_344, %lt3A_347 : i32
        %lt3A_349 = arith.constant 0 : i32
        %lt3A_350 = arith.cmpi slt, %select_n3A_343, %lt3A_349 : i32
        %ne3A_351 = arith.xori %lt3A_348, %lt3A_350 : i1
        %and3A_352 = arith.andi %ne3A_351, %ne3A_346 : i1
        %add3A_353 = arith.addi %rem3A_344, %select_n3A_343 : i32
        %select_n3A_354 = arith.select %and3A_352, %add3A_353, %rem3A_344 : i32
        %mul3A_355 = arith.constant 16 : i32
        %mul3A_356 = arith.muli %select_n3A_354, %mul3A_355 : i32
        %multiple_of3A_357 = tpu.assume_multiple %mul3A_356, 16 : i32
        %get3A_358 = arith.index_cast %rem3A_207 : i32 to index
        %get3A_359 = arith.index_cast %add3A_338 : i32 to index
        %get3A_360 = arith.constant 0 : index
        %get3A_361 = tpu.vector_load %arg8[%get3A_358, %get3A_359, %get3A_360] {strides = array<i32>} : memref<2x128x16xi32, #tpu.memory_space<vmem>>, vector<1x1x16xi32>,
        %get3A_362 = vector.shape_cast %get3A_361 : vector<1x1x16xi32> to vector<16xi32>
        %mul3A_363 = arith.constant 16 : i32
        %mul3A_364 = vector.broadcast %mul3A_363 : i32 to vector<16xi32>
        %mul3A_365 = arith.muli %get3A_362, %mul3A_364 : vector<16xi32>
        %add3A_366 = arith.addi %mul3A_365, %iota3A : vector<16xi32>
        %swap3A_367 = arith.index_cast %add3A_247 : i32 to index
        %swap3A_368 = arith.index_cast %multiple_of3A_357 : i32 to index
        %swap3A_369 = tpu.vector_load %arg10[%swap3A_367, %swap3A_368] {strides = array<i32>} : memref<16x128xi32, #tpu.memory_space<vmem>>, vector<1x16xi32>,
        %swap3A_370 = vector.shape_cast %swap3A_369 : vector<1x16xi32> to vector<16xi32>
        %swap3A_371 = vector.shape_cast %add3A_366 : vector<16xi32> to vector<1x16xi32>
        tpu.vector_store %arg10[%swap3A_367, %swap3A_368], %swap3A_371 {strides = array<i32>} : memref<16x128xi32, #tpu.memory_space<vmem>>, vector<1x16xi32>,
        %get3A_372 = arith.index_cast %rem3A_207 : i32 to index
        %get3A_373 = arith.index_cast %add3A_338 : i32 to index
        %get3A_374 = arith.constant 0 : index
        %get3A_375 = tpu.vector_load %arg9[%get3A_372, %get3A_373, %get3A_374] {strides = array<i32>} : memref<2x128x16xf32, #tpu.memory_space<vmem>>, vector<1x1x16xf32>,
        %get3A_376 = vector.shape_cast %get3A_375 : vector<1x1x16xf32> to vector<16xf32>
        %swap3A_377 = arith.index_cast %add3A_247 : i32 to index
        %swap3A_378 = arith.index_cast %multiple_of3A_357 : i32 to index
        %swap3A_379 = tpu.vector_load %arg11[%swap3A_377, %swap3A_378] {strides = array<i32>} : memref<16x128xf32, #tpu.memory_space<vmem>>, vector<1x16xf32>,
        %swap3A_380 = vector.shape_cast %swap3A_379 : vector<1x16xf32> to vector<16xf32>
        %swap3A_381 = vector.shape_cast %get3A_376 : vector<16xf32> to vector<1x16xf32>
        tpu.vector_store %arg11[%swap3A_377, %swap3A_378], %swap3A_381 {strides = array<i32>} : memref<16x128xf32, #tpu.memory_space<vmem>>, vector<1x16xf32>,
        %mul3A_382 = arith.constant 8 : i32
        %mul3A_383 = arith.muli %add3A_247, %mul3A_382 : i32
        %add3A_384 = arith.constant 3 : i32
        %add3A_385 = arith.addi %mul3A_383, %add3A_384 : i32
        %jit3A_386 = arith.constant 8 : i32
        %eq3A_387 = arith.constant 0 : i32
        %eq3A_388 = arith.cmpi eq, %jit3A_386, %eq3A_387 : i32
        %jit3A_389 = arith.constant 1 : i32
        %select_n3A_390 = arith.select %eq3A_388, %jit3A_389, %jit3A_386 : i32
        %rem3A_391 = arith.remsi %add3A_385, %select_n3A_390 : i32
        %ne3A_392 = arith.constant 0 : i32
        %ne3A_393 = arith.cmpi ne, %rem3A_391, %ne3A_392 : i32
        %lt3A_394 = arith.constant 0 : i32
        %lt3A_395 = arith.cmpi slt, %rem3A_391, %lt3A_394 : i32
        %lt3A_396 = arith.constant 0 : i32
        %lt3A_397 = arith.cmpi slt, %select_n3A_390, %lt3A_396 : i32
        %ne3A_398 = arith.xori %lt3A_395, %lt3A_397 : i1
        %and3A_399 = arith.andi %ne3A_398, %ne3A_393 : i1
        %add3A_400 = arith.addi %rem3A_391, %select_n3A_390 : i32
        %select_n3A_401 = arith.select %and3A_399, %add3A_400, %rem3A_391 : i32
        %mul3A_402 = arith.constant 16 : i32
        %mul3A_403 = arith.muli %select_n3A_401, %mul3A_402 : i32
        %multiple_of3A_404 = tpu.assume_multiple %mul3A_403, 16 : i32
        %get3A_405 = arith.index_cast %rem3A_207 : i32 to index
        %get3A_406 = arith.index_cast %add3A_385 : i32 to index
        %get3A_407 = arith.constant 0 : index
        %get3A_408 = tpu.vector_load %arg8[%get3A_405, %get3A_406, %get3A_407] {strides = array<i32>} : memref<2x128x16xi32, #tpu.memory_space<vmem>>, vector<1x1x16xi32>,
        %get3A_409 = vector.shape_cast %get3A_408 : vector<1x1x16xi32> to vector<16xi32>
        %mul3A_410 = arith.constant 16 : i32
        %mul3A_411 = vector.broadcast %mul3A_410 : i32 to vector<16xi32>
        %mul3A_412 = arith.muli %get3A_409, %mul3A_411 : vector<16xi32>
        %add3A_413 = arith.addi %mul3A_412, %iota3A : vector<16xi32>
        %swap3A_414 = arith.index_cast %add3A_247 : i32 to index
        %swap3A_415 = arith.index_cast %multiple_of3A_404 : i32 to index
        %swap3A_416 = tpu.vector_load %arg10[%swap3A_414, %swap3A_415] {strides = array<i32>} : memref<16x128xi32, #tpu.memory_space<vmem>>, vector<1x16xi32>,
        %swap3A_417 = vector.shape_cast %swap3A_416 : vector<1x16xi32> to vector<16xi32>
        %swap3A_418 = vector.shape_cast %add3A_413 : vector<16xi32> to vector<1x16xi32>
        tpu.vector_store %arg10[%swap3A_414, %swap3A_415], %swap3A_418 {strides = array<i32>} : memref<16x128xi32, #tpu.memory_space<vmem>>, vector<1x16xi32>,
        %get3A_419 = arith.index_cast %rem3A_207 : i32 to index
        %get3A_420 = arith.index_cast %add3A_385 : i32 to index
        %get3A_421 = arith.constant 0 : index
        %get3A_422 = tpu.vector_load %arg9[%get3A_419, %get3A_420, %get3A_421] {strides = array<i32>} : memref<2x128x16xf32, #tpu.memory_space<vmem>>, vector<1x1x16xf32>,
        %get3A_423 = vector.shape_cast %get3A_422 : vector<1x1x16xf32> to vector<16xf32>
        %swap3A_424 = arith.index_cast %add3A_247 : i32 to index
        %swap3A_425 = arith.index_cast %multiple_of3A_404 : i32 to index
        %swap3A_426 = tpu.vector_load %arg11[%swap3A_424, %swap3A_425] {strides = array<i32>} : memref<16x128xf32, #tpu.memory_space<vmem>>, vector<1x16xf32>,
        %swap3A_427 = vector.shape_cast %swap3A_426 : vector<1x16xf32> to vector<16xf32>
        %swap3A_428 = vector.shape_cast %get3A_423 : vector<16xf32> to vector<1x16xf32>
        tpu.vector_store %arg11[%swap3A_424, %swap3A_425], %swap3A_428 {strides = array<i32>} : memref<16x128xf32, #tpu.memory_space<vmem>>, vector<1x16xf32>,
        %mul3A_429 = arith.constant 8 : i32
        %mul3A_430 = arith.muli %add3A_247, %mul3A_429 : i32
        %add3A_431 = arith.constant 4 : i32
        %add3A_432 = arith.addi %mul3A_430, %add3A_431 : i32
        %jit3A_433 = arith.constant 8 : i32
        %eq3A_434 = arith.constant 0 : i32
        %eq3A_435 = arith.cmpi eq, %jit3A_433, %eq3A_434 : i32
        %jit3A_436 = arith.constant 1 : i32
        %select_n3A_437 = arith.select %eq3A_435, %jit3A_436, %jit3A_433 : i32
        %rem3A_438 = arith.remsi %add3A_432, %select_n3A_437 : i32
        %ne3A_439 = arith.constant 0 : i32
        %ne3A_440 = arith.cmpi ne, %rem3A_438, %ne3A_439 : i32
        %lt3A_441 = arith.constant 0 : i32
        %lt3A_442 = arith.cmpi slt, %rem3A_438, %lt3A_441 : i32
        %lt3A_443 = arith.constant 0 : i32
        %lt3A_444 = arith.cmpi slt, %select_n3A_437, %lt3A_443 : i32
        %ne3A_445 = arith.xori %lt3A_442, %lt3A_444 : i1
        %and3A_446 = arith.andi %ne3A_445, %ne3A_440 : i1
        %add3A_447 = arith.addi %rem3A_438, %select_n3A_437 : i32
        %select_n3A_448 = arith.select %and3A_446, %add3A_447, %rem3A_438 : i32
        %mul3A_449 = arith.constant 16 : i32
        %mul3A_450 = arith.muli %select_n3A_448, %mul3A_449 : i32
        %multiple_of3A_451 = tpu.assume_multiple %mul3A_450, 16 : i32
        %get3A_452 = arith.index_cast %rem3A_207 : i32 to index
        %get3A_453 = arith.index_cast %add3A_432 : i32 to index
        %get3A_454 = arith.constant 0 : index
        %get3A_455 = tpu.vector_load %arg8[%get3A_452, %get3A_453, %get3A_454] {strides = array<i32>} : memref<2x128x16xi32, #tpu.memory_space<vmem>>, vector<1x1x16xi32>,
        %get3A_456 = vector.shape_cast %get3A_455 : vector<1x1x16xi32> to vector<16xi32>
        %mul3A_457 = arith.constant 16 : i32
        %mul3A_458 = vector.broadcast %mul3A_457 : i32 to vector<16xi32>
        %mul3A_459 = arith.muli %get3A_456, %mul3A_458 : vector<16xi32>
        %add3A_460 = arith.addi %mul3A_459, %iota3A : vector<16xi32>
        %swap3A_461 = arith.index_cast %add3A_247 : i32 to index
        %swap3A_462 = arith.index_cast %multiple_of3A_451 : i32 to index
        %swap3A_463 = tpu.vector_load %arg10[%swap3A_461, %swap3A_462] {strides = array<i32>} : memref<16x128xi32, #tpu.memory_space<vmem>>, vector<1x16xi32>,
        %swap3A_464 = vector.shape_cast %swap3A_463 : vector<1x16xi32> to vector<16xi32>
        %swap3A_465 = vector.shape_cast %add3A_460 : vector<16xi32> to vector<1x16xi32>
        tpu.vector_store %arg10[%swap3A_461, %swap3A_462], %swap3A_465 {strides = array<i32>} : memref<16x128xi32, #tpu.memory_space<vmem>>, vector<1x16xi32>,
        %get3A_466 = arith.index_cast %rem3A_207 : i32 to index
        %get3A_467 = arith.index_cast %add3A_432 : i32 to index
        %get3A_468 = arith.constant 0 : index
        %get3A_469 = tpu.vector_load %arg9[%get3A_466, %get3A_467, %get3A_468] {strides = array<i32>} : memref<2x128x16xf32, #tpu.memory_space<vmem>>, vector<1x1x16xf32>,
        %get3A_470 = vector.shape_cast %get3A_469 : vector<1x1x16xf32> to vector<16xf32>
        %swap3A_471 = arith.index_cast %add3A_247 : i32 to index
        %swap3A_472 = arith.index_cast %multiple_of3A_451 : i32 to index
        %swap3A_473 = tpu.vector_load %arg11[%swap3A_471, %swap3A_472] {strides = array<i32>} : memref<16x128xf32, #tpu.memory_space<vmem>>, vector<1x16xf32>,
        %swap3A_474 = vector.shape_cast %swap3A_473 : vector<1x16xf32> to vector<16xf32>
        %swap3A_475 = vector.shape_cast %get3A_470 : vector<16xf32> to vector<1x16xf32>
        tpu.vector_store %arg11[%swap3A_471, %swap3A_472], %swap3A_475 {strides = array<i32>} : memref<16x128xf32, #tpu.memory_space<vmem>>, vector<1x16xf32>,
        %mul3A_476 = arith.constant 8 : i32
        %mul3A_477 = arith.muli %add3A_247, %mul3A_476 : i32
        %add3A_478 = arith.constant 5 : i32
        %add3A_479 = arith.addi %mul3A_477, %add3A_478 : i32
        %jit3A_480 = arith.constant 8 : i32
        %eq3A_481 = arith.constant 0 : i32
        %eq3A_482 = arith.cmpi eq, %jit3A_480, %eq3A_481 : i32
        %jit3A_483 = arith.constant 1 : i32
        %select_n3A_484 = arith.select %eq3A_482, %jit3A_483, %jit3A_480 : i32
        %rem3A_485 = arith.remsi %add3A_479, %select_n3A_484 : i32
        %ne3A_486 = arith.constant 0 : i32
        %ne3A_487 = arith.cmpi ne, %rem3A_485, %ne3A_486 : i32
        %lt3A_488 = arith.constant 0 : i32
        %lt3A_489 = arith.cmpi slt, %rem3A_485, %lt3A_488 : i32
        %lt3A_490 = arith.constant 0 : i32
        %lt3A_491 = arith.cmpi slt, %select_n3A_484, %lt3A_490 : i32
        %ne3A_492 = arith.xori %lt3A_489, %lt3A_491 : i1
        %and3A_493 = arith.andi %ne3A_492, %ne3A_487 : i1
        %add3A_494 = arith.addi %rem3A_485, %select_n3A_484 : i32
        %select_n3A_495 = arith.select %and3A_493, %add3A_494, %rem3A_485 : i32
        %mul3A_496 = arith.constant 16 : i32
        %mul3A_497 = arith.muli %select_n3A_495, %mul3A_496 : i32
        %multiple_of3A_498 = tpu.assume_multiple %mul3A_497, 16 : i32
        %get3A_499 = arith.index_cast %rem3A_207 : i32 to index
        %get3A_500 = arith.index_cast %add3A_479 : i32 to index
        %get3A_501 = arith.constant 0 : index
        %get3A_502 = tpu.vector_load %arg8[%get3A_499, %get3A_500, %get3A_501] {strides = array<i32>} : memref<2x128x16xi32, #tpu.memory_space<vmem>>, vector<1x1x16xi32>,
        %get3A_503 = vector.shape_cast %get3A_502 : vector<1x1x16xi32> to vector<16xi32>
        %mul3A_504 = arith.constant 16 : i32
        %mul3A_505 = vector.broadcast %mul3A_504 : i32 to vector<16xi32>
        %mul3A_506 = arith.muli %get3A_503, %mul3A_505 : vector<16xi32>
        %add3A_507 = arith.addi %mul3A_506, %iota3A : vector<16xi32>
        %swap3A_508 = arith.index_cast %add3A_247 : i32 to index
        %swap3A_509 = arith.index_cast %multiple_of3A_498 : i32 to index
        %swap3A_510 = tpu.vector_load %arg10[%swap3A_508, %swap3A_509] {strides = array<i32>} : memref<16x128xi32, #tpu.memory_space<vmem>>, vector<1x16xi32>,
        %swap3A_511 = vector.shape_cast %swap3A_510 : vector<1x16xi32> to vector<16xi32>
        %swap3A_512 = vector.shape_cast %add3A_507 : vector<16xi32> to vector<1x16xi32>
        tpu.vector_store %arg10[%swap3A_508, %swap3A_509], %swap3A_512 {strides = array<i32>} : memref<16x128xi32, #tpu.memory_space<vmem>>, vector<1x16xi32>,
        %get3A_513 = arith.index_cast %rem3A_207 : i32 to index
        %get3A_514 = arith.index_cast %add3A_479 : i32 to index
        %get3A_515 = arith.constant 0 : index
        %get3A_516 = tpu.vector_load %arg9[%get3A_513, %get3A_514, %get3A_515] {strides = array<i32>} : memref<2x128x16xf32, #tpu.memory_space<vmem>>, vector<1x1x16xf32>,
        %get3A_517 = vector.shape_cast %get3A_516 : vector<1x1x16xf32> to vector<16xf32>
        %swap3A_518 = arith.index_cast %add3A_247 : i32 to index
        %swap3A_519 = arith.index_cast %multiple_of3A_498 : i32 to index
        %swap3A_520 = tpu.vector_load %arg11[%swap3A_518, %swap3A_519] {strides = array<i32>} : memref<16x128xf32, #tpu.memory_space<vmem>>, vector<1x16xf32>,
        %swap3A_521 = vector.shape_cast %swap3A_520 : vector<1x16xf32> to vector<16xf32>
        %swap3A_522 = vector.shape_cast %get3A_517 : vector<16xf32> to vector<1x16xf32>
        tpu.vector_store %arg11[%swap3A_518, %swap3A_519], %swap3A_522 {strides = array<i32>} : memref<16x128xf32, #tpu.memory_space<vmem>>, vector<1x16xf32>,
        %mul3A_523 = arith.constant 8 : i32
        %mul3A_524 = arith.muli %add3A_247, %mul3A_523 : i32
        %add3A_525 = arith.constant 6 : i32
        %add3A_526 = arith.addi %mul3A_524, %add3A_525 : i32
        %jit3A_527 = arith.constant 8 : i32
        %eq3A_528 = arith.constant 0 : i32
        %eq3A_529 = arith.cmpi eq, %jit3A_527, %eq3A_528 : i32
        %jit3A_530 = arith.constant 1 : i32
        %select_n3A_531 = arith.select %eq3A_529, %jit3A_530, %jit3A_527 : i32
        %rem3A_532 = arith.remsi %add3A_526, %select_n3A_531 : i32
        %ne3A_533 = arith.constant 0 : i32
        %ne3A_534 = arith.cmpi ne, %rem3A_532, %ne3A_533 : i32
        %lt3A_535 = arith.constant 0 : i32
        %lt3A_536 = arith.cmpi slt, %rem3A_532, %lt3A_535 : i32
        %lt3A_537 = arith.constant 0 : i32
        %lt3A_538 = arith.cmpi slt, %select_n3A_531, %lt3A_537 : i32
        %ne3A_539 = arith.xori %lt3A_536, %lt3A_538 : i1
        %and3A_540 = arith.andi %ne3A_539, %ne3A_534 : i1
        %add3A_541 = arith.addi %rem3A_532, %select_n3A_531 : i32
        %select_n3A_542 = arith.select %and3A_540, %add3A_541, %rem3A_532 : i32
        %mul3A_543 = arith.constant 16 : i32
        %mul3A_544 = arith.muli %select_n3A_542, %mul3A_543 : i32
        %multiple_of3A_545 = tpu.assume_multiple %mul3A_544, 16 : i32
        %get3A_546 = arith.index_cast %rem3A_207 : i32 to index
        %get3A_547 = arith.index_cast %add3A_526 : i32 to index
        %get3A_548 = arith.constant 0 : index
        %get3A_549 = tpu.vector_load %arg8[%get3A_546, %get3A_547, %get3A_548] {strides = array<i32>} : memref<2x128x16xi32, #tpu.memory_space<vmem>>, vector<1x1x16xi32>,
        %get3A_550 = vector.shape_cast %get3A_549 : vector<1x1x16xi32> to vector<16xi32>
        %mul3A_551 = arith.constant 16 : i32
        %mul3A_552 = vector.broadcast %mul3A_551 : i32 to vector<16xi32>
        %mul3A_553 = arith.muli %get3A_550, %mul3A_552 : vector<16xi32>
        %add3A_554 = arith.addi %mul3A_553, %iota3A : vector<16xi32>
        %swap3A_555 = arith.index_cast %add3A_247 : i32 to index
        %swap3A_556 = arith.index_cast %multiple_of3A_545 : i32 to index
        %swap3A_557 = tpu.vector_load %arg10[%swap3A_555, %swap3A_556] {strides = array<i32>} : memref<16x128xi32, #tpu.memory_space<vmem>>, vector<1x16xi32>,
        %swap3A_558 = vector.shape_cast %swap3A_557 : vector<1x16xi32> to vector<16xi32>
        %swap3A_559 = vector.shape_cast %add3A_554 : vector<16xi32> to vector<1x16xi32>
        tpu.vector_store %arg10[%swap3A_555, %swap3A_556], %swap3A_559 {strides = array<i32>} : memref<16x128xi32, #tpu.memory_space<vmem>>, vector<1x16xi32>,
        %get3A_560 = arith.index_cast %rem3A_207 : i32 to index
        %get3A_561 = arith.index_cast %add3A_526 : i32 to index
        %get3A_562 = arith.constant 0 : index
        %get3A_563 = tpu.vector_load %arg9[%get3A_560, %get3A_561, %get3A_562] {strides = array<i32>} : memref<2x128x16xf32, #tpu.memory_space<vmem>>, vector<1x1x16xf32>,
        %get3A_564 = vector.shape_cast %get3A_563 : vector<1x1x16xf32> to vector<16xf32>
        %swap3A_565 = arith.index_cast %add3A_247 : i32 to index
        %swap3A_566 = arith.index_cast %multiple_of3A_545 : i32 to index
        %swap3A_567 = tpu.vector_load %arg11[%swap3A_565, %swap3A_566] {strides = array<i32>} : memref<16x128xf32, #tpu.memory_space<vmem>>, vector<1x16xf32>,
        %swap3A_568 = vector.shape_cast %swap3A_567 : vector<1x16xf32> to vector<16xf32>
        %swap3A_569 = vector.shape_cast %get3A_564 : vector<16xf32> to vector<1x16xf32>
        tpu.vector_store %arg11[%swap3A_565, %swap3A_566], %swap3A_569 {strides = array<i32>} : memref<16x128xf32, #tpu.memory_space<vmem>>, vector<1x16xf32>,
        %mul3A_570 = arith.constant 8 : i32
        %mul3A_571 = arith.muli %add3A_247, %mul3A_570 : i32
        %add3A_572 = arith.constant 7 : i32
        %add3A_573 = arith.addi %mul3A_571, %add3A_572 : i32
        %jit3A_574 = arith.constant 8 : i32
        %eq3A_575 = arith.constant 0 : i32
        %eq3A_576 = arith.cmpi eq, %jit3A_574, %eq3A_575 : i32
        %jit3A_577 = arith.constant 1 : i32
        %select_n3A_578 = arith.select %eq3A_576, %jit3A_577, %jit3A_574 : i32
        %rem3A_579 = arith.remsi %add3A_573, %select_n3A_578 : i32
        %ne3A_580 = arith.constant 0 : i32
        %ne3A_581 = arith.cmpi ne, %rem3A_579, %ne3A_580 : i32
        %lt3A_582 = arith.constant 0 : i32
        %lt3A_583 = arith.cmpi slt, %rem3A_579, %lt3A_582 : i32
        %lt3A_584 = arith.constant 0 : i32
        %lt3A_585 = arith.cmpi slt, %select_n3A_578, %lt3A_584 : i32
        %ne3A_586 = arith.xori %lt3A_583, %lt3A_585 : i1
        %and3A_587 = arith.andi %ne3A_586, %ne3A_581 : i1
        %add3A_588 = arith.addi %rem3A_579, %select_n3A_578 : i32
        %select_n3A_589 = arith.select %and3A_587, %add3A_588, %rem3A_579 : i32
        %mul3A_590 = arith.constant 16 : i32
        %mul3A_591 = arith.muli %select_n3A_589, %mul3A_590 : i32
        %multiple_of3A_592 = tpu.assume_multiple %mul3A_591, 16 : i32
        %get3A_593 = arith.index_cast %rem3A_207 : i32 to index
        %get3A_594 = arith.index_cast %add3A_573 : i32 to index
        %get3A_595 = arith.constant 0 : index
        %get3A_596 = tpu.vector_load %arg8[%get3A_593, %get3A_594, %get3A_595] {strides = array<i32>} : memref<2x128x16xi32, #tpu.memory_space<vmem>>, vector<1x1x16xi32>,
        %get3A_597 = vector.shape_cast %get3A_596 : vector<1x1x16xi32> to vector<16xi32>
        %mul3A_598 = arith.constant 16 : i32
        %mul3A_599 = vector.broadcast %mul3A_598 : i32 to vector<16xi32>
        %mul3A_600 = arith.muli %get3A_597, %mul3A_599 : vector<16xi32>
        %add3A_601 = arith.addi %mul3A_600, %iota3A : vector<16xi32>
        %swap3A_602 = arith.index_cast %add3A_247 : i32 to index
        %swap3A_603 = arith.index_cast %multiple_of3A_592 : i32 to index
        %swap3A_604 = tpu.vector_load %arg10[%swap3A_602, %swap3A_603] {strides = array<i32>} : memref<16x128xi32, #tpu.memory_space<vmem>>, vector<1x16xi32>,
        %swap3A_605 = vector.shape_cast %swap3A_604 : vector<1x16xi32> to vector<16xi32>
        %swap3A_606 = vector.shape_cast %add3A_601 : vector<16xi32> to vector<1x16xi32>
        tpu.vector_store %arg10[%swap3A_602, %swap3A_603], %swap3A_606 {strides = array<i32>} : memref<16x128xi32, #tpu.memory_space<vmem>>, vector<1x16xi32>,
        %get3A_607 = arith.index_cast %rem3A_207 : i32 to index
        %get3A_608 = arith.index_cast %add3A_573 : i32 to index
        %get3A_609 = arith.constant 0 : index
        %get3A_610 = tpu.vector_load %arg9[%get3A_607, %get3A_608, %get3A_609] {strides = array<i32>} : memref<2x128x16xf32, #tpu.memory_space<vmem>>, vector<1x1x16xf32>,
        %get3A_611 = vector.shape_cast %get3A_610 : vector<1x1x16xf32> to vector<16xf32>
        %swap3A_612 = arith.index_cast %add3A_247 : i32 to index
        %swap3A_613 = arith.index_cast %multiple_of3A_592 : i32 to index
        %swap3A_614 = tpu.vector_load %arg11[%swap3A_612, %swap3A_613] {strides = array<i32>} : memref<16x128xf32, #tpu.memory_space<vmem>>, vector<1x16xf32>,
        %swap3A_615 = vector.shape_cast %swap3A_614 : vector<1x16xf32> to vector<16xf32>
        %swap3A_616 = vector.shape_cast %get3A_611 : vector<16xf32> to vector<1x16xf32>
        tpu.vector_store %arg11[%swap3A_612, %swap3A_613], %swap3A_616 {strides = array<i32>} : memref<16x128xf32, #tpu.memory_space<vmem>>, vector<1x16xf32>,
      }
      %scan3A_235 = arith.constant 16 : i32
      %scan3A_236 = arith.constant 0 : i32
      %scan3A_237 = arith.constant 16 : i32
      %scan3A_238 = arith.addi %scan3A_236, %scan3A_237 : i32
      %scan3A_239 = arith.constant 1 : i32
      scf.for %scan3A_243 = %scan3A_236 to %scan3A_238 step %scan3A_239  : i32 {
        %mul3A_244 = arith.constant 1 : i32
        %mul3A_245 = arith.muli %scan3A_243, %mul3A_244 : i32
        %add3A_246 = arith.constant 0 : i32
        %add3A_247 = arith.addi %add3A_246, %mul3A_245 : i32
        %dma_start3A_248 = arith.constant 0 : i32
        %dma_start3A_249 = tpu.memref_slice %arg11[%add3A_247, %dma_start3A_248] : memref<16x128xf32, #tpu.memory_space<vmem>> -> memref<1x128xf32, #tpu.memory_space<vmem>>
        %dma_start3A_250 = tpu.memref_squeeze %dma_start3A_249 : memref<1x128xf32, #tpu.memory_space<vmem>> -> memref<128xf32, #tpu.memory_space<vmem>>
        %dma_start3A_251 = arith.constant 0 : i32
        %dma_start3A_252 = tpu.memref_slice %arg10[%add3A_247, %dma_start3A_251] : memref<16x128xi32, #tpu.memory_space<vmem>> -> memref<1x128xi32, #tpu.memory_space<vmem>>
        %dma_start3A_253 = tpu.memref_squeeze %dma_start3A_252 : memref<1x128xi32, #tpu.memory_space<vmem>> -> memref<128xi32, #tpu.memory_space<vmem>>
        %dma_start3A_254 = arith.constant 0 : i32
        %dma_start3A_255 = tpu.memref_slice %arg7[%dma_start3A_254] : memref<1600000xf32, #tpu.memory_space<vmem_shared>> -> memref<1600000xf32, #tpu.memory_space<vmem_shared>>
        tpu.enqueue_indirect_dma source(%dma_start3A_250 : memref<128xf32, #tpu.memory_space<vmem>>) target(%dma_start3A_255 : memref<1600000xf32, #tpu.memory_space<vmem_shared>>) offsets(%dma_start3A_253 : memref<128xi32, #tpu.memory_space<vmem>>) semaphore(%arg15 : memref<!tpu.dma_semaphore, #tpu.memory_space<semaphore_mem>>) {add = true}
        %dma_wait3A_256 = arith.constant 0 : i32
        %dma_wait3A_257 = tpu.memref_slice %arg11[%add3A_247, %dma_wait3A_256] : memref<16x128xf32, #tpu.memory_space<vmem>> -> memref<1x128xf32, #tpu.memory_space<vmem>>
        %dma_wait3A_258 = tpu.memref_squeeze %dma_wait3A_257 : memref<1x128xf32, #tpu.memory_space<vmem>> -> memref<128xf32, #tpu.memory_space<vmem>>
        %dma_wait3A_259 = arith.constant 0 : i32
        %dma_wait3A_260 = tpu.memref_slice %arg10[%add3A_247, %dma_wait3A_259] : memref<16x128xi32, #tpu.memory_space<vmem>> -> memref<1x128xi32, #tpu.memory_space<vmem>>
        %dma_wait3A_261 = tpu.memref_squeeze %dma_wait3A_260 : memref<1x128xi32, #tpu.memory_space<vmem>> -> memref<128xi32, #tpu.memory_space<vmem>>
        %dma_wait3A_262 = arith.constant 0 : i32
        %dma_wait3A_263 = tpu.memref_slice %arg7[%dma_wait3A_262] : memref<1600000xf32, #tpu.memory_space<vmem_shared>> -> memref<1600000xf32, #tpu.memory_space<vmem_shared>>
        tpu.wait_indirect_dma semaphore(%arg15 : memref<!tpu.dma_semaphore, #tpu.memory_space<semaphore_mem>>) src(%dma_wait3A_258 : memref<128xf32, #tpu.memory_space<vmem>>) dst(%dma_wait3A_263 : memref<1600000xf32, #tpu.memory_space<vmem_shared>>)
      }
      %scan3A_240 = arith.constant 16 : i32
      %lt3A = arith.constant 7 : i32
      %lt3A_241 = arith.cmpi slt, %add3A_206, %lt3A : i32
      %convert_element_type3A = arith.extui %lt3A_241 : i1 to i32
      %cond3A = arith.constant 0 : i32
      %cond3A_242 = arith.cmpi ne, %convert_element_type3A, %cond3A : i32
      scf.if %cond3A_242 {
        %add3A_243 = arith.constant 1 : i32
        %add3A_244 = arith.addi %add3A_206, %add3A_243 : i32
        %sub3A = arith.constant 1 : i32
        %sub3A_245 = arith.subi %sub3A, %rem3A_207 : i32
        %mul3A_246 = arith.constant 1024 : i32
        %mul3A_247 = arith.muli %arg1, %mul3A_246 : i32
        %mul3A_248 = arith.constant 128 : i32
        %mul3A_249 = arith.muli %add3A_244, %mul3A_248 : i32
        %add3A_250 = arith.addi %mul3A_247, %mul3A_249 : i32
        %dma_start3A_251 = arith.constant 0 : i32
        %dma_start3A_252 = arith.constant 0 : i32
        %dma_start3A_253 = tpu.memref_slice %arg8[%sub3A_245, %dma_start3A_251, %dma_start3A_252] : memref<2x128x16xi32, #tpu.memory_space<vmem>> -> memref<1x128x16xi32, #tpu.memory_space<vmem>>
        %dma_start3A_254 = tpu.memref_squeeze %dma_start3A_253 : memref<1x128x16xi32, #tpu.memory_space<vmem>> -> memref<128x16xi32, #tpu.memory_space<vmem>>
        %dma_start3A_255 = tpu.memref_slice %arg2[%add3A_250, %multiple_of3A_10] : memref<16384x64xi32, #tpu.memory_space<hbm>> -> memref<128x16xi32, #tpu.memory_space<hbm>>
        %dma_start3A_256 = arith.constant 0 : i32
        %dma_start3A_257 = arith.constant 0 : i32
        %dma_start3A_258 = tpu.memref_slice %arg8[%sub3A_245, %dma_start3A_256, %dma_start3A_257] : memref<2x128x16xi32, #tpu.memory_space<vmem>> -> memref<1x128x16xi32, #tpu.memory_space<vmem>>
        %dma_start3A_259 = tpu.memref_squeeze %dma_start3A_258 : memref<1x128x16xi32, #tpu.memory_space<vmem>> -> memref<128x16xi32, #tpu.memory_space<vmem>>
        %dma_start3A_260 = tpu.memref_slice %arg2[%add3A_250, %multiple_of3A_10] : memref<16384x64xi32, #tpu.memory_space<hbm>> -> memref<128x16xi32, #tpu.memory_space<hbm>>
        tpu.enqueue_dma source(%dma_start3A_260 : memref<128x16xi32, #tpu.memory_space<hbm>>) target(%dma_start3A_259 : memref<128x16xi32, #tpu.memory_space<vmem>>) target_semaphore(%arg13 : memref<!tpu.dma_semaphore, #tpu.memory_space<semaphore_mem>>)
        %dma_start3A_261 = arith.constant 0 : i32
        %dma_start3A_262 = arith.constant 0 : i32
        %dma_start3A_263 = tpu.memref_slice %arg9[%sub3A_245, %dma_start3A_261, %dma_start3A_262] : memref<2x128x16xf32, #tpu.memory_space<vmem>> -> memref<1x128x16xf32, #tpu.memory_space<vmem>>
        %dma_start3A_264 = tpu.memref_squeeze %dma_start3A_263 : memref<1x128x16xf32, #tpu.memory_space<vmem>> -> memref<128x16xf32, #tpu.memory_space<vmem>>
        %dma_start3A_265 = tpu.memref_slice %arg4[%add3A_250, %multiple_of3A_10] : memref<16384x64xf32, #tpu.memory_space<hbm>> -> memref<128x16xf32, #tpu.memory_space<hbm>>
        %dma_start3A_266 = arith.constant 0 : i32
        %dma_start3A_267 = arith.constant 0 : i32
        %dma_start3A_268 = tpu.memref_slice %arg9[%sub3A_245, %dma_start3A_266, %dma_start3A_267] : memref<2x128x16xf32, #tpu.memory_space<vmem>> -> memref<1x128x16xf32, #tpu.memory_space<vmem>>
        %dma_start3A_269 = tpu.memref_squeeze %dma_start3A_268 : memref<1x128x16xf32, #tpu.memory_space<vmem>> -> memref<128x16xf32, #tpu.memory_space<vmem>>
        %dma_start3A_270 = tpu.memref_slice %arg4[%add3A_250, %multiple_of3A_10] : memref<16384x64xf32, #tpu.memory_space<hbm>> -> memref<128x16xf32, #tpu.memory_space<hbm>>
        tpu.enqueue_dma source(%dma_start3A_270 : memref<128x16xf32, #tpu.memory_space<hbm>>) target(%dma_start3A_269 : memref<128x16xf32, #tpu.memory_space<vmem>>) target_semaphore(%arg14 : memref<!tpu.dma_semaphore, #tpu.memory_space<semaphore_mem>>)
      } else {
      }
    }
    %scan3A_50 = arith.constant 8 : i32
    %barrier3A_51 = arith.constant 0 : index
    tpu.barrier barrier_id(%barrier3A_51)
    "tpu.region"() ({
      %run_scoped3A = tpu.sem_alloc : memref<!tpu.dma_semaphore, #tpu.memory_space<semaphore_mem>>
      %dma_start3A_202 = tpu.memref_slice %arg5[%add3A_7, %multiple_of3A] : memref<4x1600000xf32, #tpu.memory_space<hbm>> -> memref<1x100000xf32, #tpu.memory_space<hbm>>
      %dma_start3A_203 = tpu.memref_squeeze %dma_start3A_202 : memref<1x100000xf32, #tpu.memory_space<hbm>> -> memref<100000xf32, #tpu.memory_space<hbm>>
      %dma_start3A_204 = tpu.memref_slice %arg7[%multiple_of3A] : memref<1600000xf32, #tpu.memory_space<vmem_shared>> -> memref<100000xf32, #tpu.memory_space<vmem_shared>>
      tpu.enqueue_dma source(%dma_start3A_204 : memref<100000xf32, #tpu.memory_space<vmem_shared>>) target(%dma_start3A_203 : memref<100000xf32, #tpu.memory_space<hbm>>) target_semaphore(%run_scoped3A : memref<!tpu.dma_semaphore, #tpu.memory_space<semaphore_mem>>)
      %dma_wait3A = tpu.memref_slice %arg5[%add3A_7, %multiple_of3A] : memref<4x1600000xf32, #tpu.memory_space<hbm>> -> memref<1x100000xf32, #tpu.memory_space<hbm>>
      %dma_wait3A_205 = tpu.memref_squeeze %dma_wait3A : memref<1x100000xf32, #tpu.memory_space<hbm>> -> memref<100000xf32, #tpu.memory_space<hbm>>
      %dma_wait3A_206 = tpu.memref_slice %arg7[%multiple_of3A] : memref<1600000xf32, #tpu.memory_space<vmem_shared>> -> memref<100000xf32, #tpu.memory_space<vmem_shared>>
      tpu.wait_dma2 semaphore(%run_scoped3A : memref<!tpu.dma_semaphore, #tpu.memory_space<semaphore_mem>>) src(%dma_wait3A_206 : memref<100000xf32, #tpu.memory_space<vmem_shared>>) dst(%dma_wait3A_205 : memref<100000xf32, #tpu.memory_space<hbm>>)
      tpu.yield
    }) : () -> ()
    %mul3A_52 = arith.constant 2 : i32
    %mul3A_53 = arith.muli %arg0, %mul3A_52 : i32
    %add3A_54 = arith.constant 1 : i32
    %add3A_55 = arith.addi %mul3A_53, %add3A_54 : i32
    %mul3A_56 = arith.constant 16 : i32
    %mul3A_57 = arith.muli %add3A_55, %mul3A_56 : i32
    %multiple_of3A_58 = tpu.assume_multiple %mul3A_57, 16 : i32
    %scan3A_59 = arith.constant 0 : i32
    %scan3A_60 = arith.constant 40 : i32
    %scan3A_61 = arith.addi %scan3A_59, %scan3A_60 : i32
    %scan3A_62 = arith.constant 1 : i32
    scf.for %scan3A_202 = %scan3A_59 to %scan3A_61 step %scan3A_62  : i32 {
      %mul3A_203 = arith.constant 1 : i32
      %mul3A_204 = arith.muli %scan3A_202, %mul3A_203 : i32
      %add3A_205 = arith.constant 0 : i32
      %add3A_206 = arith.addi %add3A_205, %mul3A_204 : i32
      %mul3A_207 = arith.constant 2500 : i32
      %mul3A_208 = arith.muli %add3A_206, %mul3A_207 : i32
      %add3A_209 = arith.addi %multiple_of3A, %mul3A_208 : i32
      %multiple_of3A_210 = tpu.assume_multiple %add3A_209, 8 : i32
      %dma_start3A_211 = tpu.memref_slice %arg7[%multiple_of3A_210] : memref<1600000xf32, #tpu.memory_space<vmem_shared>> -> memref<2500xf32, #tpu.memory_space<vmem_shared>>
      %dma_start3A_212 = tpu.memref_slice %arg7[%multiple_of3A_210] : memref<1600000xf32, #tpu.memory_space<vmem_shared>> -> memref<2500xf32, #tpu.memory_space<vmem_shared>>
      tpu.enqueue_dma source(%arg12 : memref<2500xf32, #tpu.memory_space<vmem>>) target(%dma_start3A_212 : memref<2500xf32, #tpu.memory_space<vmem_shared>>) target_semaphore(%arg16 : memref<!tpu.dma_semaphore, #tpu.memory_space<semaphore_mem>>)
    }
    %scan3A_63 = arith.constant 40 : i32
    %mul3A_64 = arith.constant 1024 : i32
    %mul3A_65 = arith.muli %arg1, %mul3A_64 : i32
    %add3A_66 = arith.constant 0 : i32
    %add3A_67 = arith.addi %mul3A_65, %add3A_66 : i32
    %dma_start3A_68 = arith.constant 0 : i32
    %dma_start3A_69 = arith.constant 0 : i32
    %dma_start3A_70 = arith.constant 0 : i32
    %dma_start3A_71 = tpu.memref_slice %arg8[%dma_start3A_68, %dma_start3A_69, %dma_start3A_70] : memref<2x128x16xi32, #tpu.memory_space<vmem>> -> memref<1x128x16xi32, #tpu.memory_space<vmem>>
    %dma_start3A_72 = tpu.memref_squeeze %dma_start3A_71 : memref<1x128x16xi32, #tpu.memory_space<vmem>> -> memref<128x16xi32, #tpu.memory_space<vmem>>
    %dma_start3A_73 = tpu.memref_slice %arg2[%add3A_67, %multiple_of3A_58] : memref<16384x64xi32, #tpu.memory_space<hbm>> -> memref<128x16xi32, #tpu.memory_space<hbm>>
    %dma_start3A_74 = arith.constant 0 : i32
    %dma_start3A_75 = arith.constant 0 : i32
    %dma_start3A_76 = tpu.memref_slice %arg8[%dma_start3A_68, %dma_start3A_74, %dma_start3A_75] : memref<2x128x16xi32, #tpu.memory_space<vmem>> -> memref<1x128x16xi32, #tpu.memory_space<vmem>>
    %dma_start3A_77 = tpu.memref_squeeze %dma_start3A_76 : memref<1x128x16xi32, #tpu.memory_space<vmem>> -> memref<128x16xi32, #tpu.memory_space<vmem>>
    %dma_start3A_78 = tpu.memref_slice %arg2[%add3A_67, %multiple_of3A_58] : memref<16384x64xi32, #tpu.memory_space<hbm>> -> memref<128x16xi32, #tpu.memory_space<hbm>>
    tpu.enqueue_dma source(%dma_start3A_78 : memref<128x16xi32, #tpu.memory_space<hbm>>) target(%dma_start3A_77 : memref<128x16xi32, #tpu.memory_space<vmem>>) target_semaphore(%arg13 : memref<!tpu.dma_semaphore, #tpu.memory_space<semaphore_mem>>)
    %dma_start3A_79 = arith.constant 0 : i32
    %dma_start3A_80 = arith.constant 0 : i32
    %dma_start3A_81 = arith.constant 0 : i32
    %dma_start3A_82 = tpu.memref_slice %arg9[%dma_start3A_79, %dma_start3A_80, %dma_start3A_81] : memref<2x128x16xf32, #tpu.memory_space<vmem>> -> memref<1x128x16xf32, #tpu.memory_space<vmem>>
    %dma_start3A_83 = tpu.memref_squeeze %dma_start3A_82 : memref<1x128x16xf32, #tpu.memory_space<vmem>> -> memref<128x16xf32, #tpu.memory_space<vmem>>
    %dma_start3A_84 = tpu.memref_slice %arg4[%add3A_67, %multiple_of3A_58] : memref<16384x64xf32, #tpu.memory_space<hbm>> -> memref<128x16xf32, #tpu.memory_space<hbm>>
    %dma_start3A_85 = arith.constant 0 : i32
    %dma_start3A_86 = arith.constant 0 : i32
    %dma_start3A_87 = tpu.memref_slice %arg9[%dma_start3A_79, %dma_start3A_85, %dma_start3A_86] : memref<2x128x16xf32, #tpu.memory_space<vmem>> -> memref<1x128x16xf32, #tpu.memory_space<vmem>>
    %dma_start3A_88 = tpu.memref_squeeze %dma_start3A_87 : memref<1x128x16xf32, #tpu.memory_space<vmem>> -> memref<128x16xf32, #tpu.memory_space<vmem>>
    %dma_start3A_89 = tpu.memref_slice %arg4[%add3A_67, %multiple_of3A_58] : memref<16384x64xf32, #tpu.memory_space<hbm>> -> memref<128x16xf32, #tpu.memory_space<hbm>>
    tpu.enqueue_dma source(%dma_start3A_89 : memref<128x16xf32, #tpu.memory_space<hbm>>) target(%dma_start3A_88 : memref<128x16xf32, #tpu.memory_space<vmem>>) target_semaphore(%arg14 : memref<!tpu.dma_semaphore, #tpu.memory_space<semaphore_mem>>)
    %scan3A_90 = arith.constant 0 : i32
    %scan3A_91 = arith.constant 40 : i32
    %scan3A_92 = arith.addi %scan3A_90, %scan3A_91 : i32
    %scan3A_93 = arith.constant 1 : i32
    scf.for %scan3A_202 = %scan3A_90 to %scan3A_92 step %scan3A_93  : i32 {
      %mul3A_203 = arith.constant 1 : i32
      %mul3A_204 = arith.muli %scan3A_202, %mul3A_203 : i32
      %add3A_205 = arith.constant 0 : i32
      %add3A_206 = arith.addi %add3A_205, %mul3A_204 : i32
      %mul3A_207 = arith.constant 2500 : i32
      %mul3A_208 = arith.muli %add3A_206, %mul3A_207 : i32
      %add3A_209 = arith.addi %multiple_of3A, %mul3A_208 : i32
      %multiple_of3A_210 = tpu.assume_multiple %add3A_209, 8 : i32
      %dma_wait3A = tpu.memref_slice %arg7[%multiple_of3A_210] : memref<1600000xf32, #tpu.memory_space<vmem_shared>> -> memref<2500xf32, #tpu.memory_space<vmem_shared>>
      %dma_wait3A_211 = tpu.memref_slice %arg7[%multiple_of3A_210] : memref<1600000xf32, #tpu.memory_space<vmem_shared>> -> memref<2500xf32, #tpu.memory_space<vmem_shared>>
      tpu.wait_dma2 semaphore(%arg16 : memref<!tpu.dma_semaphore, #tpu.memory_space<semaphore_mem>>) src(%arg12 : memref<2500xf32, #tpu.memory_space<vmem>>) dst(%dma_wait3A_211 : memref<2500xf32, #tpu.memory_space<vmem_shared>>)
    }
    %scan3A_94 = arith.constant 40 : i32
    %barrier3A_95 = arith.constant 0 : index
    tpu.barrier barrier_id(%barrier3A_95)
    %scan3A_96 = arith.constant 0 : i32
    %scan3A_97 = arith.constant 8 : i32
    %scan3A_98 = arith.addi %scan3A_96, %scan3A_97 : i32
    %scan3A_99 = arith.constant 1 : i32
    scf.for %scan3A_202 = %scan3A_96 to %scan3A_98 step %scan3A_99  : i32 {
      %mul3A_203 = arith.constant 1 : i32
      %mul3A_204 = arith.muli %scan3A_202, %mul3A_203 : i32
      %add3A_205 = arith.constant 0 : i32
      %add3A_206 = arith.addi %add3A_205, %mul3A_204 : i32
      %rem3A = arith.constant 2 : i32
      %rem3A_207 = arith.remsi %add3A_206, %rem3A : i32
      %dma_wait3A = arith.constant 0 : i32
      %dma_wait3A_208 = arith.constant 0 : i32
      %dma_wait3A_209 = tpu.memref_slice %arg8[%rem3A_207, %dma_wait3A, %dma_wait3A_208] : memref<2x128x16xi32, #tpu.memory_space<vmem>> -> memref<1x128x16xi32, #tpu.memory_space<vmem>>
      %dma_wait3A_210 = tpu.memref_squeeze %dma_wait3A_209 : memref<1x128x16xi32, #tpu.memory_space<vmem>> -> memref<128x16xi32, #tpu.memory_space<vmem>>
      %dma_wait3A_211 = arith.constant 0 : i32
      %dma_wait3A_212 = tpu.memref_slice %arg2[%dma_wait3A_211, %multiple_of3A_58] : memref<16384x64xi32, #tpu.memory_space<hbm>> -> memref<128x16xi32, #tpu.memory_space<hbm>>
      %dma_wait3A_213 = arith.constant 0 : i32
      %dma_wait3A_214 = arith.constant 0 : i32
      %dma_wait3A_215 = tpu.memref_slice %arg8[%rem3A_207, %dma_wait3A_213, %dma_wait3A_214] : memref<2x128x16xi32, #tpu.memory_space<vmem>> -> memref<1x128x16xi32, #tpu.memory_space<vmem>>
      %dma_wait3A_216 = tpu.memref_squeeze %dma_wait3A_215 : memref<1x128x16xi32, #tpu.memory_space<vmem>> -> memref<128x16xi32, #tpu.memory_space<vmem>>
      %dma_wait3A_217 = arith.constant 0 : i32
      %dma_wait3A_218 = tpu.memref_slice %arg2[%dma_wait3A_217, %multiple_of3A_58] : memref<16384x64xi32, #tpu.memory_space<hbm>> -> memref<128x16xi32, #tpu.memory_space<hbm>>
      tpu.wait_dma2 semaphore(%arg13 : memref<!tpu.dma_semaphore, #tpu.memory_space<semaphore_mem>>) src(%dma_wait3A_218 : memref<128x16xi32, #tpu.memory_space<hbm>>) dst(%dma_wait3A_216 : memref<128x16xi32, #tpu.memory_space<vmem>>)
      %dma_wait3A_219 = arith.constant 0 : i32
      %dma_wait3A_220 = arith.constant 0 : i32
      %dma_wait3A_221 = tpu.memref_slice %arg9[%rem3A_207, %dma_wait3A_219, %dma_wait3A_220] : memref<2x128x16xf32, #tpu.memory_space<vmem>> -> memref<1x128x16xf32, #tpu.memory_space<vmem>>
      %dma_wait3A_222 = tpu.memref_squeeze %dma_wait3A_221 : memref<1x128x16xf32, #tpu.memory_space<vmem>> -> memref<128x16xf32, #tpu.memory_space<vmem>>
      %dma_wait3A_223 = arith.constant 0 : i32
      %dma_wait3A_224 = tpu.memref_slice %arg4[%dma_wait3A_223, %multiple_of3A_58] : memref<16384x64xf32, #tpu.memory_space<hbm>> -> memref<128x16xf32, #tpu.memory_space<hbm>>
      %dma_wait3A_225 = arith.constant 0 : i32
      %dma_wait3A_226 = arith.constant 0 : i32
      %dma_wait3A_227 = tpu.memref_slice %arg9[%rem3A_207, %dma_wait3A_225, %dma_wait3A_226] : memref<2x128x16xf32, #tpu.memory_space<vmem>> -> memref<1x128x16xf32, #tpu.memory_space<vmem>>
      %dma_wait3A_228 = tpu.memref_squeeze %dma_wait3A_227 : memref<1x128x16xf32, #tpu.memory_space<vmem>> -> memref<128x16xf32, #tpu.memory_space<vmem>>
      %dma_wait3A_229 = arith.constant 0 : i32
      %dma_wait3A_230 = tpu.memref_slice %arg4[%dma_wait3A_229, %multiple_of3A_58] : memref<16384x64xf32, #tpu.memory_space<hbm>> -> memref<128x16xf32, #tpu.memory_space<hbm>>
      tpu.wait_dma2 semaphore(%arg14 : memref<!tpu.dma_semaphore, #tpu.memory_space<semaphore_mem>>) src(%dma_wait3A_230 : memref<128x16xf32, #tpu.memory_space<hbm>>) dst(%dma_wait3A_228 : memref<128x16xf32, #tpu.memory_space<vmem>>)
      %scan3A_231 = arith.constant 0 : i32
      %scan3A_232 = arith.constant 16 : i32
      %scan3A_233 = arith.addi %scan3A_231, %scan3A_232 : i32
      %scan3A_234 = arith.constant 1 : i32
      scf.for %scan3A_243 = %scan3A_231 to %scan3A_233 step %scan3A_234  : i32 {
        %mul3A_244 = arith.constant 1 : i32
        %mul3A_245 = arith.muli %scan3A_243, %mul3A_244 : i32
        %add3A_246 = arith.constant 0 : i32
        %add3A_247 = arith.addi %add3A_246, %mul3A_245 : i32
        %mul3A_248 = arith.constant 8 : i32
        %mul3A_249 = arith.muli %add3A_247, %mul3A_248 : i32
        %add3A_250 = arith.constant 0 : i32
        %add3A_251 = arith.addi %mul3A_249, %add3A_250 : i32
        %jit3A = arith.constant 8 : i32
        %eq3A = arith.constant 0 : i32
        %eq3A_252 = arith.cmpi eq, %jit3A, %eq3A : i32
        %jit3A_253 = arith.constant 1 : i32
        %select_n3A = arith.select %eq3A_252, %jit3A_253, %jit3A : i32
        %rem3A_254 = arith.remsi %add3A_251, %select_n3A : i32
        %ne3A = arith.constant 0 : i32
        %ne3A_255 = arith.cmpi ne, %rem3A_254, %ne3A : i32
        %lt3A_256 = arith.constant 0 : i32
        %lt3A_257 = arith.cmpi slt, %rem3A_254, %lt3A_256 : i32
        %lt3A_258 = arith.constant 0 : i32
        %lt3A_259 = arith.cmpi slt, %select_n3A, %lt3A_258 : i32
        %ne3A_260 = arith.xori %lt3A_257, %lt3A_259 : i1
        %and3A = arith.andi %ne3A_260, %ne3A_255 : i1
        %add3A_261 = arith.addi %rem3A_254, %select_n3A : i32
        %select_n3A_262 = arith.select %and3A, %add3A_261, %rem3A_254 : i32
        %mul3A_263 = arith.constant 16 : i32
        %mul3A_264 = arith.muli %select_n3A_262, %mul3A_263 : i32
        %multiple_of3A_265 = tpu.assume_multiple %mul3A_264, 16 : i32
        %get3A = arith.index_cast %rem3A_207 : i32 to index
        %get3A_266 = arith.index_cast %add3A_251 : i32 to index
        %get3A_267 = arith.constant 0 : index
        %get3A_268 = tpu.vector_load %arg8[%get3A, %get3A_266, %get3A_267] {strides = array<i32>} : memref<2x128x16xi32, #tpu.memory_space<vmem>>, vector<1x1x16xi32>,
        %get3A_269 = vector.shape_cast %get3A_268 : vector<1x1x16xi32> to vector<16xi32>
        %mul3A_270 = arith.constant 16 : i32
        %mul3A_271 = vector.broadcast %mul3A_270 : i32 to vector<16xi32>
        %mul3A_272 = arith.muli %get3A_269, %mul3A_271 : vector<16xi32>
        %add3A_273 = arith.addi %mul3A_272, %iota3A : vector<16xi32>
        %swap3A = arith.index_cast %add3A_247 : i32 to index
        %swap3A_274 = arith.index_cast %multiple_of3A_265 : i32 to index
        %swap3A_275 = tpu.vector_load %arg10[%swap3A, %swap3A_274] {strides = array<i32>} : memref<16x128xi32, #tpu.memory_space<vmem>>, vector<1x16xi32>,
        %swap3A_276 = vector.shape_cast %swap3A_275 : vector<1x16xi32> to vector<16xi32>
        %swap3A_277 = vector.shape_cast %add3A_273 : vector<16xi32> to vector<1x16xi32>
        tpu.vector_store %arg10[%swap3A, %swap3A_274], %swap3A_277 {strides = array<i32>} : memref<16x128xi32, #tpu.memory_space<vmem>>, vector<1x16xi32>,
        %get3A_278 = arith.index_cast %rem3A_207 : i32 to index
        %get3A_279 = arith.index_cast %add3A_251 : i32 to index
        %get3A_280 = arith.constant 0 : index
        %get3A_281 = tpu.vector_load %arg9[%get3A_278, %get3A_279, %get3A_280] {strides = array<i32>} : memref<2x128x16xf32, #tpu.memory_space<vmem>>, vector<1x1x16xf32>,
        %get3A_282 = vector.shape_cast %get3A_281 : vector<1x1x16xf32> to vector<16xf32>
        %swap3A_283 = arith.index_cast %add3A_247 : i32 to index
        %swap3A_284 = arith.index_cast %multiple_of3A_265 : i32 to index
        %swap3A_285 = tpu.vector_load %arg11[%swap3A_283, %swap3A_284] {strides = array<i32>} : memref<16x128xf32, #tpu.memory_space<vmem>>, vector<1x16xf32>,
        %swap3A_286 = vector.shape_cast %swap3A_285 : vector<1x16xf32> to vector<16xf32>
        %swap3A_287 = vector.shape_cast %get3A_282 : vector<16xf32> to vector<1x16xf32>
        tpu.vector_store %arg11[%swap3A_283, %swap3A_284], %swap3A_287 {strides = array<i32>} : memref<16x128xf32, #tpu.memory_space<vmem>>, vector<1x16xf32>,
        %mul3A_288 = arith.constant 8 : i32
        %mul3A_289 = arith.muli %add3A_247, %mul3A_288 : i32
        %add3A_290 = arith.constant 1 : i32
        %add3A_291 = arith.addi %mul3A_289, %add3A_290 : i32
        %jit3A_292 = arith.constant 8 : i32
        %eq3A_293 = arith.constant 0 : i32
        %eq3A_294 = arith.cmpi eq, %jit3A_292, %eq3A_293 : i32
        %jit3A_295 = arith.constant 1 : i32
        %select_n3A_296 = arith.select %eq3A_294, %jit3A_295, %jit3A_292 : i32
        %rem3A_297 = arith.remsi %add3A_291, %select_n3A_296 : i32
        %ne3A_298 = arith.constant 0 : i32
        %ne3A_299 = arith.cmpi ne, %rem3A_297, %ne3A_298 : i32
        %lt3A_300 = arith.constant 0 : i32
        %lt3A_301 = arith.cmpi slt, %rem3A_297, %lt3A_300 : i32
        %lt3A_302 = arith.constant 0 : i32
        %lt3A_303 = arith.cmpi slt, %select_n3A_296, %lt3A_302 : i32
        %ne3A_304 = arith.xori %lt3A_301, %lt3A_303 : i1
        %and3A_305 = arith.andi %ne3A_304, %ne3A_299 : i1
        %add3A_306 = arith.addi %rem3A_297, %select_n3A_296 : i32
        %select_n3A_307 = arith.select %and3A_305, %add3A_306, %rem3A_297 : i32
        %mul3A_308 = arith.constant 16 : i32
        %mul3A_309 = arith.muli %select_n3A_307, %mul3A_308 : i32
        %multiple_of3A_310 = tpu.assume_multiple %mul3A_309, 16 : i32
        %get3A_311 = arith.index_cast %rem3A_207 : i32 to index
        %get3A_312 = arith.index_cast %add3A_291 : i32 to index
        %get3A_313 = arith.constant 0 : index
        %get3A_314 = tpu.vector_load %arg8[%get3A_311, %get3A_312, %get3A_313] {strides = array<i32>} : memref<2x128x16xi32, #tpu.memory_space<vmem>>, vector<1x1x16xi32>,
        %get3A_315 = vector.shape_cast %get3A_314 : vector<1x1x16xi32> to vector<16xi32>
        %mul3A_316 = arith.constant 16 : i32
        %mul3A_317 = vector.broadcast %mul3A_316 : i32 to vector<16xi32>
        %mul3A_318 = arith.muli %get3A_315, %mul3A_317 : vector<16xi32>
        %add3A_319 = arith.addi %mul3A_318, %iota3A : vector<16xi32>
        %swap3A_320 = arith.index_cast %add3A_247 : i32 to index
        %swap3A_321 = arith.index_cast %multiple_of3A_310 : i32 to index
        %swap3A_322 = tpu.vector_load %arg10[%swap3A_320, %swap3A_321] {strides = array<i32>} : memref<16x128xi32, #tpu.memory_space<vmem>>, vector<1x16xi32>,
        %swap3A_323 = vector.shape_cast %swap3A_322 : vector<1x16xi32> to vector<16xi32>
        %swap3A_324 = vector.shape_cast %add3A_319 : vector<16xi32> to vector<1x16xi32>
        tpu.vector_store %arg10[%swap3A_320, %swap3A_321], %swap3A_324 {strides = array<i32>} : memref<16x128xi32, #tpu.memory_space<vmem>>, vector<1x16xi32>,
        %get3A_325 = arith.index_cast %rem3A_207 : i32 to index
        %get3A_326 = arith.index_cast %add3A_291 : i32 to index
        %get3A_327 = arith.constant 0 : index
        %get3A_328 = tpu.vector_load %arg9[%get3A_325, %get3A_326, %get3A_327] {strides = array<i32>} : memref<2x128x16xf32, #tpu.memory_space<vmem>>, vector<1x1x16xf32>,
        %get3A_329 = vector.shape_cast %get3A_328 : vector<1x1x16xf32> to vector<16xf32>
        %swap3A_330 = arith.index_cast %add3A_247 : i32 to index
        %swap3A_331 = arith.index_cast %multiple_of3A_310 : i32 to index
        %swap3A_332 = tpu.vector_load %arg11[%swap3A_330, %swap3A_331] {strides = array<i32>} : memref<16x128xf32, #tpu.memory_space<vmem>>, vector<1x16xf32>,
        %swap3A_333 = vector.shape_cast %swap3A_332 : vector<1x16xf32> to vector<16xf32>
        %swap3A_334 = vector.shape_cast %get3A_329 : vector<16xf32> to vector<1x16xf32>
        tpu.vector_store %arg11[%swap3A_330, %swap3A_331], %swap3A_334 {strides = array<i32>} : memref<16x128xf32, #tpu.memory_space<vmem>>, vector<1x16xf32>,
        %mul3A_335 = arith.constant 8 : i32
        %mul3A_336 = arith.muli %add3A_247, %mul3A_335 : i32
        %add3A_337 = arith.constant 2 : i32
        %add3A_338 = arith.addi %mul3A_336, %add3A_337 : i32
        %jit3A_339 = arith.constant 8 : i32
        %eq3A_340 = arith.constant 0 : i32
        %eq3A_341 = arith.cmpi eq, %jit3A_339, %eq3A_340 : i32
        %jit3A_342 = arith.constant 1 : i32
        %select_n3A_343 = arith.select %eq3A_341, %jit3A_342, %jit3A_339 : i32
        %rem3A_344 = arith.remsi %add3A_338, %select_n3A_343 : i32
        %ne3A_345 = arith.constant 0 : i32
        %ne3A_346 = arith.cmpi ne, %rem3A_344, %ne3A_345 : i32
        %lt3A_347 = arith.constant 0 : i32
        %lt3A_348 = arith.cmpi slt, %rem3A_344, %lt3A_347 : i32
        %lt3A_349 = arith.constant 0 : i32
        %lt3A_350 = arith.cmpi slt, %select_n3A_343, %lt3A_349 : i32
        %ne3A_351 = arith.xori %lt3A_348, %lt3A_350 : i1
        %and3A_352 = arith.andi %ne3A_351, %ne3A_346 : i1
        %add3A_353 = arith.addi %rem3A_344, %select_n3A_343 : i32
        %select_n3A_354 = arith.select %and3A_352, %add3A_353, %rem3A_344 : i32
        %mul3A_355 = arith.constant 16 : i32
        %mul3A_356 = arith.muli %select_n3A_354, %mul3A_355 : i32
        %multiple_of3A_357 = tpu.assume_multiple %mul3A_356, 16 : i32
        %get3A_358 = arith.index_cast %rem3A_207 : i32 to index
        %get3A_359 = arith.index_cast %add3A_338 : i32 to index
        %get3A_360 = arith.constant 0 : index
        %get3A_361 = tpu.vector_load %arg8[%get3A_358, %get3A_359, %get3A_360] {strides = array<i32>} : memref<2x128x16xi32, #tpu.memory_space<vmem>>, vector<1x1x16xi32>,
        %get3A_362 = vector.shape_cast %get3A_361 : vector<1x1x16xi32> to vector<16xi32>
        %mul3A_363 = arith.constant 16 : i32
        %mul3A_364 = vector.broadcast %mul3A_363 : i32 to vector<16xi32>
        %mul3A_365 = arith.muli %get3A_362, %mul3A_364 : vector<16xi32>
        %add3A_366 = arith.addi %mul3A_365, %iota3A : vector<16xi32>
        %swap3A_367 = arith.index_cast %add3A_247 : i32 to index
        %swap3A_368 = arith.index_cast %multiple_of3A_357 : i32 to index
        %swap3A_369 = tpu.vector_load %arg10[%swap3A_367, %swap3A_368] {strides = array<i32>} : memref<16x128xi32, #tpu.memory_space<vmem>>, vector<1x16xi32>,
        %swap3A_370 = vector.shape_cast %swap3A_369 : vector<1x16xi32> to vector<16xi32>
        %swap3A_371 = vector.shape_cast %add3A_366 : vector<16xi32> to vector<1x16xi32>
        tpu.vector_store %arg10[%swap3A_367, %swap3A_368], %swap3A_371 {strides = array<i32>} : memref<16x128xi32, #tpu.memory_space<vmem>>, vector<1x16xi32>,
        %get3A_372 = arith.index_cast %rem3A_207 : i32 to index
        %get3A_373 = arith.index_cast %add3A_338 : i32 to index
        %get3A_374 = arith.constant 0 : index
        %get3A_375 = tpu.vector_load %arg9[%get3A_372, %get3A_373, %get3A_374] {strides = array<i32>} : memref<2x128x16xf32, #tpu.memory_space<vmem>>, vector<1x1x16xf32>,
        %get3A_376 = vector.shape_cast %get3A_375 : vector<1x1x16xf32> to vector<16xf32>
        %swap3A_377 = arith.index_cast %add3A_247 : i32 to index
        %swap3A_378 = arith.index_cast %multiple_of3A_357 : i32 to index
        %swap3A_379 = tpu.vector_load %arg11[%swap3A_377, %swap3A_378] {strides = array<i32>} : memref<16x128xf32, #tpu.memory_space<vmem>>, vector<1x16xf32>,
        %swap3A_380 = vector.shape_cast %swap3A_379 : vector<1x16xf32> to vector<16xf32>
        %swap3A_381 = vector.shape_cast %get3A_376 : vector<16xf32> to vector<1x16xf32>
        tpu.vector_store %arg11[%swap3A_377, %swap3A_378], %swap3A_381 {strides = array<i32>} : memref<16x128xf32, #tpu.memory_space<vmem>>, vector<1x16xf32>,
        %mul3A_382 = arith.constant 8 : i32
        %mul3A_383 = arith.muli %add3A_247, %mul3A_382 : i32
        %add3A_384 = arith.constant 3 : i32
        %add3A_385 = arith.addi %mul3A_383, %add3A_384 : i32
        %jit3A_386 = arith.constant 8 : i32
        %eq3A_387 = arith.constant 0 : i32
        %eq3A_388 = arith.cmpi eq, %jit3A_386, %eq3A_387 : i32
        %jit3A_389 = arith.constant 1 : i32
        %select_n3A_390 = arith.select %eq3A_388, %jit3A_389, %jit3A_386 : i32
        %rem3A_391 = arith.remsi %add3A_385, %select_n3A_390 : i32
        %ne3A_392 = arith.constant 0 : i32
        %ne3A_393 = arith.cmpi ne, %rem3A_391, %ne3A_392 : i32
        %lt3A_394 = arith.constant 0 : i32
        %lt3A_395 = arith.cmpi slt, %rem3A_391, %lt3A_394 : i32
        %lt3A_396 = arith.constant 0 : i32
        %lt3A_397 = arith.cmpi slt, %select_n3A_390, %lt3A_396 : i32
        %ne3A_398 = arith.xori %lt3A_395, %lt3A_397 : i1
        %and3A_399 = arith.andi %ne3A_398, %ne3A_393 : i1
        %add3A_400 = arith.addi %rem3A_391, %select_n3A_390 : i32
        %select_n3A_401 = arith.select %and3A_399, %add3A_400, %rem3A_391 : i32
        %mul3A_402 = arith.constant 16 : i32
        %mul3A_403 = arith.muli %select_n3A_401, %mul3A_402 : i32
        %multiple_of3A_404 = tpu.assume_multiple %mul3A_403, 16 : i32
        %get3A_405 = arith.index_cast %rem3A_207 : i32 to index
        %get3A_406 = arith.index_cast %add3A_385 : i32 to index
        %get3A_407 = arith.constant 0 : index
        %get3A_408 = tpu.vector_load %arg8[%get3A_405, %get3A_406, %get3A_407] {strides = array<i32>} : memref<2x128x16xi32, #tpu.memory_space<vmem>>, vector<1x1x16xi32>,
        %get3A_409 = vector.shape_cast %get3A_408 : vector<1x1x16xi32> to vector<16xi32>
        %mul3A_410 = arith.constant 16 : i32
        %mul3A_411 = vector.broadcast %mul3A_410 : i32 to vector<16xi32>
        %mul3A_412 = arith.muli %get3A_409, %mul3A_411 : vector<16xi32>
        %add3A_413 = arith.addi %mul3A_412, %iota3A : vector<16xi32>
        %swap3A_414 = arith.index_cast %add3A_247 : i32 to index
        %swap3A_415 = arith.index_cast %multiple_of3A_404 : i32 to index
        %swap3A_416 = tpu.vector_load %arg10[%swap3A_414, %swap3A_415] {strides = array<i32>} : memref<16x128xi32, #tpu.memory_space<vmem>>, vector<1x16xi32>,
        %swap3A_417 = vector.shape_cast %swap3A_416 : vector<1x16xi32> to vector<16xi32>
        %swap3A_418 = vector.shape_cast %add3A_413 : vector<16xi32> to vector<1x16xi32>
        tpu.vector_store %arg10[%swap3A_414, %swap3A_415], %swap3A_418 {strides = array<i32>} : memref<16x128xi32, #tpu.memory_space<vmem>>, vector<1x16xi32>,
        %get3A_419 = arith.index_cast %rem3A_207 : i32 to index
        %get3A_420 = arith.index_cast %add3A_385 : i32 to index
        %get3A_421 = arith.constant 0 : index
        %get3A_422 = tpu.vector_load %arg9[%get3A_419, %get3A_420, %get3A_421] {strides = array<i32>} : memref<2x128x16xf32, #tpu.memory_space<vmem>>, vector<1x1x16xf32>,
        %get3A_423 = vector.shape_cast %get3A_422 : vector<1x1x16xf32> to vector<16xf32>
        %swap3A_424 = arith.index_cast %add3A_247 : i32 to index
        %swap3A_425 = arith.index_cast %multiple_of3A_404 : i32 to index
        %swap3A_426 = tpu.vector_load %arg11[%swap3A_424, %swap3A_425] {strides = array<i32>} : memref<16x128xf32, #tpu.memory_space<vmem>>, vector<1x16xf32>,
        %swap3A_427 = vector.shape_cast %swap3A_426 : vector<1x16xf32> to vector<16xf32>
        %swap3A_428 = vector.shape_cast %get3A_423 : vector<16xf32> to vector<1x16xf32>
        tpu.vector_store %arg11[%swap3A_424, %swap3A_425], %swap3A_428 {strides = array<i32>} : memref<16x128xf32, #tpu.memory_space<vmem>>, vector<1x16xf32>,
        %mul3A_429 = arith.constant 8 : i32
        %mul3A_430 = arith.muli %add3A_247, %mul3A_429 : i32
        %add3A_431 = arith.constant 4 : i32
        %add3A_432 = arith.addi %mul3A_430, %add3A_431 : i32
        %jit3A_433 = arith.constant 8 : i32
        %eq3A_434 = arith.constant 0 : i32
        %eq3A_435 = arith.cmpi eq, %jit3A_433, %eq3A_434 : i32
        %jit3A_436 = arith.constant 1 : i32
        %select_n3A_437 = arith.select %eq3A_435, %jit3A_436, %jit3A_433 : i32
        %rem3A_438 = arith.remsi %add3A_432, %select_n3A_437 : i32
        %ne3A_439 = arith.constant 0 : i32
        %ne3A_440 = arith.cmpi ne, %rem3A_438, %ne3A_439 : i32
        %lt3A_441 = arith.constant 0 : i32
        %lt3A_442 = arith.cmpi slt, %rem3A_438, %lt3A_441 : i32
        %lt3A_443 = arith.constant 0 : i32
        %lt3A_444 = arith.cmpi slt, %select_n3A_437, %lt3A_443 : i32
        %ne3A_445 = arith.xori %lt3A_442, %lt3A_444 : i1
        %and3A_446 = arith.andi %ne3A_445, %ne3A_440 : i1
        %add3A_447 = arith.addi %rem3A_438, %select_n3A_437 : i32
        %select_n3A_448 = arith.select %and3A_446, %add3A_447, %rem3A_438 : i32
        %mul3A_449 = arith.constant 16 : i32
        %mul3A_450 = arith.muli %select_n3A_448, %mul3A_449 : i32
        %multiple_of3A_451 = tpu.assume_multiple %mul3A_450, 16 : i32
        %get3A_452 = arith.index_cast %rem3A_207 : i32 to index
        %get3A_453 = arith.index_cast %add3A_432 : i32 to index
        %get3A_454 = arith.constant 0 : index
        %get3A_455 = tpu.vector_load %arg8[%get3A_452, %get3A_453, %get3A_454] {strides = array<i32>} : memref<2x128x16xi32, #tpu.memory_space<vmem>>, vector<1x1x16xi32>,
        %get3A_456 = vector.shape_cast %get3A_455 : vector<1x1x16xi32> to vector<16xi32>
        %mul3A_457 = arith.constant 16 : i32
        %mul3A_458 = vector.broadcast %mul3A_457 : i32 to vector<16xi32>
        %mul3A_459 = arith.muli %get3A_456, %mul3A_458 : vector<16xi32>
        %add3A_460 = arith.addi %mul3A_459, %iota3A : vector<16xi32>
        %swap3A_461 = arith.index_cast %add3A_247 : i32 to index
        %swap3A_462 = arith.index_cast %multiple_of3A_451 : i32 to index
        %swap3A_463 = tpu.vector_load %arg10[%swap3A_461, %swap3A_462] {strides = array<i32>} : memref<16x128xi32, #tpu.memory_space<vmem>>, vector<1x16xi32>,
        %swap3A_464 = vector.shape_cast %swap3A_463 : vector<1x16xi32> to vector<16xi32>
        %swap3A_465 = vector.shape_cast %add3A_460 : vector<16xi32> to vector<1x16xi32>
        tpu.vector_store %arg10[%swap3A_461, %swap3A_462], %swap3A_465 {strides = array<i32>} : memref<16x128xi32, #tpu.memory_space<vmem>>, vector<1x16xi32>,
        %get3A_466 = arith.index_cast %rem3A_207 : i32 to index
        %get3A_467 = arith.index_cast %add3A_432 : i32 to index
        %get3A_468 = arith.constant 0 : index
        %get3A_469 = tpu.vector_load %arg9[%get3A_466, %get3A_467, %get3A_468] {strides = array<i32>} : memref<2x128x16xf32, #tpu.memory_space<vmem>>, vector<1x1x16xf32>,
        %get3A_470 = vector.shape_cast %get3A_469 : vector<1x1x16xf32> to vector<16xf32>
        %swap3A_471 = arith.index_cast %add3A_247 : i32 to index
        %swap3A_472 = arith.index_cast %multiple_of3A_451 : i32 to index
        %swap3A_473 = tpu.vector_load %arg11[%swap3A_471, %swap3A_472] {strides = array<i32>} : memref<16x128xf32, #tpu.memory_space<vmem>>, vector<1x16xf32>,
        %swap3A_474 = vector.shape_cast %swap3A_473 : vector<1x16xf32> to vector<16xf32>
        %swap3A_475 = vector.shape_cast %get3A_470 : vector<16xf32> to vector<1x16xf32>
        tpu.vector_store %arg11[%swap3A_471, %swap3A_472], %swap3A_475 {strides = array<i32>} : memref<16x128xf32, #tpu.memory_space<vmem>>, vector<1x16xf32>,
        %mul3A_476 = arith.constant 8 : i32
        %mul3A_477 = arith.muli %add3A_247, %mul3A_476 : i32
        %add3A_478 = arith.constant 5 : i32
        %add3A_479 = arith.addi %mul3A_477, %add3A_478 : i32
        %jit3A_480 = arith.constant 8 : i32
        %eq3A_481 = arith.constant 0 : i32
        %eq3A_482 = arith.cmpi eq, %jit3A_480, %eq3A_481 : i32
        %jit3A_483 = arith.constant 1 : i32
        %select_n3A_484 = arith.select %eq3A_482, %jit3A_483, %jit3A_480 : i32
        %rem3A_485 = arith.remsi %add3A_479, %select_n3A_484 : i32
        %ne3A_486 = arith.constant 0 : i32
        %ne3A_487 = arith.cmpi ne, %rem3A_485, %ne3A_486 : i32
        %lt3A_488 = arith.constant 0 : i32
        %lt3A_489 = arith.cmpi slt, %rem3A_485, %lt3A_488 : i32
        %lt3A_490 = arith.constant 0 : i32
        %lt3A_491 = arith.cmpi slt, %select_n3A_484, %lt3A_490 : i32
        %ne3A_492 = arith.xori %lt3A_489, %lt3A_491 : i1
        %and3A_493 = arith.andi %ne3A_492, %ne3A_487 : i1
        %add3A_494 = arith.addi %rem3A_485, %select_n3A_484 : i32
        %select_n3A_495 = arith.select %and3A_493, %add3A_494, %rem3A_485 : i32
        %mul3A_496 = arith.constant 16 : i32
        %mul3A_497 = arith.muli %select_n3A_495, %mul3A_496 : i32
        %multiple_of3A_498 = tpu.assume_multiple %mul3A_497, 16 : i32
        %get3A_499 = arith.index_cast %rem3A_207 : i32 to index
        %get3A_500 = arith.index_cast %add3A_479 : i32 to index
        %get3A_501 = arith.constant 0 : index
        %get3A_502 = tpu.vector_load %arg8[%get3A_499, %get3A_500, %get3A_501] {strides = array<i32>} : memref<2x128x16xi32, #tpu.memory_space<vmem>>, vector<1x1x16xi32>,
        %get3A_503 = vector.shape_cast %get3A_502 : vector<1x1x16xi32> to vector<16xi32>
        %mul3A_504 = arith.constant 16 : i32
        %mul3A_505 = vector.broadcast %mul3A_504 : i32 to vector<16xi32>
        %mul3A_506 = arith.muli %get3A_503, %mul3A_505 : vector<16xi32>
        %add3A_507 = arith.addi %mul3A_506, %iota3A : vector<16xi32>
        %swap3A_508 = arith.index_cast %add3A_247 : i32 to index
        %swap3A_509 = arith.index_cast %multiple_of3A_498 : i32 to index
        %swap3A_510 = tpu.vector_load %arg10[%swap3A_508, %swap3A_509] {strides = array<i32>} : memref<16x128xi32, #tpu.memory_space<vmem>>, vector<1x16xi32>,
        %swap3A_511 = vector.shape_cast %swap3A_510 : vector<1x16xi32> to vector<16xi32>
        %swap3A_512 = vector.shape_cast %add3A_507 : vector<16xi32> to vector<1x16xi32>
        tpu.vector_store %arg10[%swap3A_508, %swap3A_509], %swap3A_512 {strides = array<i32>} : memref<16x128xi32, #tpu.memory_space<vmem>>, vector<1x16xi32>,
        %get3A_513 = arith.index_cast %rem3A_207 : i32 to index
        %get3A_514 = arith.index_cast %add3A_479 : i32 to index
        %get3A_515 = arith.constant 0 : index
        %get3A_516 = tpu.vector_load %arg9[%get3A_513, %get3A_514, %get3A_515] {strides = array<i32>} : memref<2x128x16xf32, #tpu.memory_space<vmem>>, vector<1x1x16xf32>,
        %get3A_517 = vector.shape_cast %get3A_516 : vector<1x1x16xf32> to vector<16xf32>
        %swap3A_518 = arith.index_cast %add3A_247 : i32 to index
        %swap3A_519 = arith.index_cast %multiple_of3A_498 : i32 to index
        %swap3A_520 = tpu.vector_load %arg11[%swap3A_518, %swap3A_519] {strides = array<i32>} : memref<16x128xf32, #tpu.memory_space<vmem>>, vector<1x16xf32>,
        %swap3A_521 = vector.shape_cast %swap3A_520 : vector<1x16xf32> to vector<16xf32>
        %swap3A_522 = vector.shape_cast %get3A_517 : vector<16xf32> to vector<1x16xf32>
        tpu.vector_store %arg11[%swap3A_518, %swap3A_519], %swap3A_522 {strides = array<i32>} : memref<16x128xf32, #tpu.memory_space<vmem>>, vector<1x16xf32>,
        %mul3A_523 = arith.constant 8 : i32
        %mul3A_524 = arith.muli %add3A_247, %mul3A_523 : i32
        %add3A_525 = arith.constant 6 : i32
        %add3A_526 = arith.addi %mul3A_524, %add3A_525 : i32
        %jit3A_527 = arith.constant 8 : i32
        %eq3A_528 = arith.constant 0 : i32
        %eq3A_529 = arith.cmpi eq, %jit3A_527, %eq3A_528 : i32
        %jit3A_530 = arith.constant 1 : i32
        %select_n3A_531 = arith.select %eq3A_529, %jit3A_530, %jit3A_527 : i32
        %rem3A_532 = arith.remsi %add3A_526, %select_n3A_531 : i32
        %ne3A_533 = arith.constant 0 : i32
        %ne3A_534 = arith.cmpi ne, %rem3A_532, %ne3A_533 : i32
        %lt3A_535 = arith.constant 0 : i32
        %lt3A_536 = arith.cmpi slt, %rem3A_532, %lt3A_535 : i32
        %lt3A_537 = arith.constant 0 : i32
        %lt3A_538 = arith.cmpi slt, %select_n3A_531, %lt3A_537 : i32
        %ne3A_539 = arith.xori %lt3A_536, %lt3A_538 : i1
        %and3A_540 = arith.andi %ne3A_539, %ne3A_534 : i1
        %add3A_541 = arith.addi %rem3A_532, %select_n3A_531 : i32
        %select_n3A_542 = arith.select %and3A_540, %add3A_541, %rem3A_532 : i32
        %mul3A_543 = arith.constant 16 : i32
        %mul3A_544 = arith.muli %select_n3A_542, %mul3A_543 : i32
        %multiple_of3A_545 = tpu.assume_multiple %mul3A_544, 16 : i32
        %get3A_546 = arith.index_cast %rem3A_207 : i32 to index
        %get3A_547 = arith.index_cast %add3A_526 : i32 to index
        %get3A_548 = arith.constant 0 : index
        %get3A_549 = tpu.vector_load %arg8[%get3A_546, %get3A_547, %get3A_548] {strides = array<i32>} : memref<2x128x16xi32, #tpu.memory_space<vmem>>, vector<1x1x16xi32>,
        %get3A_550 = vector.shape_cast %get3A_549 : vector<1x1x16xi32> to vector<16xi32>
        %mul3A_551 = arith.constant 16 : i32
        %mul3A_552 = vector.broadcast %mul3A_551 : i32 to vector<16xi32>
        %mul3A_553 = arith.muli %get3A_550, %mul3A_552 : vector<16xi32>
        %add3A_554 = arith.addi %mul3A_553, %iota3A : vector<16xi32>
        %swap3A_555 = arith.index_cast %add3A_247 : i32 to index
        %swap3A_556 = arith.index_cast %multiple_of3A_545 : i32 to index
        %swap3A_557 = tpu.vector_load %arg10[%swap3A_555, %swap3A_556] {strides = array<i32>} : memref<16x128xi32, #tpu.memory_space<vmem>>, vector<1x16xi32>,
        %swap3A_558 = vector.shape_cast %swap3A_557 : vector<1x16xi32> to vector<16xi32>
        %swap3A_559 = vector.shape_cast %add3A_554 : vector<16xi32> to vector<1x16xi32>
        tpu.vector_store %arg10[%swap3A_555, %swap3A_556], %swap3A_559 {strides = array<i32>} : memref<16x128xi32, #tpu.memory_space<vmem>>, vector<1x16xi32>,
        %get3A_560 = arith.index_cast %rem3A_207 : i32 to index
        %get3A_561 = arith.index_cast %add3A_526 : i32 to index
        %get3A_562 = arith.constant 0 : index
        %get3A_563 = tpu.vector_load %arg9[%get3A_560, %get3A_561, %get3A_562] {strides = array<i32>} : memref<2x128x16xf32, #tpu.memory_space<vmem>>, vector<1x1x16xf32>,
        %get3A_564 = vector.shape_cast %get3A_563 : vector<1x1x16xf32> to vector<16xf32>
        %swap3A_565 = arith.index_cast %add3A_247 : i32 to index
        %swap3A_566 = arith.index_cast %multiple_of3A_545 : i32 to index
        %swap3A_567 = tpu.vector_load %arg11[%swap3A_565, %swap3A_566] {strides = array<i32>} : memref<16x128xf32, #tpu.memory_space<vmem>>, vector<1x16xf32>,
        %swap3A_568 = vector.shape_cast %swap3A_567 : vector<1x16xf32> to vector<16xf32>
        %swap3A_569 = vector.shape_cast %get3A_564 : vector<16xf32> to vector<1x16xf32>
        tpu.vector_store %arg11[%swap3A_565, %swap3A_566], %swap3A_569 {strides = array<i32>} : memref<16x128xf32, #tpu.memory_space<vmem>>, vector<1x16xf32>,
        %mul3A_570 = arith.constant 8 : i32
        %mul3A_571 = arith.muli %add3A_247, %mul3A_570 : i32
        %add3A_572 = arith.constant 7 : i32
        %add3A_573 = arith.addi %mul3A_571, %add3A_572 : i32
        %jit3A_574 = arith.constant 8 : i32
        %eq3A_575 = arith.constant 0 : i32
        %eq3A_576 = arith.cmpi eq, %jit3A_574, %eq3A_575 : i32
        %jit3A_577 = arith.constant 1 : i32
        %select_n3A_578 = arith.select %eq3A_576, %jit3A_577, %jit3A_574 : i32
        %rem3A_579 = arith.remsi %add3A_573, %select_n3A_578 : i32
        %ne3A_580 = arith.constant 0 : i32
        %ne3A_581 = arith.cmpi ne, %rem3A_579, %ne3A_580 : i32
        %lt3A_582 = arith.constant 0 : i32
        %lt3A_583 = arith.cmpi slt, %rem3A_579, %lt3A_582 : i32
        %lt3A_584 = arith.constant 0 : i32
        %lt3A_585 = arith.cmpi slt, %select_n3A_578, %lt3A_584 : i32
        %ne3A_586 = arith.xori %lt3A_583, %lt3A_585 : i1
        %and3A_587 = arith.andi %ne3A_586, %ne3A_581 : i1
        %add3A_588 = arith.addi %rem3A_579, %select_n3A_578 : i32
        %select_n3A_589 = arith.select %and3A_587, %add3A_588, %rem3A_579 : i32
        %mul3A_590 = arith.constant 16 : i32
        %mul3A_591 = arith.muli %select_n3A_589, %mul3A_590 : i32
        %multiple_of3A_592 = tpu.assume_multiple %mul3A_591, 16 : i32
        %get3A_593 = arith.index_cast %rem3A_207 : i32 to index
        %get3A_594 = arith.index_cast %add3A_573 : i32 to index
        %get3A_595 = arith.constant 0 : index
        %get3A_596 = tpu.vector_load %arg8[%get3A_593, %get3A_594, %get3A_595] {strides = array<i32>} : memref<2x128x16xi32, #tpu.memory_space<vmem>>, vector<1x1x16xi32>,
        %get3A_597 = vector.shape_cast %get3A_596 : vector<1x1x16xi32> to vector<16xi32>
        %mul3A_598 = arith.constant 16 : i32
        %mul3A_599 = vector.broadcast %mul3A_598 : i32 to vector<16xi32>
        %mul3A_600 = arith.muli %get3A_597, %mul3A_599 : vector<16xi32>
        %add3A_601 = arith.addi %mul3A_600, %iota3A : vector<16xi32>
        %swap3A_602 = arith.index_cast %add3A_247 : i32 to index
        %swap3A_603 = arith.index_cast %multiple_of3A_592 : i32 to index
        %swap3A_604 = tpu.vector_load %arg10[%swap3A_602, %swap3A_603] {strides = array<i32>} : memref<16x128xi32, #tpu.memory_space<vmem>>, vector<1x16xi32>,
        %swap3A_605 = vector.shape_cast %swap3A_604 : vector<1x16xi32> to vector<16xi32>
        %swap3A_606 = vector.shape_cast %add3A_601 : vector<16xi32> to vector<1x16xi32>
        tpu.vector_store %arg10[%swap3A_602, %swap3A_603], %swap3A_606 {strides = array<i32>} : memref<16x128xi32, #tpu.memory_space<vmem>>, vector<1x16xi32>,
        %get3A_607 = arith.index_cast %rem3A_207 : i32 to index
        %get3A_608 = arith.index_cast %add3A_573 : i32 to index
        %get3A_609 = arith.constant 0 : index
        %get3A_610 = tpu.vector_load %arg9[%get3A_607, %get3A_608, %get3A_609] {strides = array<i32>} : memref<2x128x16xf32, #tpu.memory_space<vmem>>, vector<1x1x16xf32>,
        %get3A_611 = vector.shape_cast %get3A_610 : vector<1x1x16xf32> to vector<16xf32>
        %swap3A_612 = arith.index_cast %add3A_247 : i32 to index
        %swap3A_613 = arith.index_cast %multiple_of3A_592 : i32 to index
        %swap3A_614 = tpu.vector_load %arg11[%swap3A_612, %swap3A_613] {strides = array<i32>} : memref<16x128xf32, #tpu.memory_space<vmem>>, vector<1x16xf32>,
        %swap3A_615 = vector.shape_cast %swap3A_614 : vector<1x16xf32> to vector<16xf32>
        %swap3A_616 = vector.shape_cast %get3A_611 : vector<16xf32> to vector<1x16xf32>
        tpu.vector_store %arg11[%swap3A_612, %swap3A_613], %swap3A_616 {strides = array<i32>} : memref<16x128xf32, #tpu.memory_space<vmem>>, vector<1x16xf32>,
      }
      %scan3A_235 = arith.constant 16 : i32
      %scan3A_236 = arith.constant 0 : i32
      %scan3A_237 = arith.constant 16 : i32
      %scan3A_238 = arith.addi %scan3A_236, %scan3A_237 : i32
      %scan3A_239 = arith.constant 1 : i32
      scf.for %scan3A_243 = %scan3A_236 to %scan3A_238 step %scan3A_239  : i32 {
        %mul3A_244 = arith.constant 1 : i32
        %mul3A_245 = arith.muli %scan3A_243, %mul3A_244 : i32
        %add3A_246 = arith.constant 0 : i32
        %add3A_247 = arith.addi %add3A_246, %mul3A_245 : i32
        %dma_start3A_248 = arith.constant 0 : i32
        %dma_start3A_249 = tpu.memref_slice %arg11[%add3A_247, %dma_start3A_248] : memref<16x128xf32, #tpu.memory_space<vmem>> -> memref<1x128xf32, #tpu.memory_space<vmem>>
        %dma_start3A_250 = tpu.memref_squeeze %dma_start3A_249 : memref<1x128xf32, #tpu.memory_space<vmem>> -> memref<128xf32, #tpu.memory_space<vmem>>
        %dma_start3A_251 = arith.constant 0 : i32
        %dma_start3A_252 = tpu.memref_slice %arg10[%add3A_247, %dma_start3A_251] : memref<16x128xi32, #tpu.memory_space<vmem>> -> memref<1x128xi32, #tpu.memory_space<vmem>>
        %dma_start3A_253 = tpu.memref_squeeze %dma_start3A_252 : memref<1x128xi32, #tpu.memory_space<vmem>> -> memref<128xi32, #tpu.memory_space<vmem>>
        %dma_start3A_254 = arith.constant 0 : i32
        %dma_start3A_255 = tpu.memref_slice %arg7[%dma_start3A_254] : memref<1600000xf32, #tpu.memory_space<vmem_shared>> -> memref<1600000xf32, #tpu.memory_space<vmem_shared>>
        tpu.enqueue_indirect_dma source(%dma_start3A_250 : memref<128xf32, #tpu.memory_space<vmem>>) target(%dma_start3A_255 : memref<1600000xf32, #tpu.memory_space<vmem_shared>>) offsets(%dma_start3A_253 : memref<128xi32, #tpu.memory_space<vmem>>) semaphore(%arg15 : memref<!tpu.dma_semaphore, #tpu.memory_space<semaphore_mem>>) {add = true}
        %dma_wait3A_256 = arith.constant 0 : i32
        %dma_wait3A_257 = tpu.memref_slice %arg11[%add3A_247, %dma_wait3A_256] : memref<16x128xf32, #tpu.memory_space<vmem>> -> memref<1x128xf32, #tpu.memory_space<vmem>>
        %dma_wait3A_258 = tpu.memref_squeeze %dma_wait3A_257 : memref<1x128xf32, #tpu.memory_space<vmem>> -> memref<128xf32, #tpu.memory_space<vmem>>
        %dma_wait3A_259 = arith.constant 0 : i32
        %dma_wait3A_260 = tpu.memref_slice %arg10[%add3A_247, %dma_wait3A_259] : memref<16x128xi32, #tpu.memory_space<vmem>> -> memref<1x128xi32, #tpu.memory_space<vmem>>
        %dma_wait3A_261 = tpu.memref_squeeze %dma_wait3A_260 : memref<1x128xi32, #tpu.memory_space<vmem>> -> memref<128xi32, #tpu.memory_space<vmem>>
        %dma_wait3A_262 = arith.constant 0 : i32
        %dma_wait3A_263 = tpu.memref_slice %arg7[%dma_wait3A_262] : memref<1600000xf32, #tpu.memory_space<vmem_shared>> -> memref<1600000xf32, #tpu.memory_space<vmem_shared>>
        tpu.wait_indirect_dma semaphore(%arg15 : memref<!tpu.dma_semaphore, #tpu.memory_space<semaphore_mem>>) src(%dma_wait3A_258 : memref<128xf32, #tpu.memory_space<vmem>>) dst(%dma_wait3A_263 : memref<1600000xf32, #tpu.memory_space<vmem_shared>>)
      }
      %scan3A_240 = arith.constant 16 : i32
      %lt3A = arith.constant 7 : i32
      %lt3A_241 = arith.cmpi slt, %add3A_206, %lt3A : i32
      %convert_element_type3A = arith.extui %lt3A_241 : i1 to i32
      %cond3A = arith.constant 0 : i32
      %cond3A_242 = arith.cmpi ne, %convert_element_type3A, %cond3A : i32
      scf.if %cond3A_242 {
        %add3A_243 = arith.constant 1 : i32
        %add3A_244 = arith.addi %add3A_206, %add3A_243 : i32
        %sub3A = arith.constant 1 : i32
        %sub3A_245 = arith.subi %sub3A, %rem3A_207 : i32
        %mul3A_246 = arith.constant 1024 : i32
        %mul3A_247 = arith.muli %arg1, %mul3A_246 : i32
        %mul3A_248 = arith.constant 128 : i32
        %mul3A_249 = arith.muli %add3A_244, %mul3A_248 : i32
        %add3A_250 = arith.addi %mul3A_247, %mul3A_249 : i32
        %dma_start3A_251 = arith.constant 0 : i32
        %dma_start3A_252 = arith.constant 0 : i32
        %dma_start3A_253 = tpu.memref_slice %arg8[%sub3A_245, %dma_start3A_251, %dma_start3A_252] : memref<2x128x16xi32, #tpu.memory_space<vmem>> -> memref<1x128x16xi32, #tpu.memory_space<vmem>>
        %dma_start3A_254 = tpu.memref_squeeze %dma_start3A_253 : memref<1x128x16xi32, #tpu.memory_space<vmem>> -> memref<128x16xi32, #tpu.memory_space<vmem>>
        %dma_start3A_255 = tpu.memref_slice %arg2[%add3A_250, %multiple_of3A_58] : memref<16384x64xi32, #tpu.memory_space<hbm>> -> memref<128x16xi32, #tpu.memory_space<hbm>>
        %dma_start3A_256 = arith.constant 0 : i32
        %dma_start3A_257 = arith.constant 0 : i32
        %dma_start3A_258 = tpu.memref_slice %arg8[%sub3A_245, %dma_start3A_256, %dma_start3A_257] : memref<2x128x16xi32, #tpu.memory_space<vmem>> -> memref<1x128x16xi32, #tpu.memory_space<vmem>>
        %dma_start3A_259 = tpu.memref_squeeze %dma_start3A_258 : memref<1x128x16xi32, #tpu.memory_space<vmem>> -> memref<128x16xi32, #tpu.memory_space<vmem>>
        %dma_start3A_260 = tpu.memref_slice %arg2[%add3A_250, %multiple_of3A_58] : memref<16384x64xi32, #tpu.memory_space<hbm>> -> memref<128x16xi32, #tpu.memory_space<hbm>>
        tpu.enqueue_dma source(%dma_start3A_260 : memref<128x16xi32, #tpu.memory_space<hbm>>) target(%dma_start3A_259 : memref<128x16xi32, #tpu.memory_space<vmem>>) target_semaphore(%arg13 : memref<!tpu.dma_semaphore, #tpu.memory_space<semaphore_mem>>)
        %dma_start3A_261 = arith.constant 0 : i32
        %dma_start3A_262 = arith.constant 0 : i32
        %dma_start3A_263 = tpu.memref_slice %arg9[%sub3A_245, %dma_start3A_261, %dma_start3A_262] : memref<2x128x16xf32, #tpu.memory_space<vmem>> -> memref<1x128x16xf32, #tpu.memory_space<vmem>>
        %dma_start3A_264 = tpu.memref_squeeze %dma_start3A_263 : memref<1x128x16xf32, #tpu.memory_space<vmem>> -> memref<128x16xf32, #tpu.memory_space<vmem>>
        %dma_start3A_265 = tpu.memref_slice %arg4[%add3A_250, %multiple_of3A_58] : memref<16384x64xf32, #tpu.memory_space<hbm>> -> memref<128x16xf32, #tpu.memory_space<hbm>>
        %dma_start3A_266 = arith.constant 0 : i32
        %dma_start3A_267 = arith.constant 0 : i32
        %dma_start3A_268 = tpu.memref_slice %arg9[%sub3A_245, %dma_start3A_266, %dma_start3A_267] : memref<2x128x16xf32, #tpu.memory_space<vmem>> -> memref<1x128x16xf32, #tpu.memory_space<vmem>>
        %dma_start3A_269 = tpu.memref_squeeze %dma_start3A_268 : memref<1x128x16xf32, #tpu.memory_space<vmem>> -> memref<128x16xf32, #tpu.memory_space<vmem>>
        %dma_start3A_270 = tpu.memref_slice %arg4[%add3A_250, %multiple_of3A_58] : memref<16384x64xf32, #tpu.memory_space<hbm>> -> memref<128x16xf32, #tpu.memory_space<hbm>>
        tpu.enqueue_dma source(%dma_start3A_270 : memref<128x16xf32, #tpu.memory_space<hbm>>) target(%dma_start3A_269 : memref<128x16xf32, #tpu.memory_space<vmem>>) target_semaphore(%arg14 : memref<!tpu.dma_semaphore, #tpu.memory_space<semaphore_mem>>)
      } else {
      }
    }
    %scan3A_100 = arith.constant 8 : i32
    %barrier3A_101 = arith.constant 0 : index
    tpu.barrier barrier_id(%barrier3A_101)
    "tpu.region"() ({
      %run_scoped3A = tpu.sem_alloc : memref<!tpu.dma_semaphore, #tpu.memory_space<semaphore_mem>>
      %dma_start3A_202 = tpu.memref_slice %arg5[%add3A_55, %multiple_of3A] : memref<4x1600000xf32, #tpu.memory_space<hbm>> -> memref<1x100000xf32, #tpu.memory_space<hbm>>
      %dma_start3A_203 = tpu.memref_squeeze %dma_start3A_202 : memref<1x100000xf32, #tpu.memory_space<hbm>> -> memref<100000xf32, #tpu.memory_space<hbm>>
      %dma_start3A_204 = tpu.memref_slice %arg7[%multiple_of3A] : memref<1600000xf32, #tpu.memory_space<vmem_shared>> -> memref<100000xf32, #tpu.memory_space<vmem_shared>>
      tpu.enqueue_dma source(%dma_start3A_204 : memref<100000xf32, #tpu.memory_space<vmem_shared>>) target(%dma_start3A_203 : memref<100000xf32, #tpu.memory_space<hbm>>) target_semaphore(%run_scoped3A : memref<!tpu.dma_semaphore, #tpu.memory_space<semaphore_mem>>)
      %dma_wait3A = tpu.memref_slice %arg5[%add3A_55, %multiple_of3A] : memref<4x1600000xf32, #tpu.memory_space<hbm>> -> memref<1x100000xf32, #tpu.memory_space<hbm>>
      %dma_wait3A_205 = tpu.memref_squeeze %dma_wait3A : memref<1x100000xf32, #tpu.memory_space<hbm>> -> memref<100000xf32, #tpu.memory_space<hbm>>
      %dma_wait3A_206 = tpu.memref_slice %arg7[%multiple_of3A] : memref<1600000xf32, #tpu.memory_space<vmem_shared>> -> memref<100000xf32, #tpu.memory_space<vmem_shared>>
      tpu.wait_dma2 semaphore(%run_scoped3A : memref<!tpu.dma_semaphore, #tpu.memory_space<semaphore_mem>>) src(%dma_wait3A_206 : memref<100000xf32, #tpu.memory_space<vmem_shared>>) dst(%dma_wait3A_205 : memref<100000xf32, #tpu.memory_space<hbm>>)
      tpu.yield
    }) : () -> ()
    %mul3A_102 = arith.constant 2 : i32
    %mul3A_103 = arith.muli %arg0, %mul3A_102 : i32
    %add3A_104 = arith.constant 0 : i32
    %add3A_105 = arith.addi %mul3A_103, %add3A_104 : i32
    %mul3A_106 = arith.constant 16 : i32
    %mul3A_107 = arith.muli %add3A_105, %mul3A_106 : i32
    %multiple_of3A_108 = tpu.assume_multiple %mul3A_107, 16 : i32
    %scan3A_109 = arith.constant 0 : i32
    %scan3A_110 = arith.constant 40 : i32
    %scan3A_111 = arith.addi %scan3A_109, %scan3A_110 : i32
    %scan3A_112 = arith.constant 1 : i32
    scf.for %scan3A_202 = %scan3A_109 to %scan3A_111 step %scan3A_112  : i32 {
      %mul3A_203 = arith.constant 1 : i32
      %mul3A_204 = arith.muli %scan3A_202, %mul3A_203 : i32
      %add3A_205 = arith.constant 0 : i32
      %add3A_206 = arith.addi %add3A_205, %mul3A_204 : i32
      %mul3A_207 = arith.constant 2500 : i32
      %mul3A_208 = arith.muli %add3A_206, %mul3A_207 : i32
      %add3A_209 = arith.addi %multiple_of3A, %mul3A_208 : i32
      %multiple_of3A_210 = tpu.assume_multiple %add3A_209, 8 : i32
      %dma_start3A_211 = tpu.memref_slice %arg7[%multiple_of3A_210] : memref<1600000xf32, #tpu.memory_space<vmem_shared>> -> memref<2500xf32, #tpu.memory_space<vmem_shared>>
      %dma_start3A_212 = tpu.memref_slice %arg7[%multiple_of3A_210] : memref<1600000xf32, #tpu.memory_space<vmem_shared>> -> memref<2500xf32, #tpu.memory_space<vmem_shared>>
      tpu.enqueue_dma source(%arg12 : memref<2500xf32, #tpu.memory_space<vmem>>) target(%dma_start3A_212 : memref<2500xf32, #tpu.memory_space<vmem_shared>>) target_semaphore(%arg16 : memref<!tpu.dma_semaphore, #tpu.memory_space<semaphore_mem>>)
    }
    %scan3A_113 = arith.constant 40 : i32
    %mul3A_114 = arith.constant 1024 : i32
    %mul3A_115 = arith.muli %arg1, %mul3A_114 : i32
    %add3A_116 = arith.constant 0 : i32
    %add3A_117 = arith.addi %mul3A_115, %add3A_116 : i32
    %dma_start3A_118 = arith.constant 0 : i32
    %dma_start3A_119 = arith.constant 0 : i32
    %dma_start3A_120 = arith.constant 0 : i32
    %dma_start3A_121 = tpu.memref_slice %arg8[%dma_start3A_118, %dma_start3A_119, %dma_start3A_120] : memref<2x128x16xi32, #tpu.memory_space<vmem>> -> memref<1x128x16xi32, #tpu.memory_space<vmem>>
    %dma_start3A_122 = tpu.memref_squeeze %dma_start3A_121 : memref<1x128x16xi32, #tpu.memory_space<vmem>> -> memref<128x16xi32, #tpu.memory_space<vmem>>
    %dma_start3A_123 = tpu.memref_slice %arg3[%add3A_117, %multiple_of3A_108] : memref<16384x64xi32, #tpu.memory_space<hbm>> -> memref<128x16xi32, #tpu.memory_space<hbm>>
    %dma_start3A_124 = arith.constant 0 : i32
    %dma_start3A_125 = arith.constant 0 : i32
    %dma_start3A_126 = tpu.memref_slice %arg8[%dma_start3A_118, %dma_start3A_124, %dma_start3A_125] : memref<2x128x16xi32, #tpu.memory_space<vmem>> -> memref<1x128x16xi32, #tpu.memory_space<vmem>>
    %dma_start3A_127 = tpu.memref_squeeze %dma_start3A_126 : memref<1x128x16xi32, #tpu.memory_space<vmem>> -> memref<128x16xi32, #tpu.memory_space<vmem>>
    %dma_start3A_128 = tpu.memref_slice %arg3[%add3A_117, %multiple_of3A_108] : memref<16384x64xi32, #tpu.memory_space<hbm>> -> memref<128x16xi32, #tpu.memory_space<hbm>>
    tpu.enqueue_dma source(%dma_start3A_128 : memref<128x16xi32, #tpu.memory_space<hbm>>) target(%dma_start3A_127 : memref<128x16xi32, #tpu.memory_space<vmem>>) target_semaphore(%arg13 : memref<!tpu.dma_semaphore, #tpu.memory_space<semaphore_mem>>)
    %dma_start3A_129 = arith.constant 0 : i32
    %dma_start3A_130 = arith.constant 0 : i32
    %dma_start3A_131 = arith.constant 0 : i32
    %dma_start3A_132 = tpu.memref_slice %arg9[%dma_start3A_129, %dma_start3A_130, %dma_start3A_131] : memref<2x128x16xf32, #tpu.memory_space<vmem>> -> memref<1x128x16xf32, #tpu.memory_space<vmem>>
    %dma_start3A_133 = tpu.memref_squeeze %dma_start3A_132 : memref<1x128x16xf32, #tpu.memory_space<vmem>> -> memref<128x16xf32, #tpu.memory_space<vmem>>
    %dma_start3A_134 = tpu.memref_slice %arg4[%add3A_117, %multiple_of3A_108] : memref<16384x64xf32, #tpu.memory_space<hbm>> -> memref<128x16xf32, #tpu.memory_space<hbm>>
    %dma_start3A_135 = arith.constant 0 : i32
    %dma_start3A_136 = arith.constant 0 : i32
    %dma_start3A_137 = tpu.memref_slice %arg9[%dma_start3A_129, %dma_start3A_135, %dma_start3A_136] : memref<2x128x16xf32, #tpu.memory_space<vmem>> -> memref<1x128x16xf32, #tpu.memory_space<vmem>>
    %dma_start3A_138 = tpu.memref_squeeze %dma_start3A_137 : memref<1x128x16xf32, #tpu.memory_space<vmem>> -> memref<128x16xf32, #tpu.memory_space<vmem>>
    %dma_start3A_139 = tpu.memref_slice %arg4[%add3A_117, %multiple_of3A_108] : memref<16384x64xf32, #tpu.memory_space<hbm>> -> memref<128x16xf32, #tpu.memory_space<hbm>>
    tpu.enqueue_dma source(%dma_start3A_139 : memref<128x16xf32, #tpu.memory_space<hbm>>) target(%dma_start3A_138 : memref<128x16xf32, #tpu.memory_space<vmem>>) target_semaphore(%arg14 : memref<!tpu.dma_semaphore, #tpu.memory_space<semaphore_mem>>)
    %scan3A_140 = arith.constant 0 : i32
    %scan3A_141 = arith.constant 40 : i32
    %scan3A_142 = arith.addi %scan3A_140, %scan3A_141 : i32
    %scan3A_143 = arith.constant 1 : i32
    scf.for %scan3A_202 = %scan3A_140 to %scan3A_142 step %scan3A_143  : i32 {
      %mul3A_203 = arith.constant 1 : i32
      %mul3A_204 = arith.muli %scan3A_202, %mul3A_203 : i32
      %add3A_205 = arith.constant 0 : i32
      %add3A_206 = arith.addi %add3A_205, %mul3A_204 : i32
      %mul3A_207 = arith.constant 2500 : i32
      %mul3A_208 = arith.muli %add3A_206, %mul3A_207 : i32
      %add3A_209 = arith.addi %multiple_of3A, %mul3A_208 : i32
      %multiple_of3A_210 = tpu.assume_multiple %add3A_209, 8 : i32
      %dma_wait3A = tpu.memref_slice %arg7[%multiple_of3A_210] : memref<1600000xf32, #tpu.memory_space<vmem_shared>> -> memref<2500xf32, #tpu.memory_space<vmem_shared>>
      %dma_wait3A_211 = tpu.memref_slice %arg7[%multiple_of3A_210] : memref<1600000xf32, #tpu.memory_space<vmem_shared>> -> memref<2500xf32, #tpu.memory_space<vmem_shared>>
      tpu.wait_dma2 semaphore(%arg16 : memref<!tpu.dma_semaphore, #tpu.memory_space<semaphore_mem>>) src(%arg12 : memref<2500xf32, #tpu.memory_space<vmem>>) dst(%dma_wait3A_211 : memref<2500xf32, #tpu.memory_space<vmem_shared>>)
    }
    %scan3A_144 = arith.constant 40 : i32
    %barrier3A_145 = arith.constant 0 : index
    tpu.barrier barrier_id(%barrier3A_145)
    %scan3A_146 = arith.constant 0 : i32
    %scan3A_147 = arith.constant 8 : i32
    %scan3A_148 = arith.addi %scan3A_146, %scan3A_147 : i32
    %scan3A_149 = arith.constant 1 : i32
    scf.for %scan3A_202 = %scan3A_146 to %scan3A_148 step %scan3A_149  : i32 {
      %mul3A_203 = arith.constant 1 : i32
      %mul3A_204 = arith.muli %scan3A_202, %mul3A_203 : i32
      %add3A_205 = arith.constant 0 : i32
      %add3A_206 = arith.addi %add3A_205, %mul3A_204 : i32
      %rem3A = arith.constant 2 : i32
      %rem3A_207 = arith.remsi %add3A_206, %rem3A : i32
      %dma_wait3A = arith.constant 0 : i32
      %dma_wait3A_208 = arith.constant 0 : i32
      %dma_wait3A_209 = tpu.memref_slice %arg8[%rem3A_207, %dma_wait3A, %dma_wait3A_208] : memref<2x128x16xi32, #tpu.memory_space<vmem>> -> memref<1x128x16xi32, #tpu.memory_space<vmem>>
      %dma_wait3A_210 = tpu.memref_squeeze %dma_wait3A_209 : memref<1x128x16xi32, #tpu.memory_space<vmem>> -> memref<128x16xi32, #tpu.memory_space<vmem>>
      %dma_wait3A_211 = arith.constant 0 : i32
      %dma_wait3A_212 = tpu.memref_slice %arg3[%dma_wait3A_211, %multiple_of3A_108] : memref<16384x64xi32, #tpu.memory_space<hbm>> -> memref<128x16xi32, #tpu.memory_space<hbm>>
      %dma_wait3A_213 = arith.constant 0 : i32
      %dma_wait3A_214 = arith.constant 0 : i32
      %dma_wait3A_215 = tpu.memref_slice %arg8[%rem3A_207, %dma_wait3A_213, %dma_wait3A_214] : memref<2x128x16xi32, #tpu.memory_space<vmem>> -> memref<1x128x16xi32, #tpu.memory_space<vmem>>
      %dma_wait3A_216 = tpu.memref_squeeze %dma_wait3A_215 : memref<1x128x16xi32, #tpu.memory_space<vmem>> -> memref<128x16xi32, #tpu.memory_space<vmem>>
      %dma_wait3A_217 = arith.constant 0 : i32
      %dma_wait3A_218 = tpu.memref_slice %arg3[%dma_wait3A_217, %multiple_of3A_108] : memref<16384x64xi32, #tpu.memory_space<hbm>> -> memref<128x16xi32, #tpu.memory_space<hbm>>
      tpu.wait_dma2 semaphore(%arg13 : memref<!tpu.dma_semaphore, #tpu.memory_space<semaphore_mem>>) src(%dma_wait3A_218 : memref<128x16xi32, #tpu.memory_space<hbm>>) dst(%dma_wait3A_216 : memref<128x16xi32, #tpu.memory_space<vmem>>)
      %dma_wait3A_219 = arith.constant 0 : i32
      %dma_wait3A_220 = arith.constant 0 : i32
      %dma_wait3A_221 = tpu.memref_slice %arg9[%rem3A_207, %dma_wait3A_219, %dma_wait3A_220] : memref<2x128x16xf32, #tpu.memory_space<vmem>> -> memref<1x128x16xf32, #tpu.memory_space<vmem>>
      %dma_wait3A_222 = tpu.memref_squeeze %dma_wait3A_221 : memref<1x128x16xf32, #tpu.memory_space<vmem>> -> memref<128x16xf32, #tpu.memory_space<vmem>>
      %dma_wait3A_223 = arith.constant 0 : i32
      %dma_wait3A_224 = tpu.memref_slice %arg4[%dma_wait3A_223, %multiple_of3A_108] : memref<16384x64xf32, #tpu.memory_space<hbm>> -> memref<128x16xf32, #tpu.memory_space<hbm>>
      %dma_wait3A_225 = arith.constant 0 : i32
      %dma_wait3A_226 = arith.constant 0 : i32
      %dma_wait3A_227 = tpu.memref_slice %arg9[%rem3A_207, %dma_wait3A_225, %dma_wait3A_226] : memref<2x128x16xf32, #tpu.memory_space<vmem>> -> memref<1x128x16xf32, #tpu.memory_space<vmem>>
      %dma_wait3A_228 = tpu.memref_squeeze %dma_wait3A_227 : memref<1x128x16xf32, #tpu.memory_space<vmem>> -> memref<128x16xf32, #tpu.memory_space<vmem>>
      %dma_wait3A_229 = arith.constant 0 : i32
      %dma_wait3A_230 = tpu.memref_slice %arg4[%dma_wait3A_229, %multiple_of3A_108] : memref<16384x64xf32, #tpu.memory_space<hbm>> -> memref<128x16xf32, #tpu.memory_space<hbm>>
      tpu.wait_dma2 semaphore(%arg14 : memref<!tpu.dma_semaphore, #tpu.memory_space<semaphore_mem>>) src(%dma_wait3A_230 : memref<128x16xf32, #tpu.memory_space<hbm>>) dst(%dma_wait3A_228 : memref<128x16xf32, #tpu.memory_space<vmem>>)
      %scan3A_231 = arith.constant 0 : i32
      %scan3A_232 = arith.constant 16 : i32
      %scan3A_233 = arith.addi %scan3A_231, %scan3A_232 : i32
      %scan3A_234 = arith.constant 1 : i32
      scf.for %scan3A_243 = %scan3A_231 to %scan3A_233 step %scan3A_234  : i32 {
        %mul3A_244 = arith.constant 1 : i32
        %mul3A_245 = arith.muli %scan3A_243, %mul3A_244 : i32
        %add3A_246 = arith.constant 0 : i32
        %add3A_247 = arith.addi %add3A_246, %mul3A_245 : i32
        %mul3A_248 = arith.constant 8 : i32
        %mul3A_249 = arith.muli %add3A_247, %mul3A_248 : i32
        %add3A_250 = arith.constant 0 : i32
        %add3A_251 = arith.addi %mul3A_249, %add3A_250 : i32
        %jit3A = arith.constant 8 : i32
        %eq3A = arith.constant 0 : i32
        %eq3A_252 = arith.cmpi eq, %jit3A, %eq3A : i32
        %jit3A_253 = arith.constant 1 : i32
        %select_n3A = arith.select %eq3A_252, %jit3A_253, %jit3A : i32
        %rem3A_254 = arith.remsi %add3A_251, %select_n3A : i32
        %ne3A = arith.constant 0 : i32
        %ne3A_255 = arith.cmpi ne, %rem3A_254, %ne3A : i32
        %lt3A_256 = arith.constant 0 : i32
        %lt3A_257 = arith.cmpi slt, %rem3A_254, %lt3A_256 : i32
        %lt3A_258 = arith.constant 0 : i32
        %lt3A_259 = arith.cmpi slt, %select_n3A, %lt3A_258 : i32
        %ne3A_260 = arith.xori %lt3A_257, %lt3A_259 : i1
        %and3A = arith.andi %ne3A_260, %ne3A_255 : i1
        %add3A_261 = arith.addi %rem3A_254, %select_n3A : i32
        %select_n3A_262 = arith.select %and3A, %add3A_261, %rem3A_254 : i32
        %mul3A_263 = arith.constant 16 : i32
        %mul3A_264 = arith.muli %select_n3A_262, %mul3A_263 : i32
        %multiple_of3A_265 = tpu.assume_multiple %mul3A_264, 16 : i32
        %get3A = arith.index_cast %rem3A_207 : i32 to index
        %get3A_266 = arith.index_cast %add3A_251 : i32 to index
        %get3A_267 = arith.constant 0 : index
        %get3A_268 = tpu.vector_load %arg8[%get3A, %get3A_266, %get3A_267] {strides = array<i32>} : memref<2x128x16xi32, #tpu.memory_space<vmem>>, vector<1x1x16xi32>,
        %get3A_269 = vector.shape_cast %get3A_268 : vector<1x1x16xi32> to vector<16xi32>
        %mul3A_270 = arith.constant 16 : i32
        %mul3A_271 = vector.broadcast %mul3A_270 : i32 to vector<16xi32>
        %mul3A_272 = arith.muli %get3A_269, %mul3A_271 : vector<16xi32>
        %add3A_273 = arith.addi %mul3A_272, %iota3A : vector<16xi32>
        %swap3A = arith.index_cast %add3A_247 : i32 to index
        %swap3A_274 = arith.index_cast %multiple_of3A_265 : i32 to index
        %swap3A_275 = tpu.vector_load %arg10[%swap3A, %swap3A_274] {strides = array<i32>} : memref<16x128xi32, #tpu.memory_space<vmem>>, vector<1x16xi32>,
        %swap3A_276 = vector.shape_cast %swap3A_275 : vector<1x16xi32> to vector<16xi32>
        %swap3A_277 = vector.shape_cast %add3A_273 : vector<16xi32> to vector<1x16xi32>
        tpu.vector_store %arg10[%swap3A, %swap3A_274], %swap3A_277 {strides = array<i32>} : memref<16x128xi32, #tpu.memory_space<vmem>>, vector<1x16xi32>,
        %get3A_278 = arith.index_cast %rem3A_207 : i32 to index
        %get3A_279 = arith.index_cast %add3A_251 : i32 to index
        %get3A_280 = arith.constant 0 : index
        %get3A_281 = tpu.vector_load %arg9[%get3A_278, %get3A_279, %get3A_280] {strides = array<i32>} : memref<2x128x16xf32, #tpu.memory_space<vmem>>, vector<1x1x16xf32>,
        %get3A_282 = vector.shape_cast %get3A_281 : vector<1x1x16xf32> to vector<16xf32>
        %swap3A_283 = arith.index_cast %add3A_247 : i32 to index
        %swap3A_284 = arith.index_cast %multiple_of3A_265 : i32 to index
        %swap3A_285 = tpu.vector_load %arg11[%swap3A_283, %swap3A_284] {strides = array<i32>} : memref<16x128xf32, #tpu.memory_space<vmem>>, vector<1x16xf32>,
        %swap3A_286 = vector.shape_cast %swap3A_285 : vector<1x16xf32> to vector<16xf32>
        %swap3A_287 = vector.shape_cast %get3A_282 : vector<16xf32> to vector<1x16xf32>
        tpu.vector_store %arg11[%swap3A_283, %swap3A_284], %swap3A_287 {strides = array<i32>} : memref<16x128xf32, #tpu.memory_space<vmem>>, vector<1x16xf32>,
        %mul3A_288 = arith.constant 8 : i32
        %mul3A_289 = arith.muli %add3A_247, %mul3A_288 : i32
        %add3A_290 = arith.constant 1 : i32
        %add3A_291 = arith.addi %mul3A_289, %add3A_290 : i32
        %jit3A_292 = arith.constant 8 : i32
        %eq3A_293 = arith.constant 0 : i32
        %eq3A_294 = arith.cmpi eq, %jit3A_292, %eq3A_293 : i32
        %jit3A_295 = arith.constant 1 : i32
        %select_n3A_296 = arith.select %eq3A_294, %jit3A_295, %jit3A_292 : i32
        %rem3A_297 = arith.remsi %add3A_291, %select_n3A_296 : i32
        %ne3A_298 = arith.constant 0 : i32
        %ne3A_299 = arith.cmpi ne, %rem3A_297, %ne3A_298 : i32
        %lt3A_300 = arith.constant 0 : i32
        %lt3A_301 = arith.cmpi slt, %rem3A_297, %lt3A_300 : i32
        %lt3A_302 = arith.constant 0 : i32
        %lt3A_303 = arith.cmpi slt, %select_n3A_296, %lt3A_302 : i32
        %ne3A_304 = arith.xori %lt3A_301, %lt3A_303 : i1
        %and3A_305 = arith.andi %ne3A_304, %ne3A_299 : i1
        %add3A_306 = arith.addi %rem3A_297, %select_n3A_296 : i32
        %select_n3A_307 = arith.select %and3A_305, %add3A_306, %rem3A_297 : i32
        %mul3A_308 = arith.constant 16 : i32
        %mul3A_309 = arith.muli %select_n3A_307, %mul3A_308 : i32
        %multiple_of3A_310 = tpu.assume_multiple %mul3A_309, 16 : i32
        %get3A_311 = arith.index_cast %rem3A_207 : i32 to index
        %get3A_312 = arith.index_cast %add3A_291 : i32 to index
        %get3A_313 = arith.constant 0 : index
        %get3A_314 = tpu.vector_load %arg8[%get3A_311, %get3A_312, %get3A_313] {strides = array<i32>} : memref<2x128x16xi32, #tpu.memory_space<vmem>>, vector<1x1x16xi32>,
        %get3A_315 = vector.shape_cast %get3A_314 : vector<1x1x16xi32> to vector<16xi32>
        %mul3A_316 = arith.constant 16 : i32
        %mul3A_317 = vector.broadcast %mul3A_316 : i32 to vector<16xi32>
        %mul3A_318 = arith.muli %get3A_315, %mul3A_317 : vector<16xi32>
        %add3A_319 = arith.addi %mul3A_318, %iota3A : vector<16xi32>
        %swap3A_320 = arith.index_cast %add3A_247 : i32 to index
        %swap3A_321 = arith.index_cast %multiple_of3A_310 : i32 to index
        %swap3A_322 = tpu.vector_load %arg10[%swap3A_320, %swap3A_321] {strides = array<i32>} : memref<16x128xi32, #tpu.memory_space<vmem>>, vector<1x16xi32>,
        %swap3A_323 = vector.shape_cast %swap3A_322 : vector<1x16xi32> to vector<16xi32>
        %swap3A_324 = vector.shape_cast %add3A_319 : vector<16xi32> to vector<1x16xi32>
        tpu.vector_store %arg10[%swap3A_320, %swap3A_321], %swap3A_324 {strides = array<i32>} : memref<16x128xi32, #tpu.memory_space<vmem>>, vector<1x16xi32>,
        %get3A_325 = arith.index_cast %rem3A_207 : i32 to index
        %get3A_326 = arith.index_cast %add3A_291 : i32 to index
        %get3A_327 = arith.constant 0 : index
        %get3A_328 = tpu.vector_load %arg9[%get3A_325, %get3A_326, %get3A_327] {strides = array<i32>} : memref<2x128x16xf32, #tpu.memory_space<vmem>>, vector<1x1x16xf32>,
        %get3A_329 = vector.shape_cast %get3A_328 : vector<1x1x16xf32> to vector<16xf32>
        %swap3A_330 = arith.index_cast %add3A_247 : i32 to index
        %swap3A_331 = arith.index_cast %multiple_of3A_310 : i32 to index
        %swap3A_332 = tpu.vector_load %arg11[%swap3A_330, %swap3A_331] {strides = array<i32>} : memref<16x128xf32, #tpu.memory_space<vmem>>, vector<1x16xf32>,
        %swap3A_333 = vector.shape_cast %swap3A_332 : vector<1x16xf32> to vector<16xf32>
        %swap3A_334 = vector.shape_cast %get3A_329 : vector<16xf32> to vector<1x16xf32>
        tpu.vector_store %arg11[%swap3A_330, %swap3A_331], %swap3A_334 {strides = array<i32>} : memref<16x128xf32, #tpu.memory_space<vmem>>, vector<1x16xf32>,
        %mul3A_335 = arith.constant 8 : i32
        %mul3A_336 = arith.muli %add3A_247, %mul3A_335 : i32
        %add3A_337 = arith.constant 2 : i32
        %add3A_338 = arith.addi %mul3A_336, %add3A_337 : i32
        %jit3A_339 = arith.constant 8 : i32
        %eq3A_340 = arith.constant 0 : i32
        %eq3A_341 = arith.cmpi eq, %jit3A_339, %eq3A_340 : i32
        %jit3A_342 = arith.constant 1 : i32
        %select_n3A_343 = arith.select %eq3A_341, %jit3A_342, %jit3A_339 : i32
        %rem3A_344 = arith.remsi %add3A_338, %select_n3A_343 : i32
        %ne3A_345 = arith.constant 0 : i32
        %ne3A_346 = arith.cmpi ne, %rem3A_344, %ne3A_345 : i32
        %lt3A_347 = arith.constant 0 : i32
        %lt3A_348 = arith.cmpi slt, %rem3A_344, %lt3A_347 : i32
        %lt3A_349 = arith.constant 0 : i32
        %lt3A_350 = arith.cmpi slt, %select_n3A_343, %lt3A_349 : i32
        %ne3A_351 = arith.xori %lt3A_348, %lt3A_350 : i1
        %and3A_352 = arith.andi %ne3A_351, %ne3A_346 : i1
        %add3A_353 = arith.addi %rem3A_344, %select_n3A_343 : i32
        %select_n3A_354 = arith.select %and3A_352, %add3A_353, %rem3A_344 : i32
        %mul3A_355 = arith.constant 16 : i32
        %mul3A_356 = arith.muli %select_n3A_354, %mul3A_355 : i32
        %multiple_of3A_357 = tpu.assume_multiple %mul3A_356, 16 : i32
        %get3A_358 = arith.index_cast %rem3A_207 : i32 to index
        %get3A_359 = arith.index_cast %add3A_338 : i32 to index
        %get3A_360 = arith.constant 0 : index
        %get3A_361 = tpu.vector_load %arg8[%get3A_358, %get3A_359, %get3A_360] {strides = array<i32>} : memref<2x128x16xi32, #tpu.memory_space<vmem>>, vector<1x1x16xi32>,
        %get3A_362 = vector.shape_cast %get3A_361 : vector<1x1x16xi32> to vector<16xi32>
        %mul3A_363 = arith.constant 16 : i32
        %mul3A_364 = vector.broadcast %mul3A_363 : i32 to vector<16xi32>
        %mul3A_365 = arith.muli %get3A_362, %mul3A_364 : vector<16xi32>
        %add3A_366 = arith.addi %mul3A_365, %iota3A : vector<16xi32>
        %swap3A_367 = arith.index_cast %add3A_247 : i32 to index
        %swap3A_368 = arith.index_cast %multiple_of3A_357 : i32 to index
        %swap3A_369 = tpu.vector_load %arg10[%swap3A_367, %swap3A_368] {strides = array<i32>} : memref<16x128xi32, #tpu.memory_space<vmem>>, vector<1x16xi32>,
        %swap3A_370 = vector.shape_cast %swap3A_369 : vector<1x16xi32> to vector<16xi32>
        %swap3A_371 = vector.shape_cast %add3A_366 : vector<16xi32> to vector<1x16xi32>
        tpu.vector_store %arg10[%swap3A_367, %swap3A_368], %swap3A_371 {strides = array<i32>} : memref<16x128xi32, #tpu.memory_space<vmem>>, vector<1x16xi32>,
        %get3A_372 = arith.index_cast %rem3A_207 : i32 to index
        %get3A_373 = arith.index_cast %add3A_338 : i32 to index
        %get3A_374 = arith.constant 0 : index
        %get3A_375 = tpu.vector_load %arg9[%get3A_372, %get3A_373, %get3A_374] {strides = array<i32>} : memref<2x128x16xf32, #tpu.memory_space<vmem>>, vector<1x1x16xf32>,
        %get3A_376 = vector.shape_cast %get3A_375 : vector<1x1x16xf32> to vector<16xf32>
        %swap3A_377 = arith.index_cast %add3A_247 : i32 to index
        %swap3A_378 = arith.index_cast %multiple_of3A_357 : i32 to index
        %swap3A_379 = tpu.vector_load %arg11[%swap3A_377, %swap3A_378] {strides = array<i32>} : memref<16x128xf32, #tpu.memory_space<vmem>>, vector<1x16xf32>,
        %swap3A_380 = vector.shape_cast %swap3A_379 : vector<1x16xf32> to vector<16xf32>
        %swap3A_381 = vector.shape_cast %get3A_376 : vector<16xf32> to vector<1x16xf32>
        tpu.vector_store %arg11[%swap3A_377, %swap3A_378], %swap3A_381 {strides = array<i32>} : memref<16x128xf32, #tpu.memory_space<vmem>>, vector<1x16xf32>,
        %mul3A_382 = arith.constant 8 : i32
        %mul3A_383 = arith.muli %add3A_247, %mul3A_382 : i32
        %add3A_384 = arith.constant 3 : i32
        %add3A_385 = arith.addi %mul3A_383, %add3A_384 : i32
        %jit3A_386 = arith.constant 8 : i32
        %eq3A_387 = arith.constant 0 : i32
        %eq3A_388 = arith.cmpi eq, %jit3A_386, %eq3A_387 : i32
        %jit3A_389 = arith.constant 1 : i32
        %select_n3A_390 = arith.select %eq3A_388, %jit3A_389, %jit3A_386 : i32
        %rem3A_391 = arith.remsi %add3A_385, %select_n3A_390 : i32
        %ne3A_392 = arith.constant 0 : i32
        %ne3A_393 = arith.cmpi ne, %rem3A_391, %ne3A_392 : i32
        %lt3A_394 = arith.constant 0 : i32
        %lt3A_395 = arith.cmpi slt, %rem3A_391, %lt3A_394 : i32
        %lt3A_396 = arith.constant 0 : i32
        %lt3A_397 = arith.cmpi slt, %select_n3A_390, %lt3A_396 : i32
        %ne3A_398 = arith.xori %lt3A_395, %lt3A_397 : i1
        %and3A_399 = arith.andi %ne3A_398, %ne3A_393 : i1
        %add3A_400 = arith.addi %rem3A_391, %select_n3A_390 : i32
        %select_n3A_401 = arith.select %and3A_399, %add3A_400, %rem3A_391 : i32
        %mul3A_402 = arith.constant 16 : i32
        %mul3A_403 = arith.muli %select_n3A_401, %mul3A_402 : i32
        %multiple_of3A_404 = tpu.assume_multiple %mul3A_403, 16 : i32
        %get3A_405 = arith.index_cast %rem3A_207 : i32 to index
        %get3A_406 = arith.index_cast %add3A_385 : i32 to index
        %get3A_407 = arith.constant 0 : index
        %get3A_408 = tpu.vector_load %arg8[%get3A_405, %get3A_406, %get3A_407] {strides = array<i32>} : memref<2x128x16xi32, #tpu.memory_space<vmem>>, vector<1x1x16xi32>,
        %get3A_409 = vector.shape_cast %get3A_408 : vector<1x1x16xi32> to vector<16xi32>
        %mul3A_410 = arith.constant 16 : i32
        %mul3A_411 = vector.broadcast %mul3A_410 : i32 to vector<16xi32>
        %mul3A_412 = arith.muli %get3A_409, %mul3A_411 : vector<16xi32>
        %add3A_413 = arith.addi %mul3A_412, %iota3A : vector<16xi32>
        %swap3A_414 = arith.index_cast %add3A_247 : i32 to index
        %swap3A_415 = arith.index_cast %multiple_of3A_404 : i32 to index
        %swap3A_416 = tpu.vector_load %arg10[%swap3A_414, %swap3A_415] {strides = array<i32>} : memref<16x128xi32, #tpu.memory_space<vmem>>, vector<1x16xi32>,
        %swap3A_417 = vector.shape_cast %swap3A_416 : vector<1x16xi32> to vector<16xi32>
        %swap3A_418 = vector.shape_cast %add3A_413 : vector<16xi32> to vector<1x16xi32>
        tpu.vector_store %arg10[%swap3A_414, %swap3A_415], %swap3A_418 {strides = array<i32>} : memref<16x128xi32, #tpu.memory_space<vmem>>, vector<1x16xi32>,
        %get3A_419 = arith.index_cast %rem3A_207 : i32 to index
        %get3A_420 = arith.index_cast %add3A_385 : i32 to index
        %get3A_421 = arith.constant 0 : index
        %get3A_422 = tpu.vector_load %arg9[%get3A_419, %get3A_420, %get3A_421] {strides = array<i32>} : memref<2x128x16xf32, #tpu.memory_space<vmem>>, vector<1x1x16xf32>,
        %get3A_423 = vector.shape_cast %get3A_422 : vector<1x1x16xf32> to vector<16xf32>
        %swap3A_424 = arith.index_cast %add3A_247 : i32 to index
        %swap3A_425 = arith.index_cast %multiple_of3A_404 : i32 to index
        %swap3A_426 = tpu.vector_load %arg11[%swap3A_424, %swap3A_425] {strides = array<i32>} : memref<16x128xf32, #tpu.memory_space<vmem>>, vector<1x16xf32>,
        %swap3A_427 = vector.shape_cast %swap3A_426 : vector<1x16xf32> to vector<16xf32>
        %swap3A_428 = vector.shape_cast %get3A_423 : vector<16xf32> to vector<1x16xf32>
        tpu.vector_store %arg11[%swap3A_424, %swap3A_425], %swap3A_428 {strides = array<i32>} : memref<16x128xf32, #tpu.memory_space<vmem>>, vector<1x16xf32>,
        %mul3A_429 = arith.constant 8 : i32
        %mul3A_430 = arith.muli %add3A_247, %mul3A_429 : i32
        %add3A_431 = arith.constant 4 : i32
        %add3A_432 = arith.addi %mul3A_430, %add3A_431 : i32
        %jit3A_433 = arith.constant 8 : i32
        %eq3A_434 = arith.constant 0 : i32
        %eq3A_435 = arith.cmpi eq, %jit3A_433, %eq3A_434 : i32
        %jit3A_436 = arith.constant 1 : i32
        %select_n3A_437 = arith.select %eq3A_435, %jit3A_436, %jit3A_433 : i32
        %rem3A_438 = arith.remsi %add3A_432, %select_n3A_437 : i32
        %ne3A_439 = arith.constant 0 : i32
        %ne3A_440 = arith.cmpi ne, %rem3A_438, %ne3A_439 : i32
        %lt3A_441 = arith.constant 0 : i32
        %lt3A_442 = arith.cmpi slt, %rem3A_438, %lt3A_441 : i32
        %lt3A_443 = arith.constant 0 : i32
        %lt3A_444 = arith.cmpi slt, %select_n3A_437, %lt3A_443 : i32
        %ne3A_445 = arith.xori %lt3A_442, %lt3A_444 : i1
        %and3A_446 = arith.andi %ne3A_445, %ne3A_440 : i1
        %add3A_447 = arith.addi %rem3A_438, %select_n3A_437 : i32
        %select_n3A_448 = arith.select %and3A_446, %add3A_447, %rem3A_438 : i32
        %mul3A_449 = arith.constant 16 : i32
        %mul3A_450 = arith.muli %select_n3A_448, %mul3A_449 : i32
        %multiple_of3A_451 = tpu.assume_multiple %mul3A_450, 16 : i32
        %get3A_452 = arith.index_cast %rem3A_207 : i32 to index
        %get3A_453 = arith.index_cast %add3A_432 : i32 to index
        %get3A_454 = arith.constant 0 : index
        %get3A_455 = tpu.vector_load %arg8[%get3A_452, %get3A_453, %get3A_454] {strides = array<i32>} : memref<2x128x16xi32, #tpu.memory_space<vmem>>, vector<1x1x16xi32>,
        %get3A_456 = vector.shape_cast %get3A_455 : vector<1x1x16xi32> to vector<16xi32>
        %mul3A_457 = arith.constant 16 : i32
        %mul3A_458 = vector.broadcast %mul3A_457 : i32 to vector<16xi32>
        %mul3A_459 = arith.muli %get3A_456, %mul3A_458 : vector<16xi32>
        %add3A_460 = arith.addi %mul3A_459, %iota3A : vector<16xi32>
        %swap3A_461 = arith.index_cast %add3A_247 : i32 to index
        %swap3A_462 = arith.index_cast %multiple_of3A_451 : i32 to index
        %swap3A_463 = tpu.vector_load %arg10[%swap3A_461, %swap3A_462] {strides = array<i32>} : memref<16x128xi32, #tpu.memory_space<vmem>>, vector<1x16xi32>,
        %swap3A_464 = vector.shape_cast %swap3A_463 : vector<1x16xi32> to vector<16xi32>
        %swap3A_465 = vector.shape_cast %add3A_460 : vector<16xi32> to vector<1x16xi32>
        tpu.vector_store %arg10[%swap3A_461, %swap3A_462], %swap3A_465 {strides = array<i32>} : memref<16x128xi32, #tpu.memory_space<vmem>>, vector<1x16xi32>,
        %get3A_466 = arith.index_cast %rem3A_207 : i32 to index
        %get3A_467 = arith.index_cast %add3A_432 : i32 to index
        %get3A_468 = arith.constant 0 : index
        %get3A_469 = tpu.vector_load %arg9[%get3A_466, %get3A_467, %get3A_468] {strides = array<i32>} : memref<2x128x16xf32, #tpu.memory_space<vmem>>, vector<1x1x16xf32>,
        %get3A_470 = vector.shape_cast %get3A_469 : vector<1x1x16xf32> to vector<16xf32>
        %swap3A_471 = arith.index_cast %add3A_247 : i32 to index
        %swap3A_472 = arith.index_cast %multiple_of3A_451 : i32 to index
        %swap3A_473 = tpu.vector_load %arg11[%swap3A_471, %swap3A_472] {strides = array<i32>} : memref<16x128xf32, #tpu.memory_space<vmem>>, vector<1x16xf32>,
        %swap3A_474 = vector.shape_cast %swap3A_473 : vector<1x16xf32> to vector<16xf32>
        %swap3A_475 = vector.shape_cast %get3A_470 : vector<16xf32> to vector<1x16xf32>
        tpu.vector_store %arg11[%swap3A_471, %swap3A_472], %swap3A_475 {strides = array<i32>} : memref<16x128xf32, #tpu.memory_space<vmem>>, vector<1x16xf32>,
        %mul3A_476 = arith.constant 8 : i32
        %mul3A_477 = arith.muli %add3A_247, %mul3A_476 : i32
        %add3A_478 = arith.constant 5 : i32
        %add3A_479 = arith.addi %mul3A_477, %add3A_478 : i32
        %jit3A_480 = arith.constant 8 : i32
        %eq3A_481 = arith.constant 0 : i32
        %eq3A_482 = arith.cmpi eq, %jit3A_480, %eq3A_481 : i32
        %jit3A_483 = arith.constant 1 : i32
        %select_n3A_484 = arith.select %eq3A_482, %jit3A_483, %jit3A_480 : i32
        %rem3A_485 = arith.remsi %add3A_479, %select_n3A_484 : i32
        %ne3A_486 = arith.constant 0 : i32
        %ne3A_487 = arith.cmpi ne, %rem3A_485, %ne3A_486 : i32
        %lt3A_488 = arith.constant 0 : i32
        %lt3A_489 = arith.cmpi slt, %rem3A_485, %lt3A_488 : i32
        %lt3A_490 = arith.constant 0 : i32
        %lt3A_491 = arith.cmpi slt, %select_n3A_484, %lt3A_490 : i32
        %ne3A_492 = arith.xori %lt3A_489, %lt3A_491 : i1
        %and3A_493 = arith.andi %ne3A_492, %ne3A_487 : i1
        %add3A_494 = arith.addi %rem3A_485, %select_n3A_484 : i32
        %select_n3A_495 = arith.select %and3A_493, %add3A_494, %rem3A_485 : i32
        %mul3A_496 = arith.constant 16 : i32
        %mul3A_497 = arith.muli %select_n3A_495, %mul3A_496 : i32
        %multiple_of3A_498 = tpu.assume_multiple %mul3A_497, 16 : i32
        %get3A_499 = arith.index_cast %rem3A_207 : i32 to index
        %get3A_500 = arith.index_cast %add3A_479 : i32 to index
        %get3A_501 = arith.constant 0 : index
        %get3A_502 = tpu.vector_load %arg8[%get3A_499, %get3A_500, %get3A_501] {strides = array<i32>} : memref<2x128x16xi32, #tpu.memory_space<vmem>>, vector<1x1x16xi32>,
        %get3A_503 = vector.shape_cast %get3A_502 : vector<1x1x16xi32> to vector<16xi32>
        %mul3A_504 = arith.constant 16 : i32
        %mul3A_505 = vector.broadcast %mul3A_504 : i32 to vector<16xi32>
        %mul3A_506 = arith.muli %get3A_503, %mul3A_505 : vector<16xi32>
        %add3A_507 = arith.addi %mul3A_506, %iota3A : vector<16xi32>
        %swap3A_508 = arith.index_cast %add3A_247 : i32 to index
        %swap3A_509 = arith.index_cast %multiple_of3A_498 : i32 to index
        %swap3A_510 = tpu.vector_load %arg10[%swap3A_508, %swap3A_509] {strides = array<i32>} : memref<16x128xi32, #tpu.memory_space<vmem>>, vector<1x16xi32>,
        %swap3A_511 = vector.shape_cast %swap3A_510 : vector<1x16xi32> to vector<16xi32>
        %swap3A_512 = vector.shape_cast %add3A_507 : vector<16xi32> to vector<1x16xi32>
        tpu.vector_store %arg10[%swap3A_508, %swap3A_509], %swap3A_512 {strides = array<i32>} : memref<16x128xi32, #tpu.memory_space<vmem>>, vector<1x16xi32>,
        %get3A_513 = arith.index_cast %rem3A_207 : i32 to index
        %get3A_514 = arith.index_cast %add3A_479 : i32 to index
        %get3A_515 = arith.constant 0 : index
        %get3A_516 = tpu.vector_load %arg9[%get3A_513, %get3A_514, %get3A_515] {strides = array<i32>} : memref<2x128x16xf32, #tpu.memory_space<vmem>>, vector<1x1x16xf32>,
        %get3A_517 = vector.shape_cast %get3A_516 : vector<1x1x16xf32> to vector<16xf32>
        %swap3A_518 = arith.index_cast %add3A_247 : i32 to index
        %swap3A_519 = arith.index_cast %multiple_of3A_498 : i32 to index
        %swap3A_520 = tpu.vector_load %arg11[%swap3A_518, %swap3A_519] {strides = array<i32>} : memref<16x128xf32, #tpu.memory_space<vmem>>, vector<1x16xf32>,
        %swap3A_521 = vector.shape_cast %swap3A_520 : vector<1x16xf32> to vector<16xf32>
        %swap3A_522 = vector.shape_cast %get3A_517 : vector<16xf32> to vector<1x16xf32>
        tpu.vector_store %arg11[%swap3A_518, %swap3A_519], %swap3A_522 {strides = array<i32>} : memref<16x128xf32, #tpu.memory_space<vmem>>, vector<1x16xf32>,
        %mul3A_523 = arith.constant 8 : i32
        %mul3A_524 = arith.muli %add3A_247, %mul3A_523 : i32
        %add3A_525 = arith.constant 6 : i32
        %add3A_526 = arith.addi %mul3A_524, %add3A_525 : i32
        %jit3A_527 = arith.constant 8 : i32
        %eq3A_528 = arith.constant 0 : i32
        %eq3A_529 = arith.cmpi eq, %jit3A_527, %eq3A_528 : i32
        %jit3A_530 = arith.constant 1 : i32
        %select_n3A_531 = arith.select %eq3A_529, %jit3A_530, %jit3A_527 : i32
        %rem3A_532 = arith.remsi %add3A_526, %select_n3A_531 : i32
        %ne3A_533 = arith.constant 0 : i32
        %ne3A_534 = arith.cmpi ne, %rem3A_532, %ne3A_533 : i32
        %lt3A_535 = arith.constant 0 : i32
        %lt3A_536 = arith.cmpi slt, %rem3A_532, %lt3A_535 : i32
        %lt3A_537 = arith.constant 0 : i32
        %lt3A_538 = arith.cmpi slt, %select_n3A_531, %lt3A_537 : i32
        %ne3A_539 = arith.xori %lt3A_536, %lt3A_538 : i1
        %and3A_540 = arith.andi %ne3A_539, %ne3A_534 : i1
        %add3A_541 = arith.addi %rem3A_532, %select_n3A_531 : i32
        %select_n3A_542 = arith.select %and3A_540, %add3A_541, %rem3A_532 : i32
        %mul3A_543 = arith.constant 16 : i32
        %mul3A_544 = arith.muli %select_n3A_542, %mul3A_543 : i32
        %multiple_of3A_545 = tpu.assume_multiple %mul3A_544, 16 : i32
        %get3A_546 = arith.index_cast %rem3A_207 : i32 to index
        %get3A_547 = arith.index_cast %add3A_526 : i32 to index
        %get3A_548 = arith.constant 0 : index
        %get3A_549 = tpu.vector_load %arg8[%get3A_546, %get3A_547, %get3A_548] {strides = array<i32>} : memref<2x128x16xi32, #tpu.memory_space<vmem>>, vector<1x1x16xi32>,
        %get3A_550 = vector.shape_cast %get3A_549 : vector<1x1x16xi32> to vector<16xi32>
        %mul3A_551 = arith.constant 16 : i32
        %mul3A_552 = vector.broadcast %mul3A_551 : i32 to vector<16xi32>
        %mul3A_553 = arith.muli %get3A_550, %mul3A_552 : vector<16xi32>
        %add3A_554 = arith.addi %mul3A_553, %iota3A : vector<16xi32>
        %swap3A_555 = arith.index_cast %add3A_247 : i32 to index
        %swap3A_556 = arith.index_cast %multiple_of3A_545 : i32 to index
        %swap3A_557 = tpu.vector_load %arg10[%swap3A_555, %swap3A_556] {strides = array<i32>} : memref<16x128xi32, #tpu.memory_space<vmem>>, vector<1x16xi32>,
        %swap3A_558 = vector.shape_cast %swap3A_557 : vector<1x16xi32> to vector<16xi32>
        %swap3A_559 = vector.shape_cast %add3A_554 : vector<16xi32> to vector<1x16xi32>
        tpu.vector_store %arg10[%swap3A_555, %swap3A_556], %swap3A_559 {strides = array<i32>} : memref<16x128xi32, #tpu.memory_space<vmem>>, vector<1x16xi32>,
        %get3A_560 = arith.index_cast %rem3A_207 : i32 to index
        %get3A_561 = arith.index_cast %add3A_526 : i32 to index
        %get3A_562 = arith.constant 0 : index
        %get3A_563 = tpu.vector_load %arg9[%get3A_560, %get3A_561, %get3A_562] {strides = array<i32>} : memref<2x128x16xf32, #tpu.memory_space<vmem>>, vector<1x1x16xf32>,
        %get3A_564 = vector.shape_cast %get3A_563 : vector<1x1x16xf32> to vector<16xf32>
        %swap3A_565 = arith.index_cast %add3A_247 : i32 to index
        %swap3A_566 = arith.index_cast %multiple_of3A_545 : i32 to index
        %swap3A_567 = tpu.vector_load %arg11[%swap3A_565, %swap3A_566] {strides = array<i32>} : memref<16x128xf32, #tpu.memory_space<vmem>>, vector<1x16xf32>,
        %swap3A_568 = vector.shape_cast %swap3A_567 : vector<1x16xf32> to vector<16xf32>
        %swap3A_569 = vector.shape_cast %get3A_564 : vector<16xf32> to vector<1x16xf32>
        tpu.vector_store %arg11[%swap3A_565, %swap3A_566], %swap3A_569 {strides = array<i32>} : memref<16x128xf32, #tpu.memory_space<vmem>>, vector<1x16xf32>,
        %mul3A_570 = arith.constant 8 : i32
        %mul3A_571 = arith.muli %add3A_247, %mul3A_570 : i32
        %add3A_572 = arith.constant 7 : i32
        %add3A_573 = arith.addi %mul3A_571, %add3A_572 : i32
        %jit3A_574 = arith.constant 8 : i32
        %eq3A_575 = arith.constant 0 : i32
        %eq3A_576 = arith.cmpi eq, %jit3A_574, %eq3A_575 : i32
        %jit3A_577 = arith.constant 1 : i32
        %select_n3A_578 = arith.select %eq3A_576, %jit3A_577, %jit3A_574 : i32
        %rem3A_579 = arith.remsi %add3A_573, %select_n3A_578 : i32
        %ne3A_580 = arith.constant 0 : i32
        %ne3A_581 = arith.cmpi ne, %rem3A_579, %ne3A_580 : i32
        %lt3A_582 = arith.constant 0 : i32
        %lt3A_583 = arith.cmpi slt, %rem3A_579, %lt3A_582 : i32
        %lt3A_584 = arith.constant 0 : i32
        %lt3A_585 = arith.cmpi slt, %select_n3A_578, %lt3A_584 : i32
        %ne3A_586 = arith.xori %lt3A_583, %lt3A_585 : i1
        %and3A_587 = arith.andi %ne3A_586, %ne3A_581 : i1
        %add3A_588 = arith.addi %rem3A_579, %select_n3A_578 : i32
        %select_n3A_589 = arith.select %and3A_587, %add3A_588, %rem3A_579 : i32
        %mul3A_590 = arith.constant 16 : i32
        %mul3A_591 = arith.muli %select_n3A_589, %mul3A_590 : i32
        %multiple_of3A_592 = tpu.assume_multiple %mul3A_591, 16 : i32
        %get3A_593 = arith.index_cast %rem3A_207 : i32 to index
        %get3A_594 = arith.index_cast %add3A_573 : i32 to index
        %get3A_595 = arith.constant 0 : index
        %get3A_596 = tpu.vector_load %arg8[%get3A_593, %get3A_594, %get3A_595] {strides = array<i32>} : memref<2x128x16xi32, #tpu.memory_space<vmem>>, vector<1x1x16xi32>,
        %get3A_597 = vector.shape_cast %get3A_596 : vector<1x1x16xi32> to vector<16xi32>
        %mul3A_598 = arith.constant 16 : i32
        %mul3A_599 = vector.broadcast %mul3A_598 : i32 to vector<16xi32>
        %mul3A_600 = arith.muli %get3A_597, %mul3A_599 : vector<16xi32>
        %add3A_601 = arith.addi %mul3A_600, %iota3A : vector<16xi32>
        %swap3A_602 = arith.index_cast %add3A_247 : i32 to index
        %swap3A_603 = arith.index_cast %multiple_of3A_592 : i32 to index
        %swap3A_604 = tpu.vector_load %arg10[%swap3A_602, %swap3A_603] {strides = array<i32>} : memref<16x128xi32, #tpu.memory_space<vmem>>, vector<1x16xi32>,
        %swap3A_605 = vector.shape_cast %swap3A_604 : vector<1x16xi32> to vector<16xi32>
        %swap3A_606 = vector.shape_cast %add3A_601 : vector<16xi32> to vector<1x16xi32>
        tpu.vector_store %arg10[%swap3A_602, %swap3A_603], %swap3A_606 {strides = array<i32>} : memref<16x128xi32, #tpu.memory_space<vmem>>, vector<1x16xi32>,
        %get3A_607 = arith.index_cast %rem3A_207 : i32 to index
        %get3A_608 = arith.index_cast %add3A_573 : i32 to index
        %get3A_609 = arith.constant 0 : index
        %get3A_610 = tpu.vector_load %arg9[%get3A_607, %get3A_608, %get3A_609] {strides = array<i32>} : memref<2x128x16xf32, #tpu.memory_space<vmem>>, vector<1x1x16xf32>,
        %get3A_611 = vector.shape_cast %get3A_610 : vector<1x1x16xf32> to vector<16xf32>
        %swap3A_612 = arith.index_cast %add3A_247 : i32 to index
        %swap3A_613 = arith.index_cast %multiple_of3A_592 : i32 to index
        %swap3A_614 = tpu.vector_load %arg11[%swap3A_612, %swap3A_613] {strides = array<i32>} : memref<16x128xf32, #tpu.memory_space<vmem>>, vector<1x16xf32>,
        %swap3A_615 = vector.shape_cast %swap3A_614 : vector<1x16xf32> to vector<16xf32>
        %swap3A_616 = vector.shape_cast %get3A_611 : vector<16xf32> to vector<1x16xf32>
        tpu.vector_store %arg11[%swap3A_612, %swap3A_613], %swap3A_616 {strides = array<i32>} : memref<16x128xf32, #tpu.memory_space<vmem>>, vector<1x16xf32>,
      }
      %scan3A_235 = arith.constant 16 : i32
      %scan3A_236 = arith.constant 0 : i32
      %scan3A_237 = arith.constant 16 : i32
      %scan3A_238 = arith.addi %scan3A_236, %scan3A_237 : i32
      %scan3A_239 = arith.constant 1 : i32
      scf.for %scan3A_243 = %scan3A_236 to %scan3A_238 step %scan3A_239  : i32 {
        %mul3A_244 = arith.constant 1 : i32
        %mul3A_245 = arith.muli %scan3A_243, %mul3A_244 : i32
        %add3A_246 = arith.constant 0 : i32
        %add3A_247 = arith.addi %add3A_246, %mul3A_245 : i32
        %dma_start3A_248 = arith.constant 0 : i32
        %dma_start3A_249 = tpu.memref_slice %arg11[%add3A_247, %dma_start3A_248] : memref<16x128xf32, #tpu.memory_space<vmem>> -> memref<1x128xf32, #tpu.memory_space<vmem>>
        %dma_start3A_250 = tpu.memref_squeeze %dma_start3A_249 : memref<1x128xf32, #tpu.memory_space<vmem>> -> memref<128xf32, #tpu.memory_space<vmem>>
        %dma_start3A_251 = arith.constant 0 : i32
        %dma_start3A_252 = tpu.memref_slice %arg10[%add3A_247, %dma_start3A_251] : memref<16x128xi32, #tpu.memory_space<vmem>> -> memref<1x128xi32, #tpu.memory_space<vmem>>
        %dma_start3A_253 = tpu.memref_squeeze %dma_start3A_252 : memref<1x128xi32, #tpu.memory_space<vmem>> -> memref<128xi32, #tpu.memory_space<vmem>>
        %dma_start3A_254 = arith.constant 0 : i32
        %dma_start3A_255 = tpu.memref_slice %arg7[%dma_start3A_254] : memref<1600000xf32, #tpu.memory_space<vmem_shared>> -> memref<1600000xf32, #tpu.memory_space<vmem_shared>>
        tpu.enqueue_indirect_dma source(%dma_start3A_250 : memref<128xf32, #tpu.memory_space<vmem>>) target(%dma_start3A_255 : memref<1600000xf32, #tpu.memory_space<vmem_shared>>) offsets(%dma_start3A_253 : memref<128xi32, #tpu.memory_space<vmem>>) semaphore(%arg15 : memref<!tpu.dma_semaphore, #tpu.memory_space<semaphore_mem>>) {add = true}
        %dma_wait3A_256 = arith.constant 0 : i32
        %dma_wait3A_257 = tpu.memref_slice %arg11[%add3A_247, %dma_wait3A_256] : memref<16x128xf32, #tpu.memory_space<vmem>> -> memref<1x128xf32, #tpu.memory_space<vmem>>
        %dma_wait3A_258 = tpu.memref_squeeze %dma_wait3A_257 : memref<1x128xf32, #tpu.memory_space<vmem>> -> memref<128xf32, #tpu.memory_space<vmem>>
        %dma_wait3A_259 = arith.constant 0 : i32
        %dma_wait3A_260 = tpu.memref_slice %arg10[%add3A_247, %dma_wait3A_259] : memref<16x128xi32, #tpu.memory_space<vmem>> -> memref<1x128xi32, #tpu.memory_space<vmem>>
        %dma_wait3A_261 = tpu.memref_squeeze %dma_wait3A_260 : memref<1x128xi32, #tpu.memory_space<vmem>> -> memref<128xi32, #tpu.memory_space<vmem>>
        %dma_wait3A_262 = arith.constant 0 : i32
        %dma_wait3A_263 = tpu.memref_slice %arg7[%dma_wait3A_262] : memref<1600000xf32, #tpu.memory_space<vmem_shared>> -> memref<1600000xf32, #tpu.memory_space<vmem_shared>>
        tpu.wait_indirect_dma semaphore(%arg15 : memref<!tpu.dma_semaphore, #tpu.memory_space<semaphore_mem>>) src(%dma_wait3A_258 : memref<128xf32, #tpu.memory_space<vmem>>) dst(%dma_wait3A_263 : memref<1600000xf32, #tpu.memory_space<vmem_shared>>)
      }
      %scan3A_240 = arith.constant 16 : i32
      %lt3A = arith.constant 7 : i32
      %lt3A_241 = arith.cmpi slt, %add3A_206, %lt3A : i32
      %convert_element_type3A = arith.extui %lt3A_241 : i1 to i32
      %cond3A = arith.constant 0 : i32
      %cond3A_242 = arith.cmpi ne, %convert_element_type3A, %cond3A : i32
      scf.if %cond3A_242 {
        %add3A_243 = arith.constant 1 : i32
        %add3A_244 = arith.addi %add3A_206, %add3A_243 : i32
        %sub3A = arith.constant 1 : i32
        %sub3A_245 = arith.subi %sub3A, %rem3A_207 : i32
        %mul3A_246 = arith.constant 1024 : i32
        %mul3A_247 = arith.muli %arg1, %mul3A_246 : i32
        %mul3A_248 = arith.constant 128 : i32
        %mul3A_249 = arith.muli %add3A_244, %mul3A_248 : i32
        %add3A_250 = arith.addi %mul3A_247, %mul3A_249 : i32
        %dma_start3A_251 = arith.constant 0 : i32
        %dma_start3A_252 = arith.constant 0 : i32
        %dma_start3A_253 = tpu.memref_slice %arg8[%sub3A_245, %dma_start3A_251, %dma_start3A_252] : memref<2x128x16xi32, #tpu.memory_space<vmem>> -> memref<1x128x16xi32, #tpu.memory_space<vmem>>
        %dma_start3A_254 = tpu.memref_squeeze %dma_start3A_253 : memref<1x128x16xi32, #tpu.memory_space<vmem>> -> memref<128x16xi32, #tpu.memory_space<vmem>>
        %dma_start3A_255 = tpu.memref_slice %arg3[%add3A_250, %multiple_of3A_108] : memref<16384x64xi32, #tpu.memory_space<hbm>> -> memref<128x16xi32, #tpu.memory_space<hbm>>
        %dma_start3A_256 = arith.constant 0 : i32
        %dma_start3A_257 = arith.constant 0 : i32
        %dma_start3A_258 = tpu.memref_slice %arg8[%sub3A_245, %dma_start3A_256, %dma_start3A_257] : memref<2x128x16xi32, #tpu.memory_space<vmem>> -> memref<1x128x16xi32, #tpu.memory_space<vmem>>
        %dma_start3A_259 = tpu.memref_squeeze %dma_start3A_258 : memref<1x128x16xi32, #tpu.memory_space<vmem>> -> memref<128x16xi32, #tpu.memory_space<vmem>>
        %dma_start3A_260 = tpu.memref_slice %arg3[%add3A_250, %multiple_of3A_108] : memref<16384x64xi32, #tpu.memory_space<hbm>> -> memref<128x16xi32, #tpu.memory_space<hbm>>
        tpu.enqueue_dma source(%dma_start3A_260 : memref<128x16xi32, #tpu.memory_space<hbm>>) target(%dma_start3A_259 : memref<128x16xi32, #tpu.memory_space<vmem>>) target_semaphore(%arg13 : memref<!tpu.dma_semaphore, #tpu.memory_space<semaphore_mem>>)
        %dma_start3A_261 = arith.constant 0 : i32
        %dma_start3A_262 = arith.constant 0 : i32
        %dma_start3A_263 = tpu.memref_slice %arg9[%sub3A_245, %dma_start3A_261, %dma_start3A_262] : memref<2x128x16xf32, #tpu.memory_space<vmem>> -> memref<1x128x16xf32, #tpu.memory_space<vmem>>
        %dma_start3A_264 = tpu.memref_squeeze %dma_start3A_263 : memref<1x128x16xf32, #tpu.memory_space<vmem>> -> memref<128x16xf32, #tpu.memory_space<vmem>>
        %dma_start3A_265 = tpu.memref_slice %arg4[%add3A_250, %multiple_of3A_108] : memref<16384x64xf32, #tpu.memory_space<hbm>> -> memref<128x16xf32, #tpu.memory_space<hbm>>
        %dma_start3A_266 = arith.constant 0 : i32
        %dma_start3A_267 = arith.constant 0 : i32
        %dma_start3A_268 = tpu.memref_slice %arg9[%sub3A_245, %dma_start3A_266, %dma_start3A_267] : memref<2x128x16xf32, #tpu.memory_space<vmem>> -> memref<1x128x16xf32, #tpu.memory_space<vmem>>
        %dma_start3A_269 = tpu.memref_squeeze %dma_start3A_268 : memref<1x128x16xf32, #tpu.memory_space<vmem>> -> memref<128x16xf32, #tpu.memory_space<vmem>>
        %dma_start3A_270 = tpu.memref_slice %arg4[%add3A_250, %multiple_of3A_108] : memref<16384x64xf32, #tpu.memory_space<hbm>> -> memref<128x16xf32, #tpu.memory_space<hbm>>
        tpu.enqueue_dma source(%dma_start3A_270 : memref<128x16xf32, #tpu.memory_space<hbm>>) target(%dma_start3A_269 : memref<128x16xf32, #tpu.memory_space<vmem>>) target_semaphore(%arg14 : memref<!tpu.dma_semaphore, #tpu.memory_space<semaphore_mem>>)
      } else {
      }
    }
    %scan3A_150 = arith.constant 8 : i32
    %barrier3A_151 = arith.constant 0 : index
    tpu.barrier barrier_id(%barrier3A_151)
    "tpu.region"() ({
      %run_scoped3A = tpu.sem_alloc : memref<!tpu.dma_semaphore, #tpu.memory_space<semaphore_mem>>
      %dma_start3A_202 = tpu.memref_slice %arg6[%add3A_105, %multiple_of3A] : memref<4x1600000xf32, #tpu.memory_space<hbm>> -> memref<1x100000xf32, #tpu.memory_space<hbm>>
      %dma_start3A_203 = tpu.memref_squeeze %dma_start3A_202 : memref<1x100000xf32, #tpu.memory_space<hbm>> -> memref<100000xf32, #tpu.memory_space<hbm>>
      %dma_start3A_204 = tpu.memref_slice %arg7[%multiple_of3A] : memref<1600000xf32, #tpu.memory_space<vmem_shared>> -> memref<100000xf32, #tpu.memory_space<vmem_shared>>
      tpu.enqueue_dma source(%dma_start3A_204 : memref<100000xf32, #tpu.memory_space<vmem_shared>>) target(%dma_start3A_203 : memref<100000xf32, #tpu.memory_space<hbm>>) target_semaphore(%run_scoped3A : memref<!tpu.dma_semaphore, #tpu.memory_space<semaphore_mem>>)
      %dma_wait3A = tpu.memref_slice %arg6[%add3A_105, %multiple_of3A] : memref<4x1600000xf32, #tpu.memory_space<hbm>> -> memref<1x100000xf32, #tpu.memory_space<hbm>>
      %dma_wait3A_205 = tpu.memref_squeeze %dma_wait3A : memref<1x100000xf32, #tpu.memory_space<hbm>> -> memref<100000xf32, #tpu.memory_space<hbm>>
      %dma_wait3A_206 = tpu.memref_slice %arg7[%multiple_of3A] : memref<1600000xf32, #tpu.memory_space<vmem_shared>> -> memref<100000xf32, #tpu.memory_space<vmem_shared>>
      tpu.wait_dma2 semaphore(%run_scoped3A : memref<!tpu.dma_semaphore, #tpu.memory_space<semaphore_mem>>) src(%dma_wait3A_206 : memref<100000xf32, #tpu.memory_space<vmem_shared>>) dst(%dma_wait3A_205 : memref<100000xf32, #tpu.memory_space<hbm>>)
      tpu.yield
    }) : () -> ()
    %mul3A_152 = arith.constant 2 : i32
    %mul3A_153 = arith.muli %arg0, %mul3A_152 : i32
    %add3A_154 = arith.constant 1 : i32
    %add3A_155 = arith.addi %mul3A_153, %add3A_154 : i32
    %mul3A_156 = arith.constant 16 : i32
    %mul3A_157 = arith.muli %add3A_155, %mul3A_156 : i32
    %multiple_of3A_158 = tpu.assume_multiple %mul3A_157, 16 : i32
    %scan3A_159 = arith.constant 0 : i32
    %scan3A_160 = arith.constant 40 : i32
    %scan3A_161 = arith.addi %scan3A_159, %scan3A_160 : i32
    %scan3A_162 = arith.constant 1 : i32
    scf.for %scan3A_202 = %scan3A_159 to %scan3A_161 step %scan3A_162  : i32 {
      %mul3A_203 = arith.constant 1 : i32
      %mul3A_204 = arith.muli %scan3A_202, %mul3A_203 : i32
      %add3A_205 = arith.constant 0 : i32
      %add3A_206 = arith.addi %add3A_205, %mul3A_204 : i32
      %mul3A_207 = arith.constant 2500 : i32
      %mul3A_208 = arith.muli %add3A_206, %mul3A_207 : i32
      %add3A_209 = arith.addi %multiple_of3A, %mul3A_208 : i32
      %multiple_of3A_210 = tpu.assume_multiple %add3A_209, 8 : i32
      %dma_start3A_211 = tpu.memref_slice %arg7[%multiple_of3A_210] : memref<1600000xf32, #tpu.memory_space<vmem_shared>> -> memref<2500xf32, #tpu.memory_space<vmem_shared>>
      %dma_start3A_212 = tpu.memref_slice %arg7[%multiple_of3A_210] : memref<1600000xf32, #tpu.memory_space<vmem_shared>> -> memref<2500xf32, #tpu.memory_space<vmem_shared>>
      tpu.enqueue_dma source(%arg12 : memref<2500xf32, #tpu.memory_space<vmem>>) target(%dma_start3A_212 : memref<2500xf32, #tpu.memory_space<vmem_shared>>) target_semaphore(%arg16 : memref<!tpu.dma_semaphore, #tpu.memory_space<semaphore_mem>>)
    }
    %scan3A_163 = arith.constant 40 : i32
    %mul3A_164 = arith.constant 1024 : i32
    %mul3A_165 = arith.muli %arg1, %mul3A_164 : i32
    %add3A_166 = arith.constant 0 : i32
    %add3A_167 = arith.addi %mul3A_165, %add3A_166 : i32
    %dma_start3A_168 = arith.constant 0 : i32
    %dma_start3A_169 = arith.constant 0 : i32
    %dma_start3A_170 = arith.constant 0 : i32
    %dma_start3A_171 = tpu.memref_slice %arg8[%dma_start3A_168, %dma_start3A_169, %dma_start3A_170] : memref<2x128x16xi32, #tpu.memory_space<vmem>> -> memref<1x128x16xi32, #tpu.memory_space<vmem>>
    %dma_start3A_172 = tpu.memref_squeeze %dma_start3A_171 : memref<1x128x16xi32, #tpu.memory_space<vmem>> -> memref<128x16xi32, #tpu.memory_space<vmem>>
    %dma_start3A_173 = tpu.memref_slice %arg3[%add3A_167, %multiple_of3A_158] : memref<16384x64xi32, #tpu.memory_space<hbm>> -> memref<128x16xi32, #tpu.memory_space<hbm>>
    %dma_start3A_174 = arith.constant 0 : i32
    %dma_start3A_175 = arith.constant 0 : i32
    %dma_start3A_176 = tpu.memref_slice %arg8[%dma_start3A_168, %dma_start3A_174, %dma_start3A_175] : memref<2x128x16xi32, #tpu.memory_space<vmem>> -> memref<1x128x16xi32, #tpu.memory_space<vmem>>
    %dma_start3A_177 = tpu.memref_squeeze %dma_start3A_176 : memref<1x128x16xi32, #tpu.memory_space<vmem>> -> memref<128x16xi32, #tpu.memory_space<vmem>>
    %dma_start3A_178 = tpu.memref_slice %arg3[%add3A_167, %multiple_of3A_158] : memref<16384x64xi32, #tpu.memory_space<hbm>> -> memref<128x16xi32, #tpu.memory_space<hbm>>
    tpu.enqueue_dma source(%dma_start3A_178 : memref<128x16xi32, #tpu.memory_space<hbm>>) target(%dma_start3A_177 : memref<128x16xi32, #tpu.memory_space<vmem>>) target_semaphore(%arg13 : memref<!tpu.dma_semaphore, #tpu.memory_space<semaphore_mem>>)
    %dma_start3A_179 = arith.constant 0 : i32
    %dma_start3A_180 = arith.constant 0 : i32
    %dma_start3A_181 = arith.constant 0 : i32
    %dma_start3A_182 = tpu.memref_slice %arg9[%dma_start3A_179, %dma_start3A_180, %dma_start3A_181] : memref<2x128x16xf32, #tpu.memory_space<vmem>> -> memref<1x128x16xf32, #tpu.memory_space<vmem>>
    %dma_start3A_183 = tpu.memref_squeeze %dma_start3A_182 : memref<1x128x16xf32, #tpu.memory_space<vmem>> -> memref<128x16xf32, #tpu.memory_space<vmem>>
    %dma_start3A_184 = tpu.memref_slice %arg4[%add3A_167, %multiple_of3A_158] : memref<16384x64xf32, #tpu.memory_space<hbm>> -> memref<128x16xf32, #tpu.memory_space<hbm>>
    %dma_start3A_185 = arith.constant 0 : i32
    %dma_start3A_186 = arith.constant 0 : i32
    %dma_start3A_187 = tpu.memref_slice %arg9[%dma_start3A_179, %dma_start3A_185, %dma_start3A_186] : memref<2x128x16xf32, #tpu.memory_space<vmem>> -> memref<1x128x16xf32, #tpu.memory_space<vmem>>
    %dma_start3A_188 = tpu.memref_squeeze %dma_start3A_187 : memref<1x128x16xf32, #tpu.memory_space<vmem>> -> memref<128x16xf32, #tpu.memory_space<vmem>>
    %dma_start3A_189 = tpu.memref_slice %arg4[%add3A_167, %multiple_of3A_158] : memref<16384x64xf32, #tpu.memory_space<hbm>> -> memref<128x16xf32, #tpu.memory_space<hbm>>
    tpu.enqueue_dma source(%dma_start3A_189 : memref<128x16xf32, #tpu.memory_space<hbm>>) target(%dma_start3A_188 : memref<128x16xf32, #tpu.memory_space<vmem>>) target_semaphore(%arg14 : memref<!tpu.dma_semaphore, #tpu.memory_space<semaphore_mem>>)
    %scan3A_190 = arith.constant 0 : i32
    %scan3A_191 = arith.constant 40 : i32
    %scan3A_192 = arith.addi %scan3A_190, %scan3A_191 : i32
    %scan3A_193 = arith.constant 1 : i32
    scf.for %scan3A_202 = %scan3A_190 to %scan3A_192 step %scan3A_193  : i32 {
      %mul3A_203 = arith.constant 1 : i32
      %mul3A_204 = arith.muli %scan3A_202, %mul3A_203 : i32
      %add3A_205 = arith.constant 0 : i32
      %add3A_206 = arith.addi %add3A_205, %mul3A_204 : i32
      %mul3A_207 = arith.constant 2500 : i32
      %mul3A_208 = arith.muli %add3A_206, %mul3A_207 : i32
      %add3A_209 = arith.addi %multiple_of3A, %mul3A_208 : i32
      %multiple_of3A_210 = tpu.assume_multiple %add3A_209, 8 : i32
      %dma_wait3A = tpu.memref_slice %arg7[%multiple_of3A_210] : memref<1600000xf32, #tpu.memory_space<vmem_shared>> -> memref<2500xf32, #tpu.memory_space<vmem_shared>>
      %dma_wait3A_211 = tpu.memref_slice %arg7[%multiple_of3A_210] : memref<1600000xf32, #tpu.memory_space<vmem_shared>> -> memref<2500xf32, #tpu.memory_space<vmem_shared>>
      tpu.wait_dma2 semaphore(%arg16 : memref<!tpu.dma_semaphore, #tpu.memory_space<semaphore_mem>>) src(%arg12 : memref<2500xf32, #tpu.memory_space<vmem>>) dst(%dma_wait3A_211 : memref<2500xf32, #tpu.memory_space<vmem_shared>>)
    }
    %scan3A_194 = arith.constant 40 : i32
    %barrier3A_195 = arith.constant 0 : index
    tpu.barrier barrier_id(%barrier3A_195)
    %scan3A_196 = arith.constant 0 : i32
    %scan3A_197 = arith.constant 8 : i32
    %scan3A_198 = arith.addi %scan3A_196, %scan3A_197 : i32
    %scan3A_199 = arith.constant 1 : i32
    scf.for %scan3A_202 = %scan3A_196 to %scan3A_198 step %scan3A_199  : i32 {
      %mul3A_203 = arith.constant 1 : i32
      %mul3A_204 = arith.muli %scan3A_202, %mul3A_203 : i32
      %add3A_205 = arith.constant 0 : i32
      %add3A_206 = arith.addi %add3A_205, %mul3A_204 : i32
      %rem3A = arith.constant 2 : i32
      %rem3A_207 = arith.remsi %add3A_206, %rem3A : i32
      %dma_wait3A = arith.constant 0 : i32
      %dma_wait3A_208 = arith.constant 0 : i32
      %dma_wait3A_209 = tpu.memref_slice %arg8[%rem3A_207, %dma_wait3A, %dma_wait3A_208] : memref<2x128x16xi32, #tpu.memory_space<vmem>> -> memref<1x128x16xi32, #tpu.memory_space<vmem>>
      %dma_wait3A_210 = tpu.memref_squeeze %dma_wait3A_209 : memref<1x128x16xi32, #tpu.memory_space<vmem>> -> memref<128x16xi32, #tpu.memory_space<vmem>>
      %dma_wait3A_211 = arith.constant 0 : i32
      %dma_wait3A_212 = tpu.memref_slice %arg3[%dma_wait3A_211, %multiple_of3A_158] : memref<16384x64xi32, #tpu.memory_space<hbm>> -> memref<128x16xi32, #tpu.memory_space<hbm>>
      %dma_wait3A_213 = arith.constant 0 : i32
      %dma_wait3A_214 = arith.constant 0 : i32
      %dma_wait3A_215 = tpu.memref_slice %arg8[%rem3A_207, %dma_wait3A_213, %dma_wait3A_214] : memref<2x128x16xi32, #tpu.memory_space<vmem>> -> memref<1x128x16xi32, #tpu.memory_space<vmem>>
      %dma_wait3A_216 = tpu.memref_squeeze %dma_wait3A_215 : memref<1x128x16xi32, #tpu.memory_space<vmem>> -> memref<128x16xi32, #tpu.memory_space<vmem>>
      %dma_wait3A_217 = arith.constant 0 : i32
      %dma_wait3A_218 = tpu.memref_slice %arg3[%dma_wait3A_217, %multiple_of3A_158] : memref<16384x64xi32, #tpu.memory_space<hbm>> -> memref<128x16xi32, #tpu.memory_space<hbm>>
      tpu.wait_dma2 semaphore(%arg13 : memref<!tpu.dma_semaphore, #tpu.memory_space<semaphore_mem>>) src(%dma_wait3A_218 : memref<128x16xi32, #tpu.memory_space<hbm>>) dst(%dma_wait3A_216 : memref<128x16xi32, #tpu.memory_space<vmem>>)
      %dma_wait3A_219 = arith.constant 0 : i32
      %dma_wait3A_220 = arith.constant 0 : i32
      %dma_wait3A_221 = tpu.memref_slice %arg9[%rem3A_207, %dma_wait3A_219, %dma_wait3A_220] : memref<2x128x16xf32, #tpu.memory_space<vmem>> -> memref<1x128x16xf32, #tpu.memory_space<vmem>>
      %dma_wait3A_222 = tpu.memref_squeeze %dma_wait3A_221 : memref<1x128x16xf32, #tpu.memory_space<vmem>> -> memref<128x16xf32, #tpu.memory_space<vmem>>
      %dma_wait3A_223 = arith.constant 0 : i32
      %dma_wait3A_224 = tpu.memref_slice %arg4[%dma_wait3A_223, %multiple_of3A_158] : memref<16384x64xf32, #tpu.memory_space<hbm>> -> memref<128x16xf32, #tpu.memory_space<hbm>>
      %dma_wait3A_225 = arith.constant 0 : i32
      %dma_wait3A_226 = arith.constant 0 : i32
      %dma_wait3A_227 = tpu.memref_slice %arg9[%rem3A_207, %dma_wait3A_225, %dma_wait3A_226] : memref<2x128x16xf32, #tpu.memory_space<vmem>> -> memref<1x128x16xf32, #tpu.memory_space<vmem>>
      %dma_wait3A_228 = tpu.memref_squeeze %dma_wait3A_227 : memref<1x128x16xf32, #tpu.memory_space<vmem>> -> memref<128x16xf32, #tpu.memory_space<vmem>>
      %dma_wait3A_229 = arith.constant 0 : i32
      %dma_wait3A_230 = tpu.memref_slice %arg4[%dma_wait3A_229, %multiple_of3A_158] : memref<16384x64xf32, #tpu.memory_space<hbm>> -> memref<128x16xf32, #tpu.memory_space<hbm>>
      tpu.wait_dma2 semaphore(%arg14 : memref<!tpu.dma_semaphore, #tpu.memory_space<semaphore_mem>>) src(%dma_wait3A_230 : memref<128x16xf32, #tpu.memory_space<hbm>>) dst(%dma_wait3A_228 : memref<128x16xf32, #tpu.memory_space<vmem>>)
      %scan3A_231 = arith.constant 0 : i32
      %scan3A_232 = arith.constant 16 : i32
      %scan3A_233 = arith.addi %scan3A_231, %scan3A_232 : i32
      %scan3A_234 = arith.constant 1 : i32
      scf.for %scan3A_243 = %scan3A_231 to %scan3A_233 step %scan3A_234  : i32 {
        %mul3A_244 = arith.constant 1 : i32
        %mul3A_245 = arith.muli %scan3A_243, %mul3A_244 : i32
        %add3A_246 = arith.constant 0 : i32
        %add3A_247 = arith.addi %add3A_246, %mul3A_245 : i32
        %mul3A_248 = arith.constant 8 : i32
        %mul3A_249 = arith.muli %add3A_247, %mul3A_248 : i32
        %add3A_250 = arith.constant 0 : i32
        %add3A_251 = arith.addi %mul3A_249, %add3A_250 : i32
        %jit3A = arith.constant 8 : i32
        %eq3A = arith.constant 0 : i32
        %eq3A_252 = arith.cmpi eq, %jit3A, %eq3A : i32
        %jit3A_253 = arith.constant 1 : i32
        %select_n3A = arith.select %eq3A_252, %jit3A_253, %jit3A : i32
        %rem3A_254 = arith.remsi %add3A_251, %select_n3A : i32
        %ne3A = arith.constant 0 : i32
        %ne3A_255 = arith.cmpi ne, %rem3A_254, %ne3A : i32
        %lt3A_256 = arith.constant 0 : i32
        %lt3A_257 = arith.cmpi slt, %rem3A_254, %lt3A_256 : i32
        %lt3A_258 = arith.constant 0 : i32
        %lt3A_259 = arith.cmpi slt, %select_n3A, %lt3A_258 : i32
        %ne3A_260 = arith.xori %lt3A_257, %lt3A_259 : i1
        %and3A = arith.andi %ne3A_260, %ne3A_255 : i1
        %add3A_261 = arith.addi %rem3A_254, %select_n3A : i32
        %select_n3A_262 = arith.select %and3A, %add3A_261, %rem3A_254 : i32
        %mul3A_263 = arith.constant 16 : i32
        %mul3A_264 = arith.muli %select_n3A_262, %mul3A_263 : i32
        %multiple_of3A_265 = tpu.assume_multiple %mul3A_264, 16 : i32
        %get3A = arith.index_cast %rem3A_207 : i32 to index
        %get3A_266 = arith.index_cast %add3A_251 : i32 to index
        %get3A_267 = arith.constant 0 : index
        %get3A_268 = tpu.vector_load %arg8[%get3A, %get3A_266, %get3A_267] {strides = array<i32>} : memref<2x128x16xi32, #tpu.memory_space<vmem>>, vector<1x1x16xi32>,
        %get3A_269 = vector.shape_cast %get3A_268 : vector<1x1x16xi32> to vector<16xi32>
        %mul3A_270 = arith.constant 16 : i32
        %mul3A_271 = vector.broadcast %mul3A_270 : i32 to vector<16xi32>
        %mul3A_272 = arith.muli %get3A_269, %mul3A_271 : vector<16xi32>
        %add3A_273 = arith.addi %mul3A_272, %iota3A : vector<16xi32>
        %swap3A = arith.index_cast %add3A_247 : i32 to index
        %swap3A_274 = arith.index_cast %multiple_of3A_265 : i32 to index
        %swap3A_275 = tpu.vector_load %arg10[%swap3A, %swap3A_274] {strides = array<i32>} : memref<16x128xi32, #tpu.memory_space<vmem>>, vector<1x16xi32>,
        %swap3A_276 = vector.shape_cast %swap3A_275 : vector<1x16xi32> to vector<16xi32>
        %swap3A_277 = vector.shape_cast %add3A_273 : vector<16xi32> to vector<1x16xi32>
        tpu.vector_store %arg10[%swap3A, %swap3A_274], %swap3A_277 {strides = array<i32>} : memref<16x128xi32, #tpu.memory_space<vmem>>, vector<1x16xi32>,
        %get3A_278 = arith.index_cast %rem3A_207 : i32 to index
        %get3A_279 = arith.index_cast %add3A_251 : i32 to index
        %get3A_280 = arith.constant 0 : index
        %get3A_281 = tpu.vector_load %arg9[%get3A_278, %get3A_279, %get3A_280] {strides = array<i32>} : memref<2x128x16xf32, #tpu.memory_space<vmem>>, vector<1x1x16xf32>,
        %get3A_282 = vector.shape_cast %get3A_281 : vector<1x1x16xf32> to vector<16xf32>
        %swap3A_283 = arith.index_cast %add3A_247 : i32 to index
        %swap3A_284 = arith.index_cast %multiple_of3A_265 : i32 to index
        %swap3A_285 = tpu.vector_load %arg11[%swap3A_283, %swap3A_284] {strides = array<i32>} : memref<16x128xf32, #tpu.memory_space<vmem>>, vector<1x16xf32>,
        %swap3A_286 = vector.shape_cast %swap3A_285 : vector<1x16xf32> to vector<16xf32>
        %swap3A_287 = vector.shape_cast %get3A_282 : vector<16xf32> to vector<1x16xf32>
        tpu.vector_store %arg11[%swap3A_283, %swap3A_284], %swap3A_287 {strides = array<i32>} : memref<16x128xf32, #tpu.memory_space<vmem>>, vector<1x16xf32>,
        %mul3A_288 = arith.constant 8 : i32
        %mul3A_289 = arith.muli %add3A_247, %mul3A_288 : i32
        %add3A_290 = arith.constant 1 : i32
        %add3A_291 = arith.addi %mul3A_289, %add3A_290 : i32
        %jit3A_292 = arith.constant 8 : i32
        %eq3A_293 = arith.constant 0 : i32
        %eq3A_294 = arith.cmpi eq, %jit3A_292, %eq3A_293 : i32
        %jit3A_295 = arith.constant 1 : i32
        %select_n3A_296 = arith.select %eq3A_294, %jit3A_295, %jit3A_292 : i32
        %rem3A_297 = arith.remsi %add3A_291, %select_n3A_296 : i32
        %ne3A_298 = arith.constant 0 : i32
        %ne3A_299 = arith.cmpi ne, %rem3A_297, %ne3A_298 : i32
        %lt3A_300 = arith.constant 0 : i32
        %lt3A_301 = arith.cmpi slt, %rem3A_297, %lt3A_300 : i32
        %lt3A_302 = arith.constant 0 : i32
        %lt3A_303 = arith.cmpi slt, %select_n3A_296, %lt3A_302 : i32
        %ne3A_304 = arith.xori %lt3A_301, %lt3A_303 : i1
        %and3A_305 = arith.andi %ne3A_304, %ne3A_299 : i1
        %add3A_306 = arith.addi %rem3A_297, %select_n3A_296 : i32
        %select_n3A_307 = arith.select %and3A_305, %add3A_306, %rem3A_297 : i32
        %mul3A_308 = arith.constant 16 : i32
        %mul3A_309 = arith.muli %select_n3A_307, %mul3A_308 : i32
        %multiple_of3A_310 = tpu.assume_multiple %mul3A_309, 16 : i32
        %get3A_311 = arith.index_cast %rem3A_207 : i32 to index
        %get3A_312 = arith.index_cast %add3A_291 : i32 to index
        %get3A_313 = arith.constant 0 : index
        %get3A_314 = tpu.vector_load %arg8[%get3A_311, %get3A_312, %get3A_313] {strides = array<i32>} : memref<2x128x16xi32, #tpu.memory_space<vmem>>, vector<1x1x16xi32>,
        %get3A_315 = vector.shape_cast %get3A_314 : vector<1x1x16xi32> to vector<16xi32>
        %mul3A_316 = arith.constant 16 : i32
        %mul3A_317 = vector.broadcast %mul3A_316 : i32 to vector<16xi32>
        %mul3A_318 = arith.muli %get3A_315, %mul3A_317 : vector<16xi32>
        %add3A_319 = arith.addi %mul3A_318, %iota3A : vector<16xi32>
        %swap3A_320 = arith.index_cast %add3A_247 : i32 to index
        %swap3A_321 = arith.index_cast %multiple_of3A_310 : i32 to index
        %swap3A_322 = tpu.vector_load %arg10[%swap3A_320, %swap3A_321] {strides = array<i32>} : memref<16x128xi32, #tpu.memory_space<vmem>>, vector<1x16xi32>,
        %swap3A_323 = vector.shape_cast %swap3A_322 : vector<1x16xi32> to vector<16xi32>
        %swap3A_324 = vector.shape_cast %add3A_319 : vector<16xi32> to vector<1x16xi32>
        tpu.vector_store %arg10[%swap3A_320, %swap3A_321], %swap3A_324 {strides = array<i32>} : memref<16x128xi32, #tpu.memory_space<vmem>>, vector<1x16xi32>,
        %get3A_325 = arith.index_cast %rem3A_207 : i32 to index
        %get3A_326 = arith.index_cast %add3A_291 : i32 to index
        %get3A_327 = arith.constant 0 : index
        %get3A_328 = tpu.vector_load %arg9[%get3A_325, %get3A_326, %get3A_327] {strides = array<i32>} : memref<2x128x16xf32, #tpu.memory_space<vmem>>, vector<1x1x16xf32>,
        %get3A_329 = vector.shape_cast %get3A_328 : vector<1x1x16xf32> to vector<16xf32>
        %swap3A_330 = arith.index_cast %add3A_247 : i32 to index
        %swap3A_331 = arith.index_cast %multiple_of3A_310 : i32 to index
        %swap3A_332 = tpu.vector_load %arg11[%swap3A_330, %swap3A_331] {strides = array<i32>} : memref<16x128xf32, #tpu.memory_space<vmem>>, vector<1x16xf32>,
        %swap3A_333 = vector.shape_cast %swap3A_332 : vector<1x16xf32> to vector<16xf32>
        %swap3A_334 = vector.shape_cast %get3A_329 : vector<16xf32> to vector<1x16xf32>
        tpu.vector_store %arg11[%swap3A_330, %swap3A_331], %swap3A_334 {strides = array<i32>} : memref<16x128xf32, #tpu.memory_space<vmem>>, vector<1x16xf32>,
        %mul3A_335 = arith.constant 8 : i32
        %mul3A_336 = arith.muli %add3A_247, %mul3A_335 : i32
        %add3A_337 = arith.constant 2 : i32
        %add3A_338 = arith.addi %mul3A_336, %add3A_337 : i32
        %jit3A_339 = arith.constant 8 : i32
        %eq3A_340 = arith.constant 0 : i32
        %eq3A_341 = arith.cmpi eq, %jit3A_339, %eq3A_340 : i32
        %jit3A_342 = arith.constant 1 : i32
        %select_n3A_343 = arith.select %eq3A_341, %jit3A_342, %jit3A_339 : i32
        %rem3A_344 = arith.remsi %add3A_338, %select_n3A_343 : i32
        %ne3A_345 = arith.constant 0 : i32
        %ne3A_346 = arith.cmpi ne, %rem3A_344, %ne3A_345 : i32
        %lt3A_347 = arith.constant 0 : i32
        %lt3A_348 = arith.cmpi slt, %rem3A_344, %lt3A_347 : i32
        %lt3A_349 = arith.constant 0 : i32
        %lt3A_350 = arith.cmpi slt, %select_n3A_343, %lt3A_349 : i32
        %ne3A_351 = arith.xori %lt3A_348, %lt3A_350 : i1
        %and3A_352 = arith.andi %ne3A_351, %ne3A_346 : i1
        %add3A_353 = arith.addi %rem3A_344, %select_n3A_343 : i32
        %select_n3A_354 = arith.select %and3A_352, %add3A_353, %rem3A_344 : i32
        %mul3A_355 = arith.constant 16 : i32
        %mul3A_356 = arith.muli %select_n3A_354, %mul3A_355 : i32
        %multiple_of3A_357 = tpu.assume_multiple %mul3A_356, 16 : i32
        %get3A_358 = arith.index_cast %rem3A_207 : i32 to index
        %get3A_359 = arith.index_cast %add3A_338 : i32 to index
        %get3A_360 = arith.constant 0 : index
        %get3A_361 = tpu.vector_load %arg8[%get3A_358, %get3A_359, %get3A_360] {strides = array<i32>} : memref<2x128x16xi32, #tpu.memory_space<vmem>>, vector<1x1x16xi32>,
        %get3A_362 = vector.shape_cast %get3A_361 : vector<1x1x16xi32> to vector<16xi32>
        %mul3A_363 = arith.constant 16 : i32
        %mul3A_364 = vector.broadcast %mul3A_363 : i32 to vector<16xi32>
        %mul3A_365 = arith.muli %get3A_362, %mul3A_364 : vector<16xi32>
        %add3A_366 = arith.addi %mul3A_365, %iota3A : vector<16xi32>
        %swap3A_367 = arith.index_cast %add3A_247 : i32 to index
        %swap3A_368 = arith.index_cast %multiple_of3A_357 : i32 to index
        %swap3A_369 = tpu.vector_load %arg10[%swap3A_367, %swap3A_368] {strides = array<i32>} : memref<16x128xi32, #tpu.memory_space<vmem>>, vector<1x16xi32>,
        %swap3A_370 = vector.shape_cast %swap3A_369 : vector<1x16xi32> to vector<16xi32>
        %swap3A_371 = vector.shape_cast %add3A_366 : vector<16xi32> to vector<1x16xi32>
        tpu.vector_store %arg10[%swap3A_367, %swap3A_368], %swap3A_371 {strides = array<i32>} : memref<16x128xi32, #tpu.memory_space<vmem>>, vector<1x16xi32>,
        %get3A_372 = arith.index_cast %rem3A_207 : i32 to index
        %get3A_373 = arith.index_cast %add3A_338 : i32 to index
        %get3A_374 = arith.constant 0 : index
        %get3A_375 = tpu.vector_load %arg9[%get3A_372, %get3A_373, %get3A_374] {strides = array<i32>} : memref<2x128x16xf32, #tpu.memory_space<vmem>>, vector<1x1x16xf32>,
        %get3A_376 = vector.shape_cast %get3A_375 : vector<1x1x16xf32> to vector<16xf32>
        %swap3A_377 = arith.index_cast %add3A_247 : i32 to index
        %swap3A_378 = arith.index_cast %multiple_of3A_357 : i32 to index
        %swap3A_379 = tpu.vector_load %arg11[%swap3A_377, %swap3A_378] {strides = array<i32>} : memref<16x128xf32, #tpu.memory_space<vmem>>, vector<1x16xf32>,
        %swap3A_380 = vector.shape_cast %swap3A_379 : vector<1x16xf32> to vector<16xf32>
        %swap3A_381 = vector.shape_cast %get3A_376 : vector<16xf32> to vector<1x16xf32>
        tpu.vector_store %arg11[%swap3A_377, %swap3A_378], %swap3A_381 {strides = array<i32>} : memref<16x128xf32, #tpu.memory_space<vmem>>, vector<1x16xf32>,
        %mul3A_382 = arith.constant 8 : i32
        %mul3A_383 = arith.muli %add3A_247, %mul3A_382 : i32
        %add3A_384 = arith.constant 3 : i32
        %add3A_385 = arith.addi %mul3A_383, %add3A_384 : i32
        %jit3A_386 = arith.constant 8 : i32
        %eq3A_387 = arith.constant 0 : i32
        %eq3A_388 = arith.cmpi eq, %jit3A_386, %eq3A_387 : i32
        %jit3A_389 = arith.constant 1 : i32
        %select_n3A_390 = arith.select %eq3A_388, %jit3A_389, %jit3A_386 : i32
        %rem3A_391 = arith.remsi %add3A_385, %select_n3A_390 : i32
        %ne3A_392 = arith.constant 0 : i32
        %ne3A_393 = arith.cmpi ne, %rem3A_391, %ne3A_392 : i32
        %lt3A_394 = arith.constant 0 : i32
        %lt3A_395 = arith.cmpi slt, %rem3A_391, %lt3A_394 : i32
        %lt3A_396 = arith.constant 0 : i32
        %lt3A_397 = arith.cmpi slt, %select_n3A_390, %lt3A_396 : i32
        %ne3A_398 = arith.xori %lt3A_395, %lt3A_397 : i1
        %and3A_399 = arith.andi %ne3A_398, %ne3A_393 : i1
        %add3A_400 = arith.addi %rem3A_391, %select_n3A_390 : i32
        %select_n3A_401 = arith.select %and3A_399, %add3A_400, %rem3A_391 : i32
        %mul3A_402 = arith.constant 16 : i32
        %mul3A_403 = arith.muli %select_n3A_401, %mul3A_402 : i32
        %multiple_of3A_404 = tpu.assume_multiple %mul3A_403, 16 : i32
        %get3A_405 = arith.index_cast %rem3A_207 : i32 to index
        %get3A_406 = arith.index_cast %add3A_385 : i32 to index
        %get3A_407 = arith.constant 0 : index
        %get3A_408 = tpu.vector_load %arg8[%get3A_405, %get3A_406, %get3A_407] {strides = array<i32>} : memref<2x128x16xi32, #tpu.memory_space<vmem>>, vector<1x1x16xi32>,
        %get3A_409 = vector.shape_cast %get3A_408 : vector<1x1x16xi32> to vector<16xi32>
        %mul3A_410 = arith.constant 16 : i32
        %mul3A_411 = vector.broadcast %mul3A_410 : i32 to vector<16xi32>
        %mul3A_412 = arith.muli %get3A_409, %mul3A_411 : vector<16xi32>
        %add3A_413 = arith.addi %mul3A_412, %iota3A : vector<16xi32>
        %swap3A_414 = arith.index_cast %add3A_247 : i32 to index
        %swap3A_415 = arith.index_cast %multiple_of3A_404 : i32 to index
        %swap3A_416 = tpu.vector_load %arg10[%swap3A_414, %swap3A_415] {strides = array<i32>} : memref<16x128xi32, #tpu.memory_space<vmem>>, vector<1x16xi32>,
        %swap3A_417 = vector.shape_cast %swap3A_416 : vector<1x16xi32> to vector<16xi32>
        %swap3A_418 = vector.shape_cast %add3A_413 : vector<16xi32> to vector<1x16xi32>
        tpu.vector_store %arg10[%swap3A_414, %swap3A_415], %swap3A_418 {strides = array<i32>} : memref<16x128xi32, #tpu.memory_space<vmem>>, vector<1x16xi32>,
        %get3A_419 = arith.index_cast %rem3A_207 : i32 to index
        %get3A_420 = arith.index_cast %add3A_385 : i32 to index
        %get3A_421 = arith.constant 0 : index
        %get3A_422 = tpu.vector_load %arg9[%get3A_419, %get3A_420, %get3A_421] {strides = array<i32>} : memref<2x128x16xf32, #tpu.memory_space<vmem>>, vector<1x1x16xf32>,
        %get3A_423 = vector.shape_cast %get3A_422 : vector<1x1x16xf32> to vector<16xf32>
        %swap3A_424 = arith.index_cast %add3A_247 : i32 to index
        %swap3A_425 = arith.index_cast %multiple_of3A_404 : i32 to index
        %swap3A_426 = tpu.vector_load %arg11[%swap3A_424, %swap3A_425] {strides = array<i32>} : memref<16x128xf32, #tpu.memory_space<vmem>>, vector<1x16xf32>,
        %swap3A_427 = vector.shape_cast %swap3A_426 : vector<1x16xf32> to vector<16xf32>
        %swap3A_428 = vector.shape_cast %get3A_423 : vector<16xf32> to vector<1x16xf32>
        tpu.vector_store %arg11[%swap3A_424, %swap3A_425], %swap3A_428 {strides = array<i32>} : memref<16x128xf32, #tpu.memory_space<vmem>>, vector<1x16xf32>,
        %mul3A_429 = arith.constant 8 : i32
        %mul3A_430 = arith.muli %add3A_247, %mul3A_429 : i32
        %add3A_431 = arith.constant 4 : i32
        %add3A_432 = arith.addi %mul3A_430, %add3A_431 : i32
        %jit3A_433 = arith.constant 8 : i32
        %eq3A_434 = arith.constant 0 : i32
        %eq3A_435 = arith.cmpi eq, %jit3A_433, %eq3A_434 : i32
        %jit3A_436 = arith.constant 1 : i32
        %select_n3A_437 = arith.select %eq3A_435, %jit3A_436, %jit3A_433 : i32
        %rem3A_438 = arith.remsi %add3A_432, %select_n3A_437 : i32
        %ne3A_439 = arith.constant 0 : i32
        %ne3A_440 = arith.cmpi ne, %rem3A_438, %ne3A_439 : i32
        %lt3A_441 = arith.constant 0 : i32
        %lt3A_442 = arith.cmpi slt, %rem3A_438, %lt3A_441 : i32
        %lt3A_443 = arith.constant 0 : i32
        %lt3A_444 = arith.cmpi slt, %select_n3A_437, %lt3A_443 : i32
        %ne3A_445 = arith.xori %lt3A_442, %lt3A_444 : i1
        %and3A_446 = arith.andi %ne3A_445, %ne3A_440 : i1
        %add3A_447 = arith.addi %rem3A_438, %select_n3A_437 : i32
        %select_n3A_448 = arith.select %and3A_446, %add3A_447, %rem3A_438 : i32
        %mul3A_449 = arith.constant 16 : i32
        %mul3A_450 = arith.muli %select_n3A_448, %mul3A_449 : i32
        %multiple_of3A_451 = tpu.assume_multiple %mul3A_450, 16 : i32
        %get3A_452 = arith.index_cast %rem3A_207 : i32 to index
        %get3A_453 = arith.index_cast %add3A_432 : i32 to index
        %get3A_454 = arith.constant 0 : index
        %get3A_455 = tpu.vector_load %arg8[%get3A_452, %get3A_453, %get3A_454] {strides = array<i32>} : memref<2x128x16xi32, #tpu.memory_space<vmem>>, vector<1x1x16xi32>,
        %get3A_456 = vector.shape_cast %get3A_455 : vector<1x1x16xi32> to vector<16xi32>
        %mul3A_457 = arith.constant 16 : i32
        %mul3A_458 = vector.broadcast %mul3A_457 : i32 to vector<16xi32>
        %mul3A_459 = arith.muli %get3A_456, %mul3A_458 : vector<16xi32>
        %add3A_460 = arith.addi %mul3A_459, %iota3A : vector<16xi32>
        %swap3A_461 = arith.index_cast %add3A_247 : i32 to index
        %swap3A_462 = arith.index_cast %multiple_of3A_451 : i32 to index
        %swap3A_463 = tpu.vector_load %arg10[%swap3A_461, %swap3A_462] {strides = array<i32>} : memref<16x128xi32, #tpu.memory_space<vmem>>, vector<1x16xi32>,
        %swap3A_464 = vector.shape_cast %swap3A_463 : vector<1x16xi32> to vector<16xi32>
        %swap3A_465 = vector.shape_cast %add3A_460 : vector<16xi32> to vector<1x16xi32>
        tpu.vector_store %arg10[%swap3A_461, %swap3A_462], %swap3A_465 {strides = array<i32>} : memref<16x128xi32, #tpu.memory_space<vmem>>, vector<1x16xi32>,
        %get3A_466 = arith.index_cast %rem3A_207 : i32 to index
        %get3A_467 = arith.index_cast %add3A_432 : i32 to index
        %get3A_468 = arith.constant 0 : index
        %get3A_469 = tpu.vector_load %arg9[%get3A_466, %get3A_467, %get3A_468] {strides = array<i32>} : memref<2x128x16xf32, #tpu.memory_space<vmem>>, vector<1x1x16xf32>,
        %get3A_470 = vector.shape_cast %get3A_469 : vector<1x1x16xf32> to vector<16xf32>
        %swap3A_471 = arith.index_cast %add3A_247 : i32 to index
        %swap3A_472 = arith.index_cast %multiple_of3A_451 : i32 to index
        %swap3A_473 = tpu.vector_load %arg11[%swap3A_471, %swap3A_472] {strides = array<i32>} : memref<16x128xf32, #tpu.memory_space<vmem>>, vector<1x16xf32>,
        %swap3A_474 = vector.shape_cast %swap3A_473 : vector<1x16xf32> to vector<16xf32>
        %swap3A_475 = vector.shape_cast %get3A_470 : vector<16xf32> to vector<1x16xf32>
        tpu.vector_store %arg11[%swap3A_471, %swap3A_472], %swap3A_475 {strides = array<i32>} : memref<16x128xf32, #tpu.memory_space<vmem>>, vector<1x16xf32>,
        %mul3A_476 = arith.constant 8 : i32
        %mul3A_477 = arith.muli %add3A_247, %mul3A_476 : i32
        %add3A_478 = arith.constant 5 : i32
        %add3A_479 = arith.addi %mul3A_477, %add3A_478 : i32
        %jit3A_480 = arith.constant 8 : i32
        %eq3A_481 = arith.constant 0 : i32
        %eq3A_482 = arith.cmpi eq, %jit3A_480, %eq3A_481 : i32
        %jit3A_483 = arith.constant 1 : i32
        %select_n3A_484 = arith.select %eq3A_482, %jit3A_483, %jit3A_480 : i32
        %rem3A_485 = arith.remsi %add3A_479, %select_n3A_484 : i32
        %ne3A_486 = arith.constant 0 : i32
        %ne3A_487 = arith.cmpi ne, %rem3A_485, %ne3A_486 : i32
        %lt3A_488 = arith.constant 0 : i32
        %lt3A_489 = arith.cmpi slt, %rem3A_485, %lt3A_488 : i32
        %lt3A_490 = arith.constant 0 : i32
        %lt3A_491 = arith.cmpi slt, %select_n3A_484, %lt3A_490 : i32
        %ne3A_492 = arith.xori %lt3A_489, %lt3A_491 : i1
        %and3A_493 = arith.andi %ne3A_492, %ne3A_487 : i1
        %add3A_494 = arith.addi %rem3A_485, %select_n3A_484 : i32
        %select_n3A_495 = arith.select %and3A_493, %add3A_494, %rem3A_485 : i32
        %mul3A_496 = arith.constant 16 : i32
        %mul3A_497 = arith.muli %select_n3A_495, %mul3A_496 : i32
        %multiple_of3A_498 = tpu.assume_multiple %mul3A_497, 16 : i32
        %get3A_499 = arith.index_cast %rem3A_207 : i32 to index
        %get3A_500 = arith.index_cast %add3A_479 : i32 to index
        %get3A_501 = arith.constant 0 : index
        %get3A_502 = tpu.vector_load %arg8[%get3A_499, %get3A_500, %get3A_501] {strides = array<i32>} : memref<2x128x16xi32, #tpu.memory_space<vmem>>, vector<1x1x16xi32>,
        %get3A_503 = vector.shape_cast %get3A_502 : vector<1x1x16xi32> to vector<16xi32>
        %mul3A_504 = arith.constant 16 : i32
        %mul3A_505 = vector.broadcast %mul3A_504 : i32 to vector<16xi32>
        %mul3A_506 = arith.muli %get3A_503, %mul3A_505 : vector<16xi32>
        %add3A_507 = arith.addi %mul3A_506, %iota3A : vector<16xi32>
        %swap3A_508 = arith.index_cast %add3A_247 : i32 to index
        %swap3A_509 = arith.index_cast %multiple_of3A_498 : i32 to index
        %swap3A_510 = tpu.vector_load %arg10[%swap3A_508, %swap3A_509] {strides = array<i32>} : memref<16x128xi32, #tpu.memory_space<vmem>>, vector<1x16xi32>,
        %swap3A_511 = vector.shape_cast %swap3A_510 : vector<1x16xi32> to vector<16xi32>
        %swap3A_512 = vector.shape_cast %add3A_507 : vector<16xi32> to vector<1x16xi32>
        tpu.vector_store %arg10[%swap3A_508, %swap3A_509], %swap3A_512 {strides = array<i32>} : memref<16x128xi32, #tpu.memory_space<vmem>>, vector<1x16xi32>,
        %get3A_513 = arith.index_cast %rem3A_207 : i32 to index
        %get3A_514 = arith.index_cast %add3A_479 : i32 to index
        %get3A_515 = arith.constant 0 : index
        %get3A_516 = tpu.vector_load %arg9[%get3A_513, %get3A_514, %get3A_515] {strides = array<i32>} : memref<2x128x16xf32, #tpu.memory_space<vmem>>, vector<1x1x16xf32>,
        %get3A_517 = vector.shape_cast %get3A_516 : vector<1x1x16xf32> to vector<16xf32>
        %swap3A_518 = arith.index_cast %add3A_247 : i32 to index
        %swap3A_519 = arith.index_cast %multiple_of3A_498 : i32 to index
        %swap3A_520 = tpu.vector_load %arg11[%swap3A_518, %swap3A_519] {strides = array<i32>} : memref<16x128xf32, #tpu.memory_space<vmem>>, vector<1x16xf32>,
        %swap3A_521 = vector.shape_cast %swap3A_520 : vector<1x16xf32> to vector<16xf32>
        %swap3A_522 = vector.shape_cast %get3A_517 : vector<16xf32> to vector<1x16xf32>
        tpu.vector_store %arg11[%swap3A_518, %swap3A_519], %swap3A_522 {strides = array<i32>} : memref<16x128xf32, #tpu.memory_space<vmem>>, vector<1x16xf32>,
        %mul3A_523 = arith.constant 8 : i32
        %mul3A_524 = arith.muli %add3A_247, %mul3A_523 : i32
        %add3A_525 = arith.constant 6 : i32
        %add3A_526 = arith.addi %mul3A_524, %add3A_525 : i32
        %jit3A_527 = arith.constant 8 : i32
        %eq3A_528 = arith.constant 0 : i32
        %eq3A_529 = arith.cmpi eq, %jit3A_527, %eq3A_528 : i32
        %jit3A_530 = arith.constant 1 : i32
        %select_n3A_531 = arith.select %eq3A_529, %jit3A_530, %jit3A_527 : i32
        %rem3A_532 = arith.remsi %add3A_526, %select_n3A_531 : i32
        %ne3A_533 = arith.constant 0 : i32
        %ne3A_534 = arith.cmpi ne, %rem3A_532, %ne3A_533 : i32
        %lt3A_535 = arith.constant 0 : i32
        %lt3A_536 = arith.cmpi slt, %rem3A_532, %lt3A_535 : i32
        %lt3A_537 = arith.constant 0 : i32
        %lt3A_538 = arith.cmpi slt, %select_n3A_531, %lt3A_537 : i32
        %ne3A_539 = arith.xori %lt3A_536, %lt3A_538 : i1
        %and3A_540 = arith.andi %ne3A_539, %ne3A_534 : i1
        %add3A_541 = arith.addi %rem3A_532, %select_n3A_531 : i32
        %select_n3A_542 = arith.select %and3A_540, %add3A_541, %rem3A_532 : i32
        %mul3A_543 = arith.constant 16 : i32
        %mul3A_544 = arith.muli %select_n3A_542, %mul3A_543 : i32
        %multiple_of3A_545 = tpu.assume_multiple %mul3A_544, 16 : i32
        %get3A_546 = arith.index_cast %rem3A_207 : i32 to index
        %get3A_547 = arith.index_cast %add3A_526 : i32 to index
        %get3A_548 = arith.constant 0 : index
        %get3A_549 = tpu.vector_load %arg8[%get3A_546, %get3A_547, %get3A_548] {strides = array<i32>} : memref<2x128x16xi32, #tpu.memory_space<vmem>>, vector<1x1x16xi32>,
        %get3A_550 = vector.shape_cast %get3A_549 : vector<1x1x16xi32> to vector<16xi32>
        %mul3A_551 = arith.constant 16 : i32
        %mul3A_552 = vector.broadcast %mul3A_551 : i32 to vector<16xi32>
        %mul3A_553 = arith.muli %get3A_550, %mul3A_552 : vector<16xi32>
        %add3A_554 = arith.addi %mul3A_553, %iota3A : vector<16xi32>
        %swap3A_555 = arith.index_cast %add3A_247 : i32 to index
        %swap3A_556 = arith.index_cast %multiple_of3A_545 : i32 to index
        %swap3A_557 = tpu.vector_load %arg10[%swap3A_555, %swap3A_556] {strides = array<i32>} : memref<16x128xi32, #tpu.memory_space<vmem>>, vector<1x16xi32>,
        %swap3A_558 = vector.shape_cast %swap3A_557 : vector<1x16xi32> to vector<16xi32>
        %swap3A_559 = vector.shape_cast %add3A_554 : vector<16xi32> to vector<1x16xi32>
        tpu.vector_store %arg10[%swap3A_555, %swap3A_556], %swap3A_559 {strides = array<i32>} : memref<16x128xi32, #tpu.memory_space<vmem>>, vector<1x16xi32>,
        %get3A_560 = arith.index_cast %rem3A_207 : i32 to index
        %get3A_561 = arith.index_cast %add3A_526 : i32 to index
        %get3A_562 = arith.constant 0 : index
        %get3A_563 = tpu.vector_load %arg9[%get3A_560, %get3A_561, %get3A_562] {strides = array<i32>} : memref<2x128x16xf32, #tpu.memory_space<vmem>>, vector<1x1x16xf32>,
        %get3A_564 = vector.shape_cast %get3A_563 : vector<1x1x16xf32> to vector<16xf32>
        %swap3A_565 = arith.index_cast %add3A_247 : i32 to index
        %swap3A_566 = arith.index_cast %multiple_of3A_545 : i32 to index
        %swap3A_567 = tpu.vector_load %arg11[%swap3A_565, %swap3A_566] {strides = array<i32>} : memref<16x128xf32, #tpu.memory_space<vmem>>, vector<1x16xf32>,
        %swap3A_568 = vector.shape_cast %swap3A_567 : vector<1x16xf32> to vector<16xf32>
        %swap3A_569 = vector.shape_cast %get3A_564 : vector<16xf32> to vector<1x16xf32>
        tpu.vector_store %arg11[%swap3A_565, %swap3A_566], %swap3A_569 {strides = array<i32>} : memref<16x128xf32, #tpu.memory_space<vmem>>, vector<1x16xf32>,
        %mul3A_570 = arith.constant 8 : i32
        %mul3A_571 = arith.muli %add3A_247, %mul3A_570 : i32
        %add3A_572 = arith.constant 7 : i32
        %add3A_573 = arith.addi %mul3A_571, %add3A_572 : i32
        %jit3A_574 = arith.constant 8 : i32
        %eq3A_575 = arith.constant 0 : i32
        %eq3A_576 = arith.cmpi eq, %jit3A_574, %eq3A_575 : i32
        %jit3A_577 = arith.constant 1 : i32
        %select_n3A_578 = arith.select %eq3A_576, %jit3A_577, %jit3A_574 : i32
        %rem3A_579 = arith.remsi %add3A_573, %select_n3A_578 : i32
        %ne3A_580 = arith.constant 0 : i32
        %ne3A_581 = arith.cmpi ne, %rem3A_579, %ne3A_580 : i32
        %lt3A_582 = arith.constant 0 : i32
        %lt3A_583 = arith.cmpi slt, %rem3A_579, %lt3A_582 : i32
        %lt3A_584 = arith.constant 0 : i32
        %lt3A_585 = arith.cmpi slt, %select_n3A_578, %lt3A_584 : i32
        %ne3A_586 = arith.xori %lt3A_583, %lt3A_585 : i1
        %and3A_587 = arith.andi %ne3A_586, %ne3A_581 : i1
        %add3A_588 = arith.addi %rem3A_579, %select_n3A_578 : i32
        %select_n3A_589 = arith.select %and3A_587, %add3A_588, %rem3A_579 : i32
        %mul3A_590 = arith.constant 16 : i32
        %mul3A_591 = arith.muli %select_n3A_589, %mul3A_590 : i32
        %multiple_of3A_592 = tpu.assume_multiple %mul3A_591, 16 : i32
        %get3A_593 = arith.index_cast %rem3A_207 : i32 to index
        %get3A_594 = arith.index_cast %add3A_573 : i32 to index
        %get3A_595 = arith.constant 0 : index
        %get3A_596 = tpu.vector_load %arg8[%get3A_593, %get3A_594, %get3A_595] {strides = array<i32>} : memref<2x128x16xi32, #tpu.memory_space<vmem>>, vector<1x1x16xi32>,
        %get3A_597 = vector.shape_cast %get3A_596 : vector<1x1x16xi32> to vector<16xi32>
        %mul3A_598 = arith.constant 16 : i32
        %mul3A_599 = vector.broadcast %mul3A_598 : i32 to vector<16xi32>
        %mul3A_600 = arith.muli %get3A_597, %mul3A_599 : vector<16xi32>
        %add3A_601 = arith.addi %mul3A_600, %iota3A : vector<16xi32>
        %swap3A_602 = arith.index_cast %add3A_247 : i32 to index
        %swap3A_603 = arith.index_cast %multiple_of3A_592 : i32 to index
        %swap3A_604 = tpu.vector_load %arg10[%swap3A_602, %swap3A_603] {strides = array<i32>} : memref<16x128xi32, #tpu.memory_space<vmem>>, vector<1x16xi32>,
        %swap3A_605 = vector.shape_cast %swap3A_604 : vector<1x16xi32> to vector<16xi32>
        %swap3A_606 = vector.shape_cast %add3A_601 : vector<16xi32> to vector<1x16xi32>
        tpu.vector_store %arg10[%swap3A_602, %swap3A_603], %swap3A_606 {strides = array<i32>} : memref<16x128xi32, #tpu.memory_space<vmem>>, vector<1x16xi32>,
        %get3A_607 = arith.index_cast %rem3A_207 : i32 to index
        %get3A_608 = arith.index_cast %add3A_573 : i32 to index
        %get3A_609 = arith.constant 0 : index
        %get3A_610 = tpu.vector_load %arg9[%get3A_607, %get3A_608, %get3A_609] {strides = array<i32>} : memref<2x128x16xf32, #tpu.memory_space<vmem>>, vector<1x1x16xf32>,
        %get3A_611 = vector.shape_cast %get3A_610 : vector<1x1x16xf32> to vector<16xf32>
        %swap3A_612 = arith.index_cast %add3A_247 : i32 to index
        %swap3A_613 = arith.index_cast %multiple_of3A_592 : i32 to index
        %swap3A_614 = tpu.vector_load %arg11[%swap3A_612, %swap3A_613] {strides = array<i32>} : memref<16x128xf32, #tpu.memory_space<vmem>>, vector<1x16xf32>,
        %swap3A_615 = vector.shape_cast %swap3A_614 : vector<1x16xf32> to vector<16xf32>
        %swap3A_616 = vector.shape_cast %get3A_611 : vector<16xf32> to vector<1x16xf32>
        tpu.vector_store %arg11[%swap3A_612, %swap3A_613], %swap3A_616 {strides = array<i32>} : memref<16x128xf32, #tpu.memory_space<vmem>>, vector<1x16xf32>,
      }
      %scan3A_235 = arith.constant 16 : i32
      %scan3A_236 = arith.constant 0 : i32
      %scan3A_237 = arith.constant 16 : i32
      %scan3A_238 = arith.addi %scan3A_236, %scan3A_237 : i32
      %scan3A_239 = arith.constant 1 : i32
      scf.for %scan3A_243 = %scan3A_236 to %scan3A_238 step %scan3A_239  : i32 {
        %mul3A_244 = arith.constant 1 : i32
        %mul3A_245 = arith.muli %scan3A_243, %mul3A_244 : i32
        %add3A_246 = arith.constant 0 : i32
        %add3A_247 = arith.addi %add3A_246, %mul3A_245 : i32
        %dma_start3A_248 = arith.constant 0 : i32
        %dma_start3A_249 = tpu.memref_slice %arg11[%add3A_247, %dma_start3A_248] : memref<16x128xf32, #tpu.memory_space<vmem>> -> memref<1x128xf32, #tpu.memory_space<vmem>>
        %dma_start3A_250 = tpu.memref_squeeze %dma_start3A_249 : memref<1x128xf32, #tpu.memory_space<vmem>> -> memref<128xf32, #tpu.memory_space<vmem>>
        %dma_start3A_251 = arith.constant 0 : i32
        %dma_start3A_252 = tpu.memref_slice %arg10[%add3A_247, %dma_start3A_251] : memref<16x128xi32, #tpu.memory_space<vmem>> -> memref<1x128xi32, #tpu.memory_space<vmem>>
        %dma_start3A_253 = tpu.memref_squeeze %dma_start3A_252 : memref<1x128xi32, #tpu.memory_space<vmem>> -> memref<128xi32, #tpu.memory_space<vmem>>
        %dma_start3A_254 = arith.constant 0 : i32
        %dma_start3A_255 = tpu.memref_slice %arg7[%dma_start3A_254] : memref<1600000xf32, #tpu.memory_space<vmem_shared>> -> memref<1600000xf32, #tpu.memory_space<vmem_shared>>
        tpu.enqueue_indirect_dma source(%dma_start3A_250 : memref<128xf32, #tpu.memory_space<vmem>>) target(%dma_start3A_255 : memref<1600000xf32, #tpu.memory_space<vmem_shared>>) offsets(%dma_start3A_253 : memref<128xi32, #tpu.memory_space<vmem>>) semaphore(%arg15 : memref<!tpu.dma_semaphore, #tpu.memory_space<semaphore_mem>>) {add = true}
        %dma_wait3A_256 = arith.constant 0 : i32
        %dma_wait3A_257 = tpu.memref_slice %arg11[%add3A_247, %dma_wait3A_256] : memref<16x128xf32, #tpu.memory_space<vmem>> -> memref<1x128xf32, #tpu.memory_space<vmem>>
        %dma_wait3A_258 = tpu.memref_squeeze %dma_wait3A_257 : memref<1x128xf32, #tpu.memory_space<vmem>> -> memref<128xf32, #tpu.memory_space<vmem>>
        %dma_wait3A_259 = arith.constant 0 : i32
        %dma_wait3A_260 = tpu.memref_slice %arg10[%add3A_247, %dma_wait3A_259] : memref<16x128xi32, #tpu.memory_space<vmem>> -> memref<1x128xi32, #tpu.memory_space<vmem>>
        %dma_wait3A_261 = tpu.memref_squeeze %dma_wait3A_260 : memref<1x128xi32, #tpu.memory_space<vmem>> -> memref<128xi32, #tpu.memory_space<vmem>>
        %dma_wait3A_262 = arith.constant 0 : i32
        %dma_wait3A_263 = tpu.memref_slice %arg7[%dma_wait3A_262] : memref<1600000xf32, #tpu.memory_space<vmem_shared>> -> memref<1600000xf32, #tpu.memory_space<vmem_shared>>
        tpu.wait_indirect_dma semaphore(%arg15 : memref<!tpu.dma_semaphore, #tpu.memory_space<semaphore_mem>>) src(%dma_wait3A_258 : memref<128xf32, #tpu.memory_space<vmem>>) dst(%dma_wait3A_263 : memref<1600000xf32, #tpu.memory_space<vmem_shared>>)
      }
      %scan3A_240 = arith.constant 16 : i32
      %lt3A = arith.constant 7 : i32
      %lt3A_241 = arith.cmpi slt, %add3A_206, %lt3A : i32
      %convert_element_type3A = arith.extui %lt3A_241 : i1 to i32
      %cond3A = arith.constant 0 : i32
      %cond3A_242 = arith.cmpi ne, %convert_element_type3A, %cond3A : i32
      scf.if %cond3A_242 {
        %add3A_243 = arith.constant 1 : i32
        %add3A_244 = arith.addi %add3A_206, %add3A_243 : i32
        %sub3A = arith.constant 1 : i32
        %sub3A_245 = arith.subi %sub3A, %rem3A_207 : i32
        %mul3A_246 = arith.constant 1024 : i32
        %mul3A_247 = arith.muli %arg1, %mul3A_246 : i32
        %mul3A_248 = arith.constant 128 : i32
        %mul3A_249 = arith.muli %add3A_244, %mul3A_248 : i32
        %add3A_250 = arith.addi %mul3A_247, %mul3A_249 : i32
        %dma_start3A_251 = arith.constant 0 : i32
        %dma_start3A_252 = arith.constant 0 : i32
        %dma_start3A_253 = tpu.memref_slice %arg8[%sub3A_245, %dma_start3A_251, %dma_start3A_252] : memref<2x128x16xi32, #tpu.memory_space<vmem>> -> memref<1x128x16xi32, #tpu.memory_space<vmem>>
        %dma_start3A_254 = tpu.memref_squeeze %dma_start3A_253 : memref<1x128x16xi32, #tpu.memory_space<vmem>> -> memref<128x16xi32, #tpu.memory_space<vmem>>
        %dma_start3A_255 = tpu.memref_slice %arg3[%add3A_250, %multiple_of3A_158] : memref<16384x64xi32, #tpu.memory_space<hbm>> -> memref<128x16xi32, #tpu.memory_space<hbm>>
        %dma_start3A_256 = arith.constant 0 : i32
        %dma_start3A_257 = arith.constant 0 : i32
        %dma_start3A_258 = tpu.memref_slice %arg8[%sub3A_245, %dma_start3A_256, %dma_start3A_257] : memref<2x128x16xi32, #tpu.memory_space<vmem>> -> memref<1x128x16xi32, #tpu.memory_space<vmem>>
        %dma_start3A_259 = tpu.memref_squeeze %dma_start3A_258 : memref<1x128x16xi32, #tpu.memory_space<vmem>> -> memref<128x16xi32, #tpu.memory_space<vmem>>
        %dma_start3A_260 = tpu.memref_slice %arg3[%add3A_250, %multiple_of3A_158] : memref<16384x64xi32, #tpu.memory_space<hbm>> -> memref<128x16xi32, #tpu.memory_space<hbm>>
        tpu.enqueue_dma source(%dma_start3A_260 : memref<128x16xi32, #tpu.memory_space<hbm>>) target(%dma_start3A_259 : memref<128x16xi32, #tpu.memory_space<vmem>>) target_semaphore(%arg13 : memref<!tpu.dma_semaphore, #tpu.memory_space<semaphore_mem>>)
        %dma_start3A_261 = arith.constant 0 : i32
        %dma_start3A_262 = arith.constant 0 : i32
        %dma_start3A_263 = tpu.memref_slice %arg9[%sub3A_245, %dma_start3A_261, %dma_start3A_262] : memref<2x128x16xf32, #tpu.memory_space<vmem>> -> memref<1x128x16xf32, #tpu.memory_space<vmem>>
        %dma_start3A_264 = tpu.memref_squeeze %dma_start3A_263 : memref<1x128x16xf32, #tpu.memory_space<vmem>> -> memref<128x16xf32, #tpu.memory_space<vmem>>
        %dma_start3A_265 = tpu.memref_slice %arg4[%add3A_250, %multiple_of3A_158] : memref<16384x64xf32, #tpu.memory_space<hbm>> -> memref<128x16xf32, #tpu.memory_space<hbm>>
        %dma_start3A_266 = arith.constant 0 : i32
        %dma_start3A_267 = arith.constant 0 : i32
        %dma_start3A_268 = tpu.memref_slice %arg9[%sub3A_245, %dma_start3A_266, %dma_start3A_267] : memref<2x128x16xf32, #tpu.memory_space<vmem>> -> memref<1x128x16xf32, #tpu.memory_space<vmem>>
        %dma_start3A_269 = tpu.memref_squeeze %dma_start3A_268 : memref<1x128x16xf32, #tpu.memory_space<vmem>> -> memref<128x16xf32, #tpu.memory_space<vmem>>
        %dma_start3A_270 = tpu.memref_slice %arg4[%add3A_250, %multiple_of3A_158] : memref<16384x64xf32, #tpu.memory_space<hbm>> -> memref<128x16xf32, #tpu.memory_space<hbm>>
        tpu.enqueue_dma source(%dma_start3A_270 : memref<128x16xf32, #tpu.memory_space<hbm>>) target(%dma_start3A_269 : memref<128x16xf32, #tpu.memory_space<vmem>>) target_semaphore(%arg14 : memref<!tpu.dma_semaphore, #tpu.memory_space<semaphore_mem>>)
      } else {
      }
    }
    %scan3A_200 = arith.constant 8 : i32
    %barrier3A_201 = arith.constant 0 : index
    tpu.barrier barrier_id(%barrier3A_201)
    "tpu.region"() ({
      %run_scoped3A = tpu.sem_alloc : memref<!tpu.dma_semaphore, #tpu.memory_space<semaphore_mem>>
      %dma_start3A_202 = tpu.memref_slice %arg6[%add3A_155, %multiple_of3A] : memref<4x1600000xf32, #tpu.memory_space<hbm>> -> memref<1x100000xf32, #tpu.memory_space<hbm>>
      %dma_start3A_203 = tpu.memref_squeeze %dma_start3A_202 : memref<1x100000xf32, #tpu.memory_space<hbm>> -> memref<100000xf32, #tpu.memory_space<hbm>>
      %dma_start3A_204 = tpu.memref_slice %arg7[%multiple_of3A] : memref<1600000xf32, #tpu.memory_space<vmem_shared>> -> memref<100000xf32, #tpu.memory_space<vmem_shared>>
      tpu.enqueue_dma source(%dma_start3A_204 : memref<100000xf32, #tpu.memory_space<vmem_shared>>) target(%dma_start3A_203 : memref<100000xf32, #tpu.memory_space<hbm>>) target_semaphore(%run_scoped3A : memref<!tpu.dma_semaphore, #tpu.memory_space<semaphore_mem>>)
      %dma_wait3A = tpu.memref_slice %arg6[%add3A_155, %multiple_of3A] : memref<4x1600000xf32, #tpu.memory_space<hbm>> -> memref<1x100000xf32, #tpu.memory_space<hbm>>
      %dma_wait3A_205 = tpu.memref_squeeze %dma_wait3A : memref<1x100000xf32, #tpu.memory_space<hbm>> -> memref<100000xf32, #tpu.memory_space<hbm>>
      %dma_wait3A_206 = tpu.memref_slice %arg7[%multiple_of3A] : memref<1600000xf32, #tpu.memory_space<vmem_shared>> -> memref<100000xf32, #tpu.memory_space<vmem_shared>>
      tpu.wait_dma2 semaphore(%run_scoped3A : memref<!tpu.dma_semaphore, #tpu.memory_space<semaphore_mem>>) src(%dma_wait3A_206 : memref<100000xf32, #tpu.memory_space<vmem_shared>>) dst(%dma_wait3A_205 : memref<100000xf32, #tpu.memory_space<hbm>>)
      tpu.yield
    }) : () -> ()
    return
  }
}

</mosaic_0001>

<sc_bundles>
// kernel: kernel.3.cloned.1.call-start
scs
__scs_entry_jumppad:
0x0: {  	(pc) =	sbr.rel $0x88, $3  }
0x1: {  	(tag) =	ssettag $0x0;
	lr =	simm.s32 $0x1  }
0x2: {  	[smem:$0x3F9D] =	sst lr;
	_ =	strace $0xD0000000  }
0x3: {  	_ = 	snop  }
0x4: {  	_ = 	snop  }
0x5: {  	_ = 	snop  }
0x6: {  	_ = 	snop  }
0x7: {  	_ = 	snop  }
__scs_overlays_trampoline_lowered:
0x8: {  	[smem:$0x3FAC] =	sst s0  }
0x9: {  	[smem:$0x3FAD] =	sst s1  }
0xa: {  	[smem:$0x3FAE] =	sst s2  }
0xb: {  	[smem:$0x3FAF] =	sst s3  }
0xc: {  	[smem:$0x3FB0] =	sst s4  }
0xd: {  	[smem:$0x3FB1] =	sst s5  }
0xe: {  	[smem:$0x3FB2] =	sst s6  }
0xf: {  	[smem:$0x3FB3] =	sst s7  }
0x10: {  	[smem:$0x3FB4] =	sst s8  }
0x11: {  	[smem:$0x3FB5] =	sst s9;
	s0 =	simm.s32 @!p0 $0x0  }
0x12: {  	s1 =	sld [smem:$0x3F9B];
	s0 =	simm.s32 @p0 $0x1  }
0x13: {  	[smem:$0x3FB6] =	sst s0;
	s0 =	simm.s32 @!p1 $0x0  }
0x14: {  	s2 =	sld [smem:$0x3F9A];
	s0 =	simm.s32 @p1 $0x1  }
0x15: {  	[smem:$0x3FB7] =	sst s0;
	s0 =	simm.s32 @!p2 $0x0  }
0x16: {  	s3 =	sld [smem:$0x3FDB];
	s0 =	simm.s32 @p2 $0x1  }
0x17: {  	s4 =	simm.s32 $0x1BF5;
	[smem:$0x3FB9] =	sst s0  }
0x18: {  	s0 =	sld [smem:$0x3F9C];
	_ =	swait.ge [sflag:s4], $0x0  }
0x19: {  	s7 =	sld [smem:$0x3F9D]  }
0x1a: {  	s8 =	sadd.s32 $0xFFFFE003, lr  }
0x1b: {  	s9 =	sadd.s32 $0xFFFFFEF7, lr;
	s5 =	simm.s32 $0xFFFFFFFF;
	p2 =	slt.u32 s8, $0xFFFFF086  }
0x1c: {  	p1 =	slt.u32 s9, $0xF7A;
	s5 =	simm.s32 @!p2 $0x0  }
0x1d: {  	s5 =	simm.s32 @p1 $0x1;
	p0 =	seq.s32 s7, s2  }
0x1e: {  	s7 =	smul.u32 @!p0 $0xF7A, s2;
	p2 =	seq.s32 @!p0 s5, $0x0  }
0x1f: {  	s9 =	smul.u32 $0xF7A, s1;
	s8 =	simm.s32 @!p0 $0x1BF5;
	p2 =	por !p2, p0  }
0x20: {  	[sflag:s8] =	ssyncset.s32 @!p0 $0xFFFFF086;
	s6 =	sadd.s32 @!p0 s3, s7;
	s7 =	simm.s32 @!p0 $0x108  }
0x21: {  	s3 =	sadd.s32 s3, s9;
	s6 =	sadd.s32 @!p0 $0x88, s6;
	s7 =	simm.s32 @p2 $0x1082  }
0x22: {  	[simem:s7], [sflag:s8] =	dma.local @!p0 [hbm:s6], $0xF7A  }
0x23: {  	s9 =	sor.u32 $0xD0000000, s2;
	s6 =	simm.s32 $0x108;
	_ =	swait.ge @!p0 [sflag:s8], $0x0  }
0x24: {  	s3 =	sadd.s32 $0x88, s3;
	s6 =	simm.s32 @!p1 $0x1082;
	[sflag:s4] =	ssyncset.s32 $0xFFFFF086  }
0x25: {  	[simem:s6], [sflag:s4] =	dma.local [hbm:s3], $0xF7A  }
0x26: {  	[smem:$0x3F9D] =	sst s1;
	(tag) =	ssettag s2;
	_ =	strace s9  }
0x27: {  	s1 =	sld [smem:$0x3FAD]  }
0x28: {  	s2 =	sld [smem:$0x3FAE]  }
0x29: {  	s4 =	sld [smem:$0x3FB0]  }
0x2a: {  	p0 =	seq.s32 s5, $0x0;
	s5 =	sld [smem:$0x3FB1]  }
0x2b: {  	s6 =	sld [smem:$0x3FB2]  }
0x2c: {  	s7 =	sld [smem:$0x3FB3]  }
0x2d: {  	s3 =	simm.s32 $0x108;
	s8 =	sld [smem:$0x3FB4]  }
0x2e: {  	s3 =	simm.s32 @!p0 $0x1082;
	s9 =	sld [smem:$0x3FB5]  }
0x2f: {  	lr =	sadd.s32 s0, s3;
	s0 =	sld [smem:$0x3FAC]  }
0x30: {  	s3 =	sld [smem:$0x3FAF]  }
0x31: {  	[smem:$0x3FB8] =	sst s10  }
0x32: {  	s10 =	sld [smem:$0x3FB6];
	_ =	sdelay $0x3  }
0x33: {  	p0 =	seq.s32 s10, $0x1;
	s10 =	sld [smem:$0x3FB8];
	_ =	sdelay $0x3  }
0x34: {  	[smem:$0x3FB8] =	sst s10  }
0x35: {  	s10 =	sld [smem:$0x3FB7];
	_ =	sdelay $0x3  }
0x36: {  	p1 =	seq.s32 s10, $0x1;
	s10 =	sld [smem:$0x3FB8];
	_ =	sdelay $0x3  }
0x37: {  	[smem:$0x3FB8] =	sst s10  }
0x38: {  	s10 =	sld [smem:$0x3FB9]  }
0x39: {  	_ = 	snop;
	(pc) =	sbr.ind lr, $3  }
0x3a: {  	_ = 	snop  }
0x3b: {  	_ = 	snop  }
0x3c: {  	p2 =	seq.s32 s10, $0x1;
	s10 =	sld [smem:$0x3FB8]  }
0x3d: {  	_ =	shalt  }
0x3e: {  	_ =	shalt  }
0x3f: {  	_ =	shalt  }
0x40: {  	_ =	shalt  }
0x41: {  	_ =	shalt  }
0x42: {  	_ =	shalt  }
0x43: {  	_ =	shalt  }
0x44: {  	_ =	shalt  }
0x45: {  	_ =	shalt  }
0x46: {  	_ =	shalt  }
0x47: {  	_ =	shalt  }
0x48: {  	_ =	shalt  }
0x49: {  	_ =	shalt  }
0x4a: {  	_ =	shalt  }
0x4b: {  	_ =	shalt  }
0x4c: {  	_ =	shalt  }
0x4d: {  	_ =	shalt  }
0x4e: {  	_ =	shalt  }
0x4f: {  	_ =	shalt  }
0x50: {  	_ =	shalt  }
0x51: {  	_ =	shalt  }
0x52: {  	_ =	shalt  }
0x53: {  	_ =	shalt  }
0x54: {  	_ =	shalt  }
0x55: {  	_ =	shalt  }
0x56: {  	_ =	shalt  }
0x57: {  	_ =	shalt  }
0x58: {  	_ =	shalt  }
0x59: {  	_ =	shalt  }
0x5a: {  	_ =	shalt  }
0x5b: {  	_ =	shalt  }
0x5c: {  	_ =	shalt  }
0x5d: {  	_ =	shalt  }
0x5e: {  	_ =	shalt  }
0x5f: {  	_ =	shalt  }
0x60: {  	_ =	shalt  }
0x61: {  	_ =	shalt  }
0x62: {  	_ =	shalt  }
0x63: {  	_ =	shalt  }
0x64: {  	_ =	shalt  }
0x65: {  	_ =	shalt  }
0x66: {  	_ =	shalt  }
0x67: {  	_ =	shalt  }
0x68: {  	_ =	shalt  }
0x69: {  	_ =	shalt  }
0x6a: {  	_ =	shalt  }
0x6b: {  	_ =	shalt  }
0x6c: {  	_ =	shalt  }
0x6d: {  	_ =	shalt  }
0x6e: {  	_ =	shalt  }
0x6f: {  	_ =	shalt  }
0x70: {  	_ =	shalt  }
0x71: {  	_ =	shalt  }
0x72: {  	_ =	shalt  }
0x73: {  	_ =	shalt  }
0x74: {  	_ =	shalt  }
0x75: {  	_ =	shalt  }
0x76: {  	_ =	shalt  }
0x77: {  	_ =	shalt  }
0x78: {  	_ =	shalt  }
0x79: {  	_ =	shalt  }
0x7a: {  	_ =	shalt  }
0x7b: {  	_ =	shalt  }
0x7c: {  	_ =	shalt  }
0x7d: {  	_ =	shalt  }
0x7e: {  	_ =	shalt  }
0x7f: {  	_ =	shalt  }
0x80: {  	_ =	shalt  }
0x81: {  	_ =	shalt  }
0x82: {  	_ =	shalt  }
0x83: {  	_ =	shalt  }
0x84: {  	_ =	shalt  }
0x85: {  	_ =	shalt  }
0x86: {  	_ =	shalt  }
0x87: {  	_ =	shalt  }
.Lfunc_end0:
.L_simem_size_0:
called_computation_lowered:
.L_overlay_start_0:
0x88: {  	s2 =	sld [smem:$0x3FD9]  }
0x89: {  	s3 =	sld [smem:$0x3FFE];
	_ =	sdelay $0x1  }
0x8a: {  	s1 =	srdreg.scid  }
0x8b: {  	s0 =	sand.u32 $0x1, s1  }
0x8c: {  	s14 =	sshll.u32 s0, $0xA;
	s2 =	sadd.s32 s3, s2  }
0x8d: {  	s2 =	sadd.s32 s2, s14  }
0x8e: {  	[smem:$0x3FC4] =	sst s2  }
0x8f: {  	_ = 	snop  }
0x90: {  	s2 =	sld [smem:$0x3FD0];
	_ =	sdelay $0x2  }
0x91: {  	s15 =	simm.s32 $0xA;
	s4 =	simm.s32 $0x10  }
0x92: {  	[smem:s4], [sflag:s15] =	dma.local [hbm:s2], $0x1  }
0x93: {  	_ =	swait.eq [sflag:s15], $0x1  }
0x94: {  	[sflag:s15] =	ssyncset.done $0x0  }
0x95: {  	s16 =	sld [smem:$0x10];
	[sflag:s15] =	ssyncadd.s32 $0xFFFFFFFF  }
0x96: {  	s17 =	sld [smem:$0x11];
	(tm) =	ssettm $0x1  }
0x97: {  	s18 =	sld [smem:$0x3FFB];
	_ =	sdelay $0x3  }
0x98: {  	_ =	strace s18  }
0x99: {  	s4 =	sld [smem:$0x3FFC];
	_ =	sdelay $0x3  }
0x9a: {  	_ =	strace s4  }
0x9b: {  	s4 =	sld [smem:$0x3FFD];
	_ =	sdelay $0x3  }
0x9c: {  	_ =	strace s4  }
0x9d: {  	_ =	strace $0x8FFFFFFF  }
0x9e: {  	s19 =	sld [smem:$0x3FDB];
	_ =	sdelay $0x1  }
0x9f: {  	s5 =	simm.s32 $_scs_section_size  }
0xa0: {  	s6 =	simm.s32 $_size__tile_overlayer_lowered;
	s7 =	simm.s32 $_tile_overlayer_lowered  }
0xa1: {  	s22 =	simm.s32 $0x1BFF;
	s21 =	sshll.u32 s7, $0x1;
	s4 =	sadd.s32 s5, s19  }
0xa2: {  	s8 =	simm.s32 $0x0;
	s20 =	sshll.u32 s6, $0x1;
	s6 =	sadd.s32 s21, s4  }
0xa3: {  	[timem:s8], [sflag:s22] =	dma.local [hbm:s6], s20  }
0xa4: {  	_ =	swait.ge [sflag:s22], s20  }
0xa5: {  	s5 =	ssub.s32 $0x0, s20;
	[sflag:s22] =	ssyncset.done $0x0  }
0xa6: {  	[sflag:s22] =	ssyncadd.s32 s5;
	_ =	sdelay $0x1  }
0xa7: {  	s23 =	simm.s32 $0x1B8B  }
0xa8: {  	_ =	swait.ge [sflag:s23], $0x1  }
0xa9: {  	[sflag:s23] =	ssyncset.done $0x0  }
0xaa: {  	s25 =	simm.s32 $0x1B8E;
	s24 =	sld [smem:$0x3FFE];
	[sflag:s23] =	ssyncadd.s32 $0xFFFFFFFF  }
0xab: {  	s26 =	simm.s32 $execute0_lowered;
	[smem:$0x3FD2] =	sst s25  }
0xac: {  	s6 =	sshll.u32 s26, $0x1;
	_ =	strace $0x80000046;
	[dreg:$0x1] =	wrdreg $0xFFFFFFFF  }
0xad: {  	s28 =	simm.s32 $_size_execute0_lowered;
	s4 =	sadd.s32 s4, s6;
	[dreg:$0x0] =	wrdreg $0x0  }
0xae: {  	s6 =	sshll.u32 s28, $0x1;
	[dreg:$0x2] =	wrdreg s4  }
0xaf: {  	[dreg:$0x3] =	wrdreg s6  }
0xb0: {  	[dreg:$0x4] =	wrdreg $0xC0  }
0xb1: {  	_ =	task [dreg:s8], $0x5FFFF  }
0xb2: {  	[dreg:$0x1] =	wrdreg $0xFFFFFFFF  }
0xb3: {  	[dreg:$0x0] =	wrdreg $0x60  }
0xb4: {  	[dreg:$0x2] =	wrdreg s24  }
0xb5: {  	[dreg:$0x3] =	wrdreg s16  }
0xb6: {  	[dreg:$0x4] =	wrdreg s17  }
0xb7: {  	[dreg:$0x5] =	wrdreg $0x0  }
0xb8: {  	[dreg:$0x6] =	wrdreg $0x9  }
0xb9: {  	_ =	task.clear_ibuf [dreg:s8], $0x7FFFF;
	_ =	strace $0x90000046  }
0xba: {  	s29 =	simm.s32 $0x9;
	_ =	strace $0x80000048  }
0xbb: {  	_ =	swait.ge [sflag:s29], $0x1  }
0xbc: {  	[sflag:s29] =	ssyncadd.s32 $0xFFFFFFFF  }
0xbd: {  	_ =	strace $0x90000048  }
0xbe: {  	_ =	sfence  }
0xbf: {  	s30 =	sld [smem:$0x0];
	_ =	sdelay $0x2  }
0xc0: {  	s31 =	sshll.u32 s1, $0xD;
	s1 =	sshrl.u32 s1, $0x2  }
0xc1: {  	s3 =	sand.u32 $0x4000, s31;
	s1 =	sadd.s32 s1, s30  }
0xc2: {  	s0 =	sor.u32 s3, s0;
	s1 =	sshll.u32 s1, $0x11  }
0xc3: {  	s0 =	sor.u32 s1, s0  }
0xc4: {  	s0 =	sadd.s32 $0x8F2B, s0  }
0xc5: {  	[sflag:s0] =	ssyncadd.remote.s32 $0x1  }
0xc6: {  	_ =	sfence.sel $0xFFFF  }
0xc7: {  	[dreg:$0x0] =	wrdreg $0xFFFFFFFF;
	(pc) =	sbr.abs _section_cstart, $3  }
0xc8: {  	[dreg:$0x1] =	wrdreg $0xFFFFFFFF  }
0xc9: {  	_ =	task.clear_ibuf [dreg:s8], $0x2FFFF;
	_ =	strace $0x9FFFFFFF  }
0xca: {  	(tm) =	ssettm $0x7FFFFFFF  }
0xcb: {  	_ =	shalt  }
tec
execute0_lowered:
.L_overlay_start_1:
0x0: {  	(tag) =	ssettag $0x1  }
0x1: {  	s0 =	rddreg [dreg:$0x0]  }
0x2: {  	s2 =	rddreg [dreg:$0x1]  }
0x3: {  	s3 =	rddreg [dreg:$0x2]  }
0x4: {  	s1 =	rddreg [dreg:$0x3];
	s14 =	simm.s32 $0x0;
	s4 =	srdreg.scid  }
0x5: {  	s8 =	stileid.u32;
	s28 =	simm.s32 $0x4;
	s29 =	simm.s32 $0x1  }
0x6: {  	s30 =	simm.s32 $0x2;
	s31 =	simm.s32 $0x80;
	[smem:$0x7FF] =	sst s14  }
0x7: {  	s11 =	sadd.s32 $0xE00, s0;
	s12 =	sadd.s32 $0x20E00, s0;
	s4 =	sand.u32 $0x1, s4  }
0x8: {  	s6 =	sadd.s32 $0x40E00, s0;
	s5 =	smul.u32 $0x186A0, s8;
	s8 =	sshll.u32 s8, $0x10  }
0x9: {  	_ =	strace $0x80000047;
	s15 =	ssub.s32 $0x2, s4;
	s18 =	smul.u32 $0x30D400, s4  }
0xa: {  	s9 =	sshll.u32 s4, $0x5;
	s4 =	sshllo.u32 s4, $0x1;
	[dreg:$0x6] =	wrdreg s11  }
0xb: {  	[dreg:$0x7] =	wrdreg s12;
	s7 =	sshrl.u32 s15, $0x1;
	s16 =	sadd.s32 s5, s1  }
0xc: {  	[dreg:$0x8] =	wrdreg s9;
	s17 =	sor.u32 s9, s8;
	s19 =	sshll.u32 s4, $0x4  }
0xd: {  	s4 =	smul.u32 $0x186A00, s4;
	s0 =	ssub.s32 s15, s7;
	[dreg:$0x9] =	wrdreg s16  }
0xe: {  	s7 =	sshrl.u32 s17, $0x3;
	s9 =	sadd.s32 s5, s18;
	[dreg:$0xb] =	wrdreg s19  }
0xf: {  	s15 =	simm.s32 $0x1ACA0;
	s16 =	simm.s32 $0x1B4A0;
	s17 =	simm.s32 $0x1AD20  }
0x10: {  	s18 =	simm.s32 $0x1B520;
	s10 =	sadd.s32 s11, s7;
	s13 =	sadd.s32 s6, s7  }
0x11: {  	s9 =	sshrl.u32 s9, $0x3;
	s4 =	sadd.s32 s5, s4;
	s23 =	sadd.s32 s12, s7  }
0x12: {  	s0 =	smax.u32 s0, $0x1;
	s5 =	simm.s32 $0x1B2A0;
	[dreg:$0xa] =	wrdreg s10  }
0x13: {  	s7 =	simm.s32 $0x1AB20;
	[dreg:$0xc] =	wrdreg s13;
	s10 =	sor.u32 s8, s19  }
0x14: {  	s20 =	sadd.s32 s2, s9;
	s4 =	sshrl.u32 s4, $0x3;
	[dreg:$0x11] =	wrdreg s23  }
0x15: {  	s24 =	sadd.s32 s3, s9;
	s19 =	sor.u32 $0x2000, s8;
	[dreg:$0x15] =	wrdreg s0  }
0x16: {  	s23 =	simm.s32 $0x10;
	s9 =	simm.s32 $0x3;
	s0 =	simm.s32 $0x1ABA0  }
0x17: {  	s13 =	simm.s32 $0x1B420;
	s10 =	sshrl.u32 s10, $0x3;
	[dreg:$0xd] =	wrdreg s20  }
0x18: {  	s2 =	sadd.s32 s2, s4;
	[dreg:$0x12] =	wrdreg s24;
	s26 =	sadd.s32 s3, s4  }
0x19: {  	s24 =	simm.s32 $0x40;
	s3 =	simm.s32 $0x1B3A0;
	[dreg:$0x10] =	wrdreg s2  }
.Ltmp0:
0x1a: {  	s21 =	sadd.s32 s11, s10;
	[dreg:$0x14] =	wrdreg s26;
	(pc) =	sbr.rel .LBB2_1-.Ltmp0, $4  }
0x1b: {  	s20 =	simm.s32 $0x1ADA0;
	s22 =	sadd.s32 s6, s10;
	[dreg:$0xe] =	wrdreg s21  }
0x1c: {  	s25 =	sadd.s32 s12, s10;
	s10 =	simm.s32 $0x1B320;
	[dreg:$0xf] =	wrdreg s22  }
0x1d: {  	s12 =	simm.s32 $0x1AC20;
	s11 =	simm.s32 $0x1AE20;
	[dreg:$0x13] =	wrdreg s25  }
0x1e: {  	v0 =	vimm.f32 $0.0e+00;
	v1 =	vlaneseq.u32;
	s22 =	simm.s32 $0x1B6A0;
	s21 =	simm.s32 $0x1B5A0;
	s25 =	simm.s32 $0x1B620  }
.LBB2_39:
0x1f: {  	[bflag:$0x0] =	sbarrier.arrive $0xFFFF  }
0x20: {  	s2 =	rddreg [dreg:$0x14]  }
0x21: {  	s4 =	rddreg [dreg:$0x16]  }
0x22: {  	s8 =	rddreg [dreg:$0x17]  }
0x23: {  	[hbm:s2], [sflag:s4] =	dma.local [spmem:s8], $0x30D4  }
0x24: {  	s8 =	simm.s32 $0x5  }
0x25: {  	_ =	swait.ge [sflag:s8], $0x30D4  }
0x26: {  	s14 =	rddreg [dreg:$0x5]  }
0x27: {  	s26 =	rddreg [dreg:$0x15];
	s14 =	sadd.s32 $0x1, s14  }
0x28: {  	p0 =	sne.s32 s14, s26  }
.Ltmp1:
0x29: {  	_ = 	snop;
	(pc) =	sbr.rel @!p0 .LBB2_40-.Ltmp1, $3  }
0x2a: {  	_ =	sdelay $0x1  }
0x2b: {  	[sflag:s8] =	ssyncset.done $0x0  }
0x2c: {  	[sflag:s8] =	ssyncadd.s32 $0xFFFFCF2C  }
.LBB2_1:
0x2d: {  	s2 =	simm.s32 $0x0  }
.LBB2_2:
0x2e: {  	p0 =	sne.s32 s2, $0x26C0  }
.Ltmp2:
0x2f: {  	_ = 	snop;
	(pc) =	sbr.rel @p0 .LBB2_2-.Ltmp2, $3  }
0x30: {  	_ =	sdelay $0x1  }
0x31: {  	s8 =	sshra.s32 s2, $0x2  }
0x32: {  	s2 =	sadd.s32 $0x40, s2;
	[tilespmem:s8+$0x1B6A0] =	vst v0  }
0x33: {  	s8 =	rddreg [dreg:$0x9];
	s2 =	simm.s32 $0x9C4  }
0x34: {  	[spmem:s8] =	stream.linear.scatter [tilespmem:s22], [sflag:$0x4], $0x9C4, $0x38;
	[tilespmem:$0x1C068] =	vst v63  }
.LBB2_4:
0x35: {  	p0 =	sne.s32 s2, $0x17CDC  }
.Ltmp3:
0x36: {  	_ = 	snop;
	(pc) =	sbr.rel @p0 .LBB2_4-.Ltmp3, $3  }
0x37: {  	_ = 	snop  }
0x38: {  	s2 =	sadd.s32 $0x9C4, s2;
	s8 =	sadd.s32 $0x9C4, s8;
	_ =	sdelay $0x1  }
0x39: {  	[spmem:s8] =	stream.linear.scatter [tilespmem:s22], [sflag:$0x4], $0x9C4, $0x38;
	[tilespmem:$0x1C068] =	vst v63  }
0x3a: {  	[dreg:$0x5] =	wrdreg s14  }
0x3b: {  	s2 =	rddreg [dreg:$0xa];
	s4 =	simm.s32 $0x186A0  }
0x3c: {  	[tilespmem:s4], [sflag:$0x1] =	stream.strided.gather [hbm4b:s2+s23], $0x800, s24, s23, $0x38;
	[tilespmem:$0x1C068] =	vst v63  }
0x3d: {  	s14 =	rddreg [dreg:$0xc];
	s26 =	simm.s32 $0x196A0  }
0x3e: {  	[tilespmem:s26], [sflag:$0x2] =	stream.strided.gather [hbm4b:s14+s23], $0x800, s24, s23, $0x38;
	[tilespmem:$0x1C068] =	vst v63  }
0x3f: {  	_ =	swait.ge [sflag:s28], $0x9C4  }
0x40: {  	s2 =	simm.s32 $0x27;
	[sflag:s28] =	ssyncset.done $0x0  }
.LBB2_6:
0x41: {  	p0 =	sne.s32 s2, $0x1;
	s2 =	sadd.s32 $0xFFFFFFFF, s2;
	[sflag:s28] =	ssyncadd.s32 $0xFFFFF63C  }
.Ltmp4:
0x42: {  	(pc) =	sbr.rel @p0 .LBB2_6-.Ltmp4, $3  }
0x43: {  	_ =	sdelay $0x1  }
0x44: {  	_ =	swait.ge [sflag:s28], $0x9C4  }
0x45: {  	[sflag:s28] =	ssyncset.done $0x0  }
0x46: {  	[sflag:s28] =	ssyncadd.s32 $0xFFFFF63C  }
0x47: {  	s26 =	simm.s32 $0x0;
	p0 =	por $0x0, $0x0;
	[bflag:$0x0] =	sbarrier.arrive $0xFFFF  }
.LBB2_8:
0x48: {  	s2 =	simm.s32 $0x1  }
0x49: {  	s2 =	simm.s32 @!p0 $0x0  }
0x4a: {  	s2 =	sshll.u32 s2, $0xB  }
0x4b: {  	_ =	swait.ge [sflag:s29], $0x800;
	s8 =	sor.u32 $0x196E0, s2;
	s2 =	sor.u32 $0x186E0, s2  }
0x4c: {  	[sflag:s29] =	ssyncset.done $0x0;
	v3 =	vmov s2  }
0x4d: {  	[sflag:s29] =	ssyncadd.s32 $0xFFFFF800  }
0x4e: {  	s14 =	sshll.u32 s26, $0xB;
	_ =	swait.ge [sflag:s30], $0x800  }
0x4f: {  	s14 =	sand.u32 $0x800, s14;
	[sflag:s30] =	ssyncset.done $0x0  }
0x50: {  	v2 =	vmov s8;
	s2 =	simm.s32 $0x0;
	s8 =	simm.s32 $0x200;
	[sflag:s30] =	ssyncadd.s32 $0xFFFFF800  }
.LBB2_9:
0x51: {  	p1 =	sne.s32 s8, $0x1E00;
	v4 =	vld.idx.msk [tilespmem:v3+s2+$0xFFFFFFC0 ss:$0x1], $0xffff;
	_ =	sdelay $0x5  }
0x52: {  	v4 =	vshll.u32 v4, $0x4  }
0x53: {  	v4 =	vor.u32 v1, v4  }
0x54: {  	[tilespmem:s2+$0x1A6A0] =	vst v4  }
0x55: {  	v4 =	vld.idx.msk [tilespmem:v2+s2+$0xFFFFFFC0 ss:$0x1], $0xffff;
	_ =	sdelay $0x5  }
0x56: {  	[tilespmem:s2+$0x1AEA0] =	vst v4  }
0x57: {  	v4 =	vld.idx.msk [tilespmem:v3+s2+$0xFFFFFFD0 ss:$0x1], $0xffff;
	_ =	sdelay $0x5  }
0x58: {  	v4 =	vshll.u32 v4, $0x4  }
0x59: {  	v4 =	vor.u32 v1, v4  }
0x5a: {  	[tilespmem:s2+$0x1A6B0] =	vst v4  }
0x5b: {  	v4 =	vld.idx.msk [tilespmem:v2+s2+$0xFFFFFFD0 ss:$0x1], $0xffff;
	_ =	sdelay $0x5  }
0x5c: {  	[tilespmem:s2+$0x1AEB0] =	vst v4  }
0x5d: {  	v4 =	vld.idx.msk [tilespmem:v3+s2+$0xFFFFFFE0 ss:$0x1], $0xffff;
	_ =	sdelay $0x5  }
0x5e: {  	v4 =	vshll.u32 v4, $0x4  }
0x5f: {  	v4 =	vor.u32 v1, v4  }
0x60: {  	[tilespmem:s2+$0x1A6C0] =	vst v4  }
0x61: {  	v4 =	vld.idx.msk [tilespmem:v2+s2+$0xFFFFFFE0 ss:$0x1], $0xffff;
	_ =	sdelay $0x5  }
0x62: {  	[tilespmem:s2+$0x1AEC0] =	vst v4  }
0x63: {  	v4 =	vld.idx.msk [tilespmem:v3+s2+$0xFFFFFFF0 ss:$0x1], $0xffff;
	_ =	sdelay $0x5  }
0x64: {  	v4 =	vshll.u32 v4, $0x4  }
0x65: {  	v4 =	vor.u32 v1, v4  }
0x66: {  	[tilespmem:s2+$0x1A6D0] =	vst v4  }
0x67: {  	v4 =	vld.idx.msk [tilespmem:v2+s2+$0xFFFFFFF0 ss:$0x1], $0xffff;
	_ =	sdelay $0x5  }
0x68: {  	[tilespmem:s2+$0x1AED0] =	vst v4  }
0x69: {  	v4 =	vld.idx.msk [tilespmem:v3+s2+$0x0 ss:$0x1], $0xffff;
	_ =	sdelay $0x5  }
0x6a: {  	v4 =	vshll.u32 v4, $0x4  }
0x6b: {  	v4 =	vor.u32 v1, v4  }
0x6c: {  	[tilespmem:s2+$0x1A6E0] =	vst v4  }
0x6d: {  	v4 =	vld.idx.msk [tilespmem:v2+s2+$0x0 ss:$0x1], $0xffff;
	_ =	sdelay $0x5  }
0x6e: {  	[tilespmem:s2+$0x1AEE0] =	vst v4  }
0x6f: {  	v4 =	vld.idx.msk [tilespmem:v3+s2+$0x10 ss:$0x1], $0xffff;
	_ =	sdelay $0x5  }
0x70: {  	v4 =	vshll.u32 v4, $0x4  }
0x71: {  	v4 =	vor.u32 v1, v4  }
0x72: {  	[tilespmem:s2+$0x1A6F0] =	vst v4  }
0x73: {  	v4 =	vld.idx.msk [tilespmem:v2+s2+$0x10 ss:$0x1], $0xffff;
	_ =	sdelay $0x5  }
0x74: {  	[tilespmem:s2+$0x1AEF0] =	vst v4  }
0x75: {  	v4 =	vld.idx.msk [tilespmem:v3+s2+$0x20 ss:$0x1], $0xffff;
	_ =	sdelay $0x5  }
0x76: {  	v4 =	vshll.u32 v4, $0x4  }
0x77: {  	v4 =	vor.u32 v1, v4  }
0x78: {  	[tilespmem:s2+$0x1A700] =	vst v4  }
0x79: {  	v4 =	vld.idx.msk [tilespmem:v2+s2+$0x20 ss:$0x1], $0xffff;
	_ =	sdelay $0x5  }
0x7a: {  	[tilespmem:s2+$0x1AF00] =	vst v4  }
0x7b: {  	v4 =	vld.idx.msk [tilespmem:v3+s2+$0x30 ss:$0x1], $0xffff;
	_ =	sdelay $0x5  }
0x7c: {  	v4 =	vshll.u32 v4, $0x4  }
0x7d: {  	v4 =	vor.u32 v1, v4  }
0x7e: {  	[tilespmem:s2+$0x1A710] =	vst v4  }
0x7f: {  	v4 =	vld.idx.msk [tilespmem:v2+s2+$0x30 ss:$0x1], $0xffff;
	_ =	sdelay $0x1  }
.Ltmp5:
0x80: {  	(pc) =	sbr.rel @p1 .LBB2_9-.Ltmp5, $2  }
0x81: {  	_ =	sdelay $0x2  }
0x82: {  	[tilespmem:s2+$0x1AF10] =	vst v4;
	s2 =	sshra.s32 s8, $0x2;
	s8 =	sadd.s32 $0x200, s8  }
0x83: {  	_ =	sdelay $0x3  }
0x84: {  	v4 =	vld.idx.msk [tilespmem:v3+s2+$0xFFFFFFC0 ss:$0x1], $0xffff;
	_ =	sdelay $0x4  }
0x85: {  	v4 =	vshll.u32 v4, $0x4  }
0x86: {  	v4 =	vor.u32 v1, v4  }
0x87: {  	[tilespmem:s2+$0x1A6A0] =	vst v4  }
0x88: {  	v4 =	vld.idx.msk [tilespmem:v2+s2+$0xFFFFFFC0 ss:$0x1], $0xffff;
	_ =	sdelay $0x4  }
0x89: {  	[tilespmem:s2+$0x1AEA0] =	vst v4  }
0x8a: {  	v4 =	vld.idx.msk [tilespmem:v3+s2+$0xFFFFFFD0 ss:$0x1], $0xffff;
	_ =	sdelay $0x4  }
0x8b: {  	v4 =	vshll.u32 v4, $0x4  }
0x8c: {  	v4 =	vor.u32 v1, v4  }
0x8d: {  	[tilespmem:s2+$0x1A6B0] =	vst v4  }
0x8e: {  	v4 =	vld.idx.msk [tilespmem:v2+s2+$0xFFFFFFD0 ss:$0x1], $0xffff;
	_ =	sdelay $0x4  }
0x8f: {  	[tilespmem:s2+$0x1AEB0] =	vst v4  }
0x90: {  	v4 =	vld.idx.msk [tilespmem:v3+s2+$0xFFFFFFE0 ss:$0x1], $0xffff;
	_ =	sdelay $0x4  }
0x91: {  	v4 =	vshll.u32 v4, $0x4  }
0x92: {  	v4 =	vor.u32 v1, v4  }
0x93: {  	[tilespmem:s2+$0x1A6C0] =	vst v4  }
0x94: {  	v4 =	vld.idx.msk [tilespmem:v2+s2+$0xFFFFFFE0 ss:$0x1], $0xffff;
	_ =	sdelay $0x4  }
0x95: {  	[tilespmem:s2+$0x1AEC0] =	vst v4  }
0x96: {  	v4 =	vld.idx.msk [tilespmem:v3+s2+$0xFFFFFFF0 ss:$0x1], $0xffff;
	_ =	sdelay $0x4  }
0x97: {  	v4 =	vshll.u32 v4, $0x4  }
0x98: {  	v4 =	vor.u32 v1, v4  }
0x99: {  	[tilespmem:s2+$0x1A6D0] =	vst v4  }
0x9a: {  	v4 =	vld.idx.msk [tilespmem:v2+s2+$0xFFFFFFF0 ss:$0x1], $0xffff;
	_ =	sdelay $0x4  }
0x9b: {  	[tilespmem:s2+$0x1AED0] =	vst v4  }
0x9c: {  	v4 =	vld.idx.msk [tilespmem:v3+s2+$0x0 ss:$0x1], $0xffff;
	_ =	sdelay $0x4  }
0x9d: {  	v4 =	vshll.u32 v4, $0x4  }
0x9e: {  	v4 =	vor.u32 v1, v4  }
0x9f: {  	[tilespmem:s2+$0x1A6E0] =	vst v4  }
0xa0: {  	v4 =	vld.idx.msk [tilespmem:v2+s2+$0x0 ss:$0x1], $0xffff;
	_ =	sdelay $0x4  }
0xa1: {  	[tilespmem:s2+$0x1AEE0] =	vst v4  }
0xa2: {  	v4 =	vld.idx.msk [tilespmem:v3+s2+$0x10 ss:$0x1], $0xffff;
	_ =	sdelay $0x4  }
0xa3: {  	v4 =	vshll.u32 v4, $0x4  }
0xa4: {  	v4 =	vor.u32 v1, v4  }
0xa5: {  	[tilespmem:s2+$0x1A6F0] =	vst v4  }
0xa6: {  	v4 =	vld.idx.msk [tilespmem:v2+s2+$0x10 ss:$0x1], $0xffff;
	_ =	sdelay $0x4  }
0xa7: {  	[tilespmem:s2+$0x1AEF0] =	vst v4  }
0xa8: {  	v4 =	vld.idx.msk [tilespmem:v3+s2+$0x20 ss:$0x1], $0xffff;
	_ =	sdelay $0x4  }
0xa9: {  	v4 =	vshll.u32 v4, $0x4  }
0xaa: {  	v4 =	vor.u32 v1, v4  }
0xab: {  	[tilespmem:s2+$0x1A700] =	vst v4  }
0xac: {  	v4 =	vld.idx.msk [tilespmem:v2+s2+$0x20 ss:$0x1], $0xffff;
	_ =	sdelay $0x4  }
0xad: {  	[tilespmem:s2+$0x1AF00] =	vst v4  }
0xae: {  	v3 =	vld.idx.msk [tilespmem:v3+s2+$0x30 ss:$0x1], $0xffff;
	_ =	sdelay $0x4  }
0xaf: {  	v3 =	vshll.u32 v3, $0x4  }
0xb0: {  	v3 =	vor.u32 v1, v3  }
0xb1: {  	[tilespmem:s2+$0x1A710] =	vst v3  }
0xb2: {  	v2 =	vld.idx.msk [tilespmem:v2+s2+$0x30 ss:$0x1], $0xffff;
	_ =	sdelay $0x4  }
0xb3: {  	s8 =	simm.s32 $0x1A6A0;
	s4 =	simm.s32 $0x1AEA0;
	[tilespmem:s2+$0x1AF10] =	vst v2  }
0xb4: {  	[spmem:s1] =	stream.indirect.scatter.add.f32 [tilespmem:s4], [sflag:$0x3], $0x1, s8, s31, $0xb8;
	[tilespmem:$0x1C068] =	vst v63  }
0xb5: {  	_ =	swait.ge [sflag:s9], $0x80  }
0xb6: {  	[sflag:s9] =	ssyncset.done $0x0  }
0xb7: {  	s4 =	simm.s32 $0x1A720;
	s8 =	simm.s32 $0x1AF20;
	[sflag:s9] =	ssyncadd.s32 $0xFFFFFF80  }
0xb8: {  	[spmem:s1] =	stream.indirect.scatter.add.f32 [tilespmem:s8], [sflag:$0x3], $0x1, s4, s31, $0xb8;
	[tilespmem:$0x1C068] =	vst v63  }
0xb9: {  	_ =	swait.ge [sflag:s9], $0x80  }
0xba: {  	[sflag:s9] =	ssyncset.done $0x0  }
0xbb: {  	s4 =	simm.s32 $0x1A7A0;
	s8 =	simm.s32 $0x1AFA0;
	[sflag:s9] =	ssyncadd.s32 $0xFFFFFF80  }
0xbc: {  	[spmem:s1] =	stream.indirect.scatter.add.f32 [tilespmem:s8], [sflag:$0x3], $0x1, s4, s31, $0xb8;
	[tilespmem:$0x1C068] =	vst v63  }
0xbd: {  	_ =	swait.ge [sflag:s9], $0x80  }
0xbe: {  	[sflag:s9] =	ssyncset.done $0x0  }
0xbf: {  	s4 =	simm.s32 $0x1A820;
	s8 =	simm.s32 $0x1B020;
	[sflag:s9] =	ssyncadd.s32 $0xFFFFFF80  }
0xc0: {  	[spmem:s1] =	stream.indirect.scatter.add.f32 [tilespmem:s8], [sflag:$0x3], $0x1, s4, s31, $0xb8;
	[tilespmem:$0x1C068] =	vst v63  }
0xc1: {  	_ =	swait.ge [sflag:s9], $0x80  }
0xc2: {  	[sflag:s9] =	ssyncset.done $0x0  }
0xc3: {  	s4 =	simm.s32 $0x1A8A0;
	s8 =	simm.s32 $0x1B0A0;
	[sflag:s9] =	ssyncadd.s32 $0xFFFFFF80  }
0xc4: {  	[spmem:s1] =	stream.indirect.scatter.add.f32 [tilespmem:s8], [sflag:$0x3], $0x1, s4, s31, $0xb8;
	[tilespmem:$0x1C068] =	vst v63  }
0xc5: {  	_ =	swait.ge [sflag:s9], $0x80  }
0xc6: {  	[sflag:s9] =	ssyncset.done $0x0  }
0xc7: {  	s4 =	simm.s32 $0x1A920;
	s8 =	simm.s32 $0x1B120;
	[sflag:s9] =	ssyncadd.s32 $0xFFFFFF80  }
0xc8: {  	[spmem:s1] =	stream.indirect.scatter.add.f32 [tilespmem:s8], [sflag:$0x3], $0x1, s4, s31, $0xb8;
	[tilespmem:$0x1C068] =	vst v63  }
0xc9: {  	_ =	swait.ge [sflag:s9], $0x80  }
0xca: {  	[sflag:s9] =	ssyncset.done $0x0  }
0xcb: {  	s4 =	simm.s32 $0x1A9A0;
	s8 =	simm.s32 $0x1B1A0;
	[sflag:s9] =	ssyncadd.s32 $0xFFFFFF80  }
0xcc: {  	[spmem:s1] =	stream.indirect.scatter.add.f32 [tilespmem:s8], [sflag:$0x3], $0x1, s4, s31, $0xb8;
	[tilespmem:$0x1C068] =	vst v63  }
0xcd: {  	_ =	swait.ge [sflag:s9], $0x80  }
0xce: {  	[sflag:s9] =	ssyncset.done $0x0  }
0xcf: {  	s4 =	simm.s32 $0x1AA20;
	s8 =	simm.s32 $0x1B220;
	[sflag:s9] =	ssyncadd.s32 $0xFFFFFF80  }
0xd0: {  	[spmem:s1] =	stream.indirect.scatter.add.f32 [tilespmem:s8], [sflag:$0x3], $0x1, s4, s31, $0xb8;
	[tilespmem:$0x1C068] =	vst v63  }
0xd1: {  	_ =	swait.ge [sflag:s9], $0x80  }
0xd2: {  	[sflag:s9] =	ssyncset.done $0x0  }
0xd3: {  	s8 =	simm.s32 $0x1AAA0;
	[sflag:s9] =	ssyncadd.s32 $0xFFFFFF80  }
0xd4: {  	[spmem:s1] =	stream.indirect.scatter.add.f32 [tilespmem:s5], [sflag:$0x3], $0x1, s8, s31, $0xb8;
	[tilespmem:$0x1C068] =	vst v63  }
0xd5: {  	_ =	swait.ge [sflag:s9], $0x80  }
0xd6: {  	[sflag:s9] =	ssyncset.done $0x0  }
0xd7: {  	[sflag:s9] =	ssyncadd.s32 $0xFFFFFF80  }
0xd8: {  	[spmem:s1] =	stream.indirect.scatter.add.f32 [tilespmem:s10], [sflag:$0x3], $0x1, s7, s31, $0xb8;
	[tilespmem:$0x1C068] =	vst v63  }
0xd9: {  	_ =	swait.ge [sflag:s9], $0x80  }
0xda: {  	[sflag:s9] =	ssyncset.done $0x0  }
0xdb: {  	[sflag:s9] =	ssyncadd.s32 $0xFFFFFF80  }
0xdc: {  	[spmem:s1] =	stream.indirect.scatter.add.f32 [tilespmem:s3], [sflag:$0x3], $0x1, s0, s31, $0xb8;
	[tilespmem:$0x1C068] =	vst v63  }
0xdd: {  	_ =	swait.ge [sflag:s9], $0x80  }
0xde: {  	[sflag:s9] =	ssyncset.done $0x0  }
0xdf: {  	[sflag:s9] =	ssyncadd.s32 $0xFFFFFF80  }
0xe0: {  	[spmem:s1] =	stream.indirect.scatter.add.f32 [tilespmem:s13], [sflag:$0x3], $0x1, s12, s31, $0xb8;
	[tilespmem:$0x1C068] =	vst v63  }
0xe1: {  	_ =	swait.ge [sflag:s9], $0x80  }
0xe2: {  	[sflag:s9] =	ssyncset.done $0x0  }
0xe3: {  	[sflag:s9] =	ssyncadd.s32 $0xFFFFFF80  }
0xe4: {  	[spmem:s1] =	stream.indirect.scatter.add.f32 [tilespmem:s16], [sflag:$0x3], $0x1, s15, s31, $0xb8;
	[tilespmem:$0x1C068] =	vst v63  }
0xe5: {  	_ =	swait.ge [sflag:s9], $0x80  }
0xe6: {  	[sflag:s9] =	ssyncset.done $0x0  }
0xe7: {  	[sflag:s9] =	ssyncadd.s32 $0xFFFFFF80  }
0xe8: {  	[spmem:s1] =	stream.indirect.scatter.add.f32 [tilespmem:s18], [sflag:$0x3], $0x1, s17, s31, $0xb8;
	[tilespmem:$0x1C068] =	vst v63  }
0xe9: {  	_ =	swait.ge [sflag:s9], $0x80  }
0xea: {  	[sflag:s9] =	ssyncset.done $0x0  }
0xeb: {  	[sflag:s9] =	ssyncadd.s32 $0xFFFFFF80  }
0xec: {  	[spmem:s1] =	stream.indirect.scatter.add.f32 [tilespmem:s21], [sflag:$0x3], $0x1, s20, s31, $0xb8;
	[tilespmem:$0x1C068] =	vst v63  }
0xed: {  	_ =	swait.ge [sflag:s9], $0x80  }
0xee: {  	p1 =	seq.s32 s26, $0x7;
	[sflag:s9] =	ssyncset.done $0x0  }
.Ltmp6:
0xef: {  	[sflag:s9] =	ssyncadd.s32 $0xFFFFFF80;
	(pc) =	sbr.rel @p1 .LBB2_12-.Ltmp6, $4  }
0xf0: {  	[spmem:s1] =	stream.indirect.scatter.add.f32 [tilespmem:s25], [sflag:$0x3], $0x1, s11, s31, $0xb8;
	[tilespmem:$0x1C068] =	vst v63  }
0xf1: {  	_ =	swait.ge [sflag:s9], $0x80  }
0xf2: {  	[sflag:s9] =	ssyncset.done $0x0  }
0xf3: {  	[sflag:s9] =	ssyncadd.s32 $0xFFFFFF80  }
0xf4: {  	s2 =	sshll.u32 s26, $0xD  }
0xf5: {  	s4 =	rddreg [dreg:$0x8];
	s2 =	sadd.s32 s19, s2  }
0xf6: {  	s2 =	sor.u32 s4, s2  }
.Ltmp7:
0xf7: {  	s4 =	rddreg [dreg:$0x6];
	s2 =	sshrl.u32 s2, $0x3;
	(pc) =	sbr.rel .LBB2_8-.Ltmp7, $4  }
0xf8: {  	s8 =	ssub.s32 $0x18EA0, s14;
	s14 =	ssub.s32 $0x19EA0, s14;
	s4 =	sadd.s32 s4, s2  }
0xf9: {  	[tilespmem:s8], [sflag:$0x1] =	stream.strided.gather [hbm4b:s4+s23], $0x800, s24, s23, $0x38;
	[tilespmem:$0x1C068] =	vst v63  }
0xfa: {  	s26 =	sadd.s32 $0x1, s26;
	p0 =	por !p0, !p0;
	s2 =	sadd.s32 s6, s2  }
0xfb: {  	[tilespmem:s14], [sflag:$0x2] =	stream.strided.gather [hbm4b:s2+s23], $0x800, s24, s23, $0x38;
	[tilespmem:$0x1C068] =	vst v63  }
.LBB2_12:
0xfc: {  	s2 =	stileid.u32;
	[bflag:$0x0] =	sbarrier.arrive $0xFFFF  }
0xfd: {  	s2 =	sshll.u32 s2, $0x6;
	s8 =	rddreg [dreg:$0x9]  }
0xfe: {  	s26 =	rddreg [dreg:$0xd];
	s4 =	sor.u32 $0x1C05, s2  }
0xff: {  	s14 =	sshrl.u32 s8, $0x3;
	[dreg:$0x16] =	wrdreg s4  }
0x100: {  	[dreg:$0x17] =	wrdreg s14  }
0x101: {  	[hbm:s26], [sflag:s4] =	dma.local [spmem:s14], $0x30D4  }
0x102: {  	s26 =	simm.s32 $0x5  }
0x103: {  	_ =	swait.ge [sflag:s26], $0x30D4  }
0x104: {  	[sflag:s26] =	ssyncset.done $0x0  }
0x105: {  	s2 =	simm.s32 $0x9C4;
	[sflag:s26] =	ssyncadd.s32 $0xFFFFCF2C  }
0x106: {  	[spmem:s8] =	stream.linear.scatter [tilespmem:s22], [sflag:$0x4], $0x9C4, $0x38;
	[tilespmem:$0x1C068] =	vst v63  }
.LBB2_13:
0x107: {  	p0 =	sne.s32 s2, $0x17CDC  }
.Ltmp8:
0x108: {  	_ = 	snop;
	(pc) =	sbr.rel @p0 .LBB2_13-.Ltmp8, $3  }
0x109: {  	_ = 	snop  }
0x10a: {  	s2 =	sadd.s32 $0x9C4, s2;
	s8 =	sadd.s32 $0x9C4, s8;
	_ =	sdelay $0x1  }
0x10b: {  	[spmem:s8] =	stream.linear.scatter [tilespmem:s22], [sflag:$0x4], $0x9C4, $0x38;
	[tilespmem:$0x1C068] =	vst v63  }
0x10c: {  	s2 =	rddreg [dreg:$0xe];
	s4 =	simm.s32 $0x186A0  }
0x10d: {  	[tilespmem:s4], [sflag:$0x1] =	stream.strided.gather [hbm4b:s2+s23], $0x800, s24, s23, $0x38;
	[tilespmem:$0x1C068] =	vst v63  }
0x10e: {  	s14 =	rddreg [dreg:$0xf];
	s26 =	simm.s32 $0x196A0  }
0x10f: {  	[tilespmem:s26], [sflag:$0x2] =	stream.strided.gather [hbm4b:s14+s23], $0x800, s24, s23, $0x38;
	[tilespmem:$0x1C068] =	vst v63  }
0x110: {  	_ =	swait.ge [sflag:s28], $0x9C4  }
0x111: {  	s2 =	simm.s32 $0x27;
	[sflag:s28] =	ssyncset.done $0x0  }
.LBB2_15:
0x112: {  	p0 =	sne.s32 s2, $0x1;
	s2 =	sadd.s32 $0xFFFFFFFF, s2;
	[sflag:s28] =	ssyncadd.s32 $0xFFFFF63C  }
.Ltmp9:
0x113: {  	(pc) =	sbr.rel @p0 .LBB2_15-.Ltmp9, $3  }
0x114: {  	_ =	sdelay $0x1  }
0x115: {  	_ =	swait.ge [sflag:s28], $0x9C4  }
0x116: {  	[sflag:s28] =	ssyncset.done $0x0  }
0x117: {  	[sflag:s28] =	ssyncadd.s32 $0xFFFFF63C  }
0x118: {  	s26 =	simm.s32 $0x0;
	p0 =	por $0x0, $0x0;
	[bflag:$0x0] =	sbarrier.arrive $0xFFFF  }
.LBB2_17:
0x119: {  	s2 =	simm.s32 $0x1  }
0x11a: {  	s2 =	simm.s32 @!p0 $0x0  }
0x11b: {  	s2 =	sshll.u32 s2, $0xB  }
0x11c: {  	_ =	swait.ge [sflag:s29], $0x800;
	s4 =	sor.u32 $0x196E0, s2;
	s2 =	sor.u32 $0x186E0, s2  }
0x11d: {  	[sflag:s29] =	ssyncset.done $0x0;
	v3 =	vmov s2  }
0x11e: {  	[sflag:s29] =	ssyncadd.s32 $0xFFFFF800  }
0x11f: {  	s8 =	sshll.u32 s26, $0xB;
	_ =	swait.ge [sflag:s30], $0x800  }
0x120: {  	s14 =	sand.u32 $0x800, s8;
	[sflag:s30] =	ssyncset.done $0x0  }
0x121: {  	s8 =	simm.s32 $0x200;
	v2 =	vmov s4;
	s2 =	simm.s32 $0x0;
	[sflag:s30] =	ssyncadd.s32 $0xFFFFF800  }
.LBB2_18:
0x122: {  	p1 =	sne.s32 s8, $0x1E00;
	v4 =	vld.idx.msk [tilespmem:v3+s2+$0xFFFFFFC0 ss:$0x1], $0xffff;
	_ =	sdelay $0x5  }
0x123: {  	v4 =	vshll.u32 v4, $0x4  }
0x124: {  	v4 =	vor.u32 v1, v4  }
0x125: {  	[tilespmem:s2+$0x1A6A0] =	vst v4  }
0x126: {  	v4 =	vld.idx.msk [tilespmem:v2+s2+$0xFFFFFFC0 ss:$0x1], $0xffff;
	_ =	sdelay $0x5  }
0x127: {  	[tilespmem:s2+$0x1AEA0] =	vst v4  }
0x128: {  	v4 =	vld.idx.msk [tilespmem:v3+s2+$0xFFFFFFD0 ss:$0x1], $0xffff;
	_ =	sdelay $0x5  }
0x129: {  	v4 =	vshll.u32 v4, $0x4  }
0x12a: {  	v4 =	vor.u32 v1, v4  }
0x12b: {  	[tilespmem:s2+$0x1A6B0] =	vst v4  }
0x12c: {  	v4 =	vld.idx.msk [tilespmem:v2+s2+$0xFFFFFFD0 ss:$0x1], $0xffff;
	_ =	sdelay $0x5  }
0x12d: {  	[tilespmem:s2+$0x1AEB0] =	vst v4  }
0x12e: {  	v4 =	vld.idx.msk [tilespmem:v3+s2+$0xFFFFFFE0 ss:$0x1], $0xffff;
	_ =	sdelay $0x5  }
0x12f: {  	v4 =	vshll.u32 v4, $0x4  }
0x130: {  	v4 =	vor.u32 v1, v4  }
0x131: {  	[tilespmem:s2+$0x1A6C0] =	vst v4  }
0x132: {  	v4 =	vld.idx.msk [tilespmem:v2+s2+$0xFFFFFFE0 ss:$0x1], $0xffff;
	_ =	sdelay $0x5  }
0x133: {  	[tilespmem:s2+$0x1AEC0] =	vst v4  }
0x134: {  	v4 =	vld.idx.msk [tilespmem:v3+s2+$0xFFFFFFF0 ss:$0x1], $0xffff;
	_ =	sdelay $0x5  }
0x135: {  	v4 =	vshll.u32 v4, $0x4  }
0x136: {  	v4 =	vor.u32 v1, v4  }
0x137: {  	[tilespmem:s2+$0x1A6D0] =	vst v4  }
0x138: {  	v4 =	vld.idx.msk [tilespmem:v2+s2+$0xFFFFFFF0 ss:$0x1], $0xffff;
	_ =	sdelay $0x5  }
0x139: {  	[tilespmem:s2+$0x1AED0] =	vst v4  }
0x13a: {  	v4 =	vld.idx.msk [tilespmem:v3+s2+$0x0 ss:$0x1], $0xffff;
	_ =	sdelay $0x5  }
0x13b: {  	v4 =	vshll.u32 v4, $0x4  }
0x13c: {  	v4 =	vor.u32 v1, v4  }
0x13d: {  	[tilespmem:s2+$0x1A6E0] =	vst v4  }
0x13e: {  	v4 =	vld.idx.msk [tilespmem:v2+s2+$0x0 ss:$0x1], $0xffff;
	_ =	sdelay $0x5  }
0x13f: {  	[tilespmem:s2+$0x1AEE0] =	vst v4  }
0x140: {  	v4 =	vld.idx.msk [tilespmem:v3+s2+$0x10 ss:$0x1], $0xffff;
	_ =	sdelay $0x5  }
0x141: {  	v4 =	vshll.u32 v4, $0x4  }
0x142: {  	v4 =	vor.u32 v1, v4  }
0x143: {  	[tilespmem:s2+$0x1A6F0] =	vst v4  }
0x144: {  	v4 =	vld.idx.msk [tilespmem:v2+s2+$0x10 ss:$0x1], $0xffff;
	_ =	sdelay $0x5  }
0x145: {  	[tilespmem:s2+$0x1AEF0] =	vst v4  }
0x146: {  	v4 =	vld.idx.msk [tilespmem:v3+s2+$0x20 ss:$0x1], $0xffff;
	_ =	sdelay $0x5  }
0x147: {  	v4 =	vshll.u32 v4, $0x4  }
0x148: {  	v4 =	vor.u32 v1, v4  }
0x149: {  	[tilespmem:s2+$0x1A700] =	vst v4  }
0x14a: {  	v4 =	vld.idx.msk [tilespmem:v2+s2+$0x20 ss:$0x1], $0xffff;
	_ =	sdelay $0x5  }
0x14b: {  	[tilespmem:s2+$0x1AF00] =	vst v4  }
0x14c: {  	v4 =	vld.idx.msk [tilespmem:v3+s2+$0x30 ss:$0x1], $0xffff;
	_ =	sdelay $0x5  }
0x14d: {  	v4 =	vshll.u32 v4, $0x4  }
0x14e: {  	v4 =	vor.u32 v1, v4  }
0x14f: {  	[tilespmem:s2+$0x1A710] =	vst v4  }
0x150: {  	v4 =	vld.idx.msk [tilespmem:v2+s2+$0x30 ss:$0x1], $0xffff;
	_ =	sdelay $0x1  }
.Ltmp10:
0x151: {  	(pc) =	sbr.rel @p1 .LBB2_18-.Ltmp10, $2  }
0x152: {  	_ =	sdelay $0x2  }
0x153: {  	[tilespmem:s2+$0x1AF10] =	vst v4;
	s2 =	sshra.s32 s8, $0x2;
	s8 =	sadd.s32 $0x200, s8  }
0x154: {  	_ =	sdelay $0x3  }
0x155: {  	v4 =	vld.idx.msk [tilespmem:v3+s2+$0xFFFFFFC0 ss:$0x1], $0xffff;
	_ =	sdelay $0x4  }
0x156: {  	v4 =	vshll.u32 v4, $0x4  }
0x157: {  	v4 =	vor.u32 v1, v4  }
0x158: {  	[tilespmem:s2+$0x1A6A0] =	vst v4  }
0x159: {  	v4 =	vld.idx.msk [tilespmem:v2+s2+$0xFFFFFFC0 ss:$0x1], $0xffff;
	_ =	sdelay $0x4  }
0x15a: {  	[tilespmem:s2+$0x1AEA0] =	vst v4  }
0x15b: {  	v4 =	vld.idx.msk [tilespmem:v3+s2+$0xFFFFFFD0 ss:$0x1], $0xffff;
	_ =	sdelay $0x4  }
0x15c: {  	v4 =	vshll.u32 v4, $0x4  }
0x15d: {  	v4 =	vor.u32 v1, v4  }
0x15e: {  	[tilespmem:s2+$0x1A6B0] =	vst v4  }
0x15f: {  	v4 =	vld.idx.msk [tilespmem:v2+s2+$0xFFFFFFD0 ss:$0x1], $0xffff;
	_ =	sdelay $0x4  }
0x160: {  	[tilespmem:s2+$0x1AEB0] =	vst v4  }
0x161: {  	v4 =	vld.idx.msk [tilespmem:v3+s2+$0xFFFFFFE0 ss:$0x1], $0xffff;
	_ =	sdelay $0x4  }
0x162: {  	v4 =	vshll.u32 v4, $0x4  }
0x163: {  	v4 =	vor.u32 v1, v4  }
0x164: {  	[tilespmem:s2+$0x1A6C0] =	vst v4  }
0x165: {  	v4 =	vld.idx.msk [tilespmem:v2+s2+$0xFFFFFFE0 ss:$0x1], $0xffff;
	_ =	sdelay $0x4  }
0x166: {  	[tilespmem:s2+$0x1AEC0] =	vst v4  }
0x167: {  	v4 =	vld.idx.msk [tilespmem:v3+s2+$0xFFFFFFF0 ss:$0x1], $0xffff;
	_ =	sdelay $0x4  }
0x168: {  	v4 =	vshll.u32 v4, $0x4  }
0x169: {  	v4 =	vor.u32 v1, v4  }
0x16a: {  	[tilespmem:s2+$0x1A6D0] =	vst v4  }
0x16b: {  	v4 =	vld.idx.msk [tilespmem:v2+s2+$0xFFFFFFF0 ss:$0x1], $0xffff;
	_ =	sdelay $0x4  }
0x16c: {  	[tilespmem:s2+$0x1AED0] =	vst v4  }
0x16d: {  	v4 =	vld.idx.msk [tilespmem:v3+s2+$0x0 ss:$0x1], $0xffff;
	_ =	sdelay $0x4  }
0x16e: {  	v4 =	vshll.u32 v4, $0x4  }
0x16f: {  	v4 =	vor.u32 v1, v4  }
0x170: {  	[tilespmem:s2+$0x1A6E0] =	vst v4  }
0x171: {  	v4 =	vld.idx.msk [tilespmem:v2+s2+$0x0 ss:$0x1], $0xffff;
	_ =	sdelay $0x4  }
0x172: {  	[tilespmem:s2+$0x1AEE0] =	vst v4  }
0x173: {  	v4 =	vld.idx.msk [tilespmem:v3+s2+$0x10 ss:$0x1], $0xffff;
	_ =	sdelay $0x4  }
0x174: {  	v4 =	vshll.u32 v4, $0x4  }
0x175: {  	v4 =	vor.u32 v1, v4  }
0x176: {  	[tilespmem:s2+$0x1A6F0] =	vst v4  }
0x177: {  	v4 =	vld.idx.msk [tilespmem:v2+s2+$0x10 ss:$0x1], $0xffff;
	_ =	sdelay $0x4  }
0x178: {  	[tilespmem:s2+$0x1AEF0] =	vst v4  }
0x179: {  	v4 =	vld.idx.msk [tilespmem:v3+s2+$0x20 ss:$0x1], $0xffff;
	_ =	sdelay $0x4  }
0x17a: {  	v4 =	vshll.u32 v4, $0x4  }
0x17b: {  	v4 =	vor.u32 v1, v4  }
0x17c: {  	[tilespmem:s2+$0x1A700] =	vst v4  }
0x17d: {  	v4 =	vld.idx.msk [tilespmem:v2+s2+$0x20 ss:$0x1], $0xffff;
	_ =	sdelay $0x4  }
0x17e: {  	[tilespmem:s2+$0x1AF00] =	vst v4  }
0x17f: {  	v3 =	vld.idx.msk [tilespmem:v3+s2+$0x30 ss:$0x1], $0xffff;
	_ =	sdelay $0x4  }
0x180: {  	v3 =	vshll.u32 v3, $0x4  }
0x181: {  	v3 =	vor.u32 v1, v3  }
0x182: {  	[tilespmem:s2+$0x1A710] =	vst v3  }
0x183: {  	v2 =	vld.idx.msk [tilespmem:v2+s2+$0x30 ss:$0x1], $0xffff;
	_ =	sdelay $0x4  }
0x184: {  	s8 =	simm.s32 $0x1A6A0;
	s4 =	simm.s32 $0x1AEA0;
	[tilespmem:s2+$0x1AF10] =	vst v2  }
0x185: {  	[spmem:s1] =	stream.indirect.scatter.add.f32 [tilespmem:s4], [sflag:$0x3], $0x1, s8, s31, $0xb8;
	[tilespmem:$0x1C068] =	vst v63  }
0x186: {  	_ =	swait.ge [sflag:s9], $0x80  }
0x187: {  	[sflag:s9] =	ssyncset.done $0x0  }
0x188: {  	s4 =	simm.s32 $0x1A720;
	s8 =	simm.s32 $0x1AF20;
	[sflag:s9] =	ssyncadd.s32 $0xFFFFFF80  }
0x189: {  	[spmem:s1] =	stream.indirect.scatter.add.f32 [tilespmem:s8], [sflag:$0x3], $0x1, s4, s31, $0xb8;
	[tilespmem:$0x1C068] =	vst v63  }
0x18a: {  	_ =	swait.ge [sflag:s9], $0x80  }
0x18b: {  	[sflag:s9] =	ssyncset.done $0x0  }
0x18c: {  	s4 =	simm.s32 $0x1A7A0;
	s8 =	simm.s32 $0x1AFA0;
	[sflag:s9] =	ssyncadd.s32 $0xFFFFFF80  }
0x18d: {  	[spmem:s1] =	stream.indirect.scatter.add.f32 [tilespmem:s8], [sflag:$0x3], $0x1, s4, s31, $0xb8;
	[tilespmem:$0x1C068] =	vst v63  }
0x18e: {  	_ =	swait.ge [sflag:s9], $0x80  }
0x18f: {  	[sflag:s9] =	ssyncset.done $0x0  }
0x190: {  	s4 =	simm.s32 $0x1A820;
	s8 =	simm.s32 $0x1B020;
	[sflag:s9] =	ssyncadd.s32 $0xFFFFFF80  }
0x191: {  	[spmem:s1] =	stream.indirect.scatter.add.f32 [tilespmem:s8], [sflag:$0x3], $0x1, s4, s31, $0xb8;
	[tilespmem:$0x1C068] =	vst v63  }
0x192: {  	_ =	swait.ge [sflag:s9], $0x80  }
0x193: {  	[sflag:s9] =	ssyncset.done $0x0  }
0x194: {  	s4 =	simm.s32 $0x1A8A0;
	s8 =	simm.s32 $0x1B0A0;
	[sflag:s9] =	ssyncadd.s32 $0xFFFFFF80  }
0x195: {  	[spmem:s1] =	stream.indirect.scatter.add.f32 [tilespmem:s8], [sflag:$0x3], $0x1, s4, s31, $0xb8;
	[tilespmem:$0x1C068] =	vst v63  }
0x196: {  	_ =	swait.ge [sflag:s9], $0x80  }
0x197: {  	[sflag:s9] =	ssyncset.done $0x0  }
0x198: {  	s4 =	simm.s32 $0x1A920;
	s8 =	simm.s32 $0x1B120;
	[sflag:s9] =	ssyncadd.s32 $0xFFFFFF80  }
0x199: {  	[spmem:s1] =	stream.indirect.scatter.add.f32 [tilespmem:s8], [sflag:$0x3], $0x1, s4, s31, $0xb8;
	[tilespmem:$0x1C068] =	vst v63  }
0x19a: {  	_ =	swait.ge [sflag:s9], $0x80  }
0x19b: {  	[sflag:s9] =	ssyncset.done $0x0  }
0x19c: {  	s4 =	simm.s32 $0x1A9A0;
	s8 =	simm.s32 $0x1B1A0;
	[sflag:s9] =	ssyncadd.s32 $0xFFFFFF80  }
0x19d: {  	[spmem:s1] =	stream.indirect.scatter.add.f32 [tilespmem:s8], [sflag:$0x3], $0x1, s4, s31, $0xb8;
	[tilespmem:$0x1C068] =	vst v63  }
0x19e: {  	_ =	swait.ge [sflag:s9], $0x80  }
0x19f: {  	[sflag:s9] =	ssyncset.done $0x0  }
0x1a0: {  	s4 =	simm.s32 $0x1AA20;
	s8 =	simm.s32 $0x1B220;
	[sflag:s9] =	ssyncadd.s32 $0xFFFFFF80  }
0x1a1: {  	[spmem:s1] =	stream.indirect.scatter.add.f32 [tilespmem:s8], [sflag:$0x3], $0x1, s4, s31, $0xb8;
	[tilespmem:$0x1C068] =	vst v63  }
0x1a2: {  	_ =	swait.ge [sflag:s9], $0x80  }
0x1a3: {  	[sflag:s9] =	ssyncset.done $0x0  }
0x1a4: {  	s8 =	simm.s32 $0x1AAA0;
	[sflag:s9] =	ssyncadd.s32 $0xFFFFFF80  }
0x1a5: {  	[spmem:s1] =	stream.indirect.scatter.add.f32 [tilespmem:s5], [sflag:$0x3], $0x1, s8, s31, $0xb8;
	[tilespmem:$0x1C068] =	vst v63  }
0x1a6: {  	_ =	swait.ge [sflag:s9], $0x80  }
0x1a7: {  	[sflag:s9] =	ssyncset.done $0x0  }
0x1a8: {  	[sflag:s9] =	ssyncadd.s32 $0xFFFFFF80  }
0x1a9: {  	[spmem:s1] =	stream.indirect.scatter.add.f32 [tilespmem:s10], [sflag:$0x3], $0x1, s7, s31, $0xb8;
	[tilespmem:$0x1C068] =	vst v63  }
0x1aa: {  	_ =	swait.ge [sflag:s9], $0x80  }
0x1ab: {  	[sflag:s9] =	ssyncset.done $0x0  }
0x1ac: {  	[sflag:s9] =	ssyncadd.s32 $0xFFFFFF80  }
0x1ad: {  	[spmem:s1] =	stream.indirect.scatter.add.f32 [tilespmem:s3], [sflag:$0x3], $0x1, s0, s31, $0xb8;
	[tilespmem:$0x1C068] =	vst v63  }
0x1ae: {  	_ =	swait.ge [sflag:s9], $0x80  }
0x1af: {  	[sflag:s9] =	ssyncset.done $0x0  }
0x1b0: {  	[sflag:s9] =	ssyncadd.s32 $0xFFFFFF80  }
0x1b1: {  	[spmem:s1] =	stream.indirect.scatter.add.f32 [tilespmem:s13], [sflag:$0x3], $0x1, s12, s31, $0xb8;
	[tilespmem:$0x1C068] =	vst v63  }
0x1b2: {  	_ =	swait.ge [sflag:s9], $0x80  }
0x1b3: {  	[sflag:s9] =	ssyncset.done $0x0  }
0x1b4: {  	[sflag:s9] =	ssyncadd.s32 $0xFFFFFF80  }
0x1b5: {  	[spmem:s1] =	stream.indirect.scatter.add.f32 [tilespmem:s16], [sflag:$0x3], $0x1, s15, s31, $0xb8;
	[tilespmem:$0x1C068] =	vst v63  }
0x1b6: {  	_ =	swait.ge [sflag:s9], $0x80  }
0x1b7: {  	[sflag:s9] =	ssyncset.done $0x0  }
0x1b8: {  	[sflag:s9] =	ssyncadd.s32 $0xFFFFFF80  }
0x1b9: {  	[spmem:s1] =	stream.indirect.scatter.add.f32 [tilespmem:s18], [sflag:$0x3], $0x1, s17, s31, $0xb8;
	[tilespmem:$0x1C068] =	vst v63  }
0x1ba: {  	_ =	swait.ge [sflag:s9], $0x80  }
0x1bb: {  	[sflag:s9] =	ssyncset.done $0x0  }
0x1bc: {  	[sflag:s9] =	ssyncadd.s32 $0xFFFFFF80  }
0x1bd: {  	[spmem:s1] =	stream.indirect.scatter.add.f32 [tilespmem:s21], [sflag:$0x3], $0x1, s20, s31, $0xb8;
	[tilespmem:$0x1C068] =	vst v63  }
0x1be: {  	_ =	swait.ge [sflag:s9], $0x80  }
0x1bf: {  	p1 =	seq.s32 s26, $0x7;
	[sflag:s9] =	ssyncset.done $0x0  }
.Ltmp11:
0x1c0: {  	[sflag:s9] =	ssyncadd.s32 $0xFFFFFF80;
	(pc) =	sbr.rel @p1 .LBB2_21-.Ltmp11, $4  }
0x1c1: {  	[spmem:s1] =	stream.indirect.scatter.add.f32 [tilespmem:s25], [sflag:$0x3], $0x1, s11, s31, $0xb8;
	[tilespmem:$0x1C068] =	vst v63  }
0x1c2: {  	_ =	swait.ge [sflag:s9], $0x80  }
0x1c3: {  	[sflag:s9] =	ssyncset.done $0x0  }
0x1c4: {  	[sflag:s9] =	ssyncadd.s32 $0xFFFFFF80  }
0x1c5: {  	s2 =	sshll.u32 s26, $0xD  }
0x1c6: {  	s4 =	rddreg [dreg:$0xb];
	s2 =	sadd.s32 s19, s2  }
0x1c7: {  	s2 =	sor.u32 s4, s2  }
.Ltmp12:
0x1c8: {  	s8 =	rddreg [dreg:$0x6];
	s2 =	sshrl.u32 s2, $0x3;
	(pc) =	sbr.rel .LBB2_17-.Ltmp12, $4  }
0x1c9: {  	s26 =	sadd.s32 $0x1, s26;
	s4 =	ssub.s32 $0x18EA0, s14;
	s8 =	sadd.s32 s8, s2  }
0x1ca: {  	[tilespmem:s4], [sflag:$0x1] =	stream.strided.gather [hbm4b:s8+s23], $0x800, s24, s23, $0x38;
	[tilespmem:$0x1C068] =	vst v63  }
0x1cb: {  	p0 =	por !p0, !p0;
	s14 =	ssub.s32 $0x19EA0, s14;
	s2 =	sadd.s32 s6, s2  }
0x1cc: {  	[tilespmem:s14], [sflag:$0x2] =	stream.strided.gather [hbm4b:s2+s23], $0x800, s24, s23, $0x38;
	[tilespmem:$0x1C068] =	vst v63  }
.LBB2_21:
0x1cd: {  	[bflag:$0x0] =	sbarrier.arrive $0xFFFF  }
0x1ce: {  	s2 =	rddreg [dreg:$0x10]  }
0x1cf: {  	s4 =	rddreg [dreg:$0x16]  }
0x1d0: {  	s26 =	simm.s32 $0x5;
	s8 =	rddreg [dreg:$0x17]  }
0x1d1: {  	[hbm:s2], [sflag:s4] =	dma.local [spmem:s8], $0x30D4  }
0x1d2: {  	_ =	swait.ge [sflag:s26], $0x30D4  }
0x1d3: {  	[sflag:s26] =	ssyncset.done $0x0  }
0x1d4: {  	s2 =	simm.s32 $0x9C4;
	s8 =	rddreg [dreg:$0x9];
	[sflag:s26] =	ssyncadd.s32 $0xFFFFCF2C  }
0x1d5: {  	[spmem:s8] =	stream.linear.scatter [tilespmem:s22], [sflag:$0x4], $0x9C4, $0x38;
	[tilespmem:$0x1C068] =	vst v63  }
.LBB2_22:
0x1d6: {  	p0 =	sne.s32 s2, $0x17CDC  }
.Ltmp13:
0x1d7: {  	_ = 	snop;
	(pc) =	sbr.rel @p0 .LBB2_22-.Ltmp13, $3  }
0x1d8: {  	_ = 	snop  }
0x1d9: {  	s2 =	sadd.s32 $0x9C4, s2;
	s8 =	sadd.s32 $0x9C4, s8;
	_ =	sdelay $0x1  }
0x1da: {  	[spmem:s8] =	stream.linear.scatter [tilespmem:s22], [sflag:$0x4], $0x9C4, $0x38;
	[tilespmem:$0x1C068] =	vst v63  }
0x1db: {  	s2 =	rddreg [dreg:$0x11];
	s4 =	simm.s32 $0x186A0  }
0x1dc: {  	[tilespmem:s4], [sflag:$0x1] =	stream.strided.gather [hbm4b:s2+s23], $0x800, s24, s23, $0x38;
	[tilespmem:$0x1C068] =	vst v63  }
0x1dd: {  	s14 =	rddreg [dreg:$0xc];
	s26 =	simm.s32 $0x196A0  }
0x1de: {  	[tilespmem:s26], [sflag:$0x2] =	stream.strided.gather [hbm4b:s14+s23], $0x800, s24, s23, $0x38;
	[tilespmem:$0x1C068] =	vst v63  }
0x1df: {  	_ =	swait.ge [sflag:s28], $0x9C4  }
0x1e0: {  	s2 =	simm.s32 $0x27;
	[sflag:s28] =	ssyncset.done $0x0  }
.LBB2_24:
0x1e1: {  	p0 =	sne.s32 s2, $0x1;
	s2 =	sadd.s32 $0xFFFFFFFF, s2;
	[sflag:s28] =	ssyncadd.s32 $0xFFFFF63C  }
.Ltmp14:
0x1e2: {  	(pc) =	sbr.rel @p0 .LBB2_24-.Ltmp14, $3  }
0x1e3: {  	_ =	sdelay $0x1  }
0x1e4: {  	_ =	swait.ge [sflag:s28], $0x9C4  }
0x1e5: {  	[sflag:s28] =	ssyncset.done $0x0  }
0x1e6: {  	[sflag:s28] =	ssyncadd.s32 $0xFFFFF63C  }
0x1e7: {  	s26 =	simm.s32 $0x0;
	p0 =	por $0x0, $0x0;
	[bflag:$0x0] =	sbarrier.arrive $0xFFFF  }
.LBB2_26:
0x1e8: {  	s2 =	simm.s32 $0x1  }
0x1e9: {  	s2 =	simm.s32 @!p0 $0x0  }
0x1ea: {  	s2 =	sshll.u32 s2, $0xB  }
0x1eb: {  	_ =	swait.ge [sflag:s29], $0x800;
	s4 =	sor.u32 $0x196E0, s2;
	s2 =	sor.u32 $0x186E0, s2  }
0x1ec: {  	[sflag:s29] =	ssyncset.done $0x0;
	v3 =	vmov s2  }
0x1ed: {  	[sflag:s29] =	ssyncadd.s32 $0xFFFFF800  }
0x1ee: {  	s8 =	sshll.u32 s26, $0xB;
	_ =	swait.ge [sflag:s30], $0x800  }
0x1ef: {  	s14 =	sand.u32 $0x800, s8;
	[sflag:s30] =	ssyncset.done $0x0  }
0x1f0: {  	s8 =	simm.s32 $0x200;
	v2 =	vmov s4;
	s2 =	simm.s32 $0x0;
	[sflag:s30] =	ssyncadd.s32 $0xFFFFF800  }
.LBB2_27:
0x1f1: {  	p1 =	sne.s32 s8, $0x1E00;
	v4 =	vld.idx.msk [tilespmem:v3+s2+$0xFFFFFFC0 ss:$0x1], $0xffff;
	_ =	sdelay $0x5  }
0x1f2: {  	v4 =	vshll.u32 v4, $0x4  }
0x1f3: {  	v4 =	vor.u32 v1, v4  }
0x1f4: {  	[tilespmem:s2+$0x1A6A0] =	vst v4  }
0x1f5: {  	v4 =	vld.idx.msk [tilespmem:v2+s2+$0xFFFFFFC0 ss:$0x1], $0xffff;
	_ =	sdelay $0x5  }
0x1f6: {  	[tilespmem:s2+$0x1AEA0] =	vst v4  }
0x1f7: {  	v4 =	vld.idx.msk [tilespmem:v3+s2+$0xFFFFFFD0 ss:$0x1], $0xffff;
	_ =	sdelay $0x5  }
0x1f8: {  	v4 =	vshll.u32 v4, $0x4  }
0x1f9: {  	v4 =	vor.u32 v1, v4  }
0x1fa: {  	[tilespmem:s2+$0x1A6B0] =	vst v4  }
0x1fb: {  	v4 =	vld.idx.msk [tilespmem:v2+s2+$0xFFFFFFD0 ss:$0x1], $0xffff;
	_ =	sdelay $0x5  }
0x1fc: {  	[tilespmem:s2+$0x1AEB0] =	vst v4  }
0x1fd: {  	v4 =	vld.idx.msk [tilespmem:v3+s2+$0xFFFFFFE0 ss:$0x1], $0xffff;
	_ =	sdelay $0x5  }
0x1fe: {  	v4 =	vshll.u32 v4, $0x4  }
0x1ff: {  	v4 =	vor.u32 v1, v4  }
0x200: {  	[tilespmem:s2+$0x1A6C0] =	vst v4  }
0x201: {  	v4 =	vld.idx.msk [tilespmem:v2+s2+$0xFFFFFFE0 ss:$0x1], $0xffff;
	_ =	sdelay $0x5  }
0x202: {  	[tilespmem:s2+$0x1AEC0] =	vst v4  }
0x203: {  	v4 =	vld.idx.msk [tilespmem:v3+s2+$0xFFFFFFF0 ss:$0x1], $0xffff;
	_ =	sdelay $0x5  }
0x204: {  	v4 =	vshll.u32 v4, $0x4  }
0x205: {  	v4 =	vor.u32 v1, v4  }
0x206: {  	[tilespmem:s2+$0x1A6D0] =	vst v4  }
0x207: {  	v4 =	vld.idx.msk [tilespmem:v2+s2+$0xFFFFFFF0 ss:$0x1], $0xffff;
	_ =	sdelay $0x5  }
0x208: {  	[tilespmem:s2+$0x1AED0] =	vst v4  }
0x209: {  	v4 =	vld.idx.msk [tilespmem:v3+s2+$0x0 ss:$0x1], $0xffff;
	_ =	sdelay $0x5  }
0x20a: {  	v4 =	vshll.u32 v4, $0x4  }
0x20b: {  	v4 =	vor.u32 v1, v4  }
0x20c: {  	[tilespmem:s2+$0x1A6E0] =	vst v4  }
0x20d: {  	v4 =	vld.idx.msk [tilespmem:v2+s2+$0x0 ss:$0x1], $0xffff;
	_ =	sdelay $0x5  }
0x20e: {  	[tilespmem:s2+$0x1AEE0] =	vst v4  }
0x20f: {  	v4 =	vld.idx.msk [tilespmem:v3+s2+$0x10 ss:$0x1], $0xffff;
	_ =	sdelay $0x5  }
0x210: {  	v4 =	vshll.u32 v4, $0x4  }
0x211: {  	v4 =	vor.u32 v1, v4  }
0x212: {  	[tilespmem:s2+$0x1A6F0] =	vst v4  }
0x213: {  	v4 =	vld.idx.msk [tilespmem:v2+s2+$0x10 ss:$0x1], $0xffff;
	_ =	sdelay $0x5  }
0x214: {  	[tilespmem:s2+$0x1AEF0] =	vst v4  }
0x215: {  	v4 =	vld.idx.msk [tilespmem:v3+s2+$0x20 ss:$0x1], $0xffff;
	_ =	sdelay $0x5  }
0x216: {  	v4 =	vshll.u32 v4, $0x4  }
0x217: {  	v4 =	vor.u32 v1, v4  }
0x218: {  	[tilespmem:s2+$0x1A700] =	vst v4  }
0x219: {  	v4 =	vld.idx.msk [tilespmem:v2+s2+$0x20 ss:$0x1], $0xffff;
	_ =	sdelay $0x5  }
0x21a: {  	[tilespmem:s2+$0x1AF00] =	vst v4  }
0x21b: {  	v4 =	vld.idx.msk [tilespmem:v3+s2+$0x30 ss:$0x1], $0xffff;
	_ =	sdelay $0x5  }
0x21c: {  	v4 =	vshll.u32 v4, $0x4  }
0x21d: {  	v4 =	vor.u32 v1, v4  }
0x21e: {  	[tilespmem:s2+$0x1A710] =	vst v4  }
0x21f: {  	v4 =	vld.idx.msk [tilespmem:v2+s2+$0x30 ss:$0x1], $0xffff;
	_ =	sdelay $0x1  }
.Ltmp15:
0x220: {  	(pc) =	sbr.rel @p1 .LBB2_27-.Ltmp15, $2  }
0x221: {  	_ =	sdelay $0x2  }
0x222: {  	[tilespmem:s2+$0x1AF10] =	vst v4;
	s2 =	sshra.s32 s8, $0x2;
	s8 =	sadd.s32 $0x200, s8  }
0x223: {  	_ =	sdelay $0x3  }
0x224: {  	v4 =	vld.idx.msk [tilespmem:v3+s2+$0xFFFFFFC0 ss:$0x1], $0xffff;
	_ =	sdelay $0x4  }
0x225: {  	v4 =	vshll.u32 v4, $0x4  }
0x226: {  	v4 =	vor.u32 v1, v4  }
0x227: {  	[tilespmem:s2+$0x1A6A0] =	vst v4  }
0x228: {  	v4 =	vld.idx.msk [tilespmem:v2+s2+$0xFFFFFFC0 ss:$0x1], $0xffff;
	_ =	sdelay $0x4  }
0x229: {  	[tilespmem:s2+$0x1AEA0] =	vst v4  }
0x22a: {  	v4 =	vld.idx.msk [tilespmem:v3+s2+$0xFFFFFFD0 ss:$0x1], $0xffff;
	_ =	sdelay $0x4  }
0x22b: {  	v4 =	vshll.u32 v4, $0x4  }
0x22c: {  	v4 =	vor.u32 v1, v4  }
0x22d: {  	[tilespmem:s2+$0x1A6B0] =	vst v4  }
0x22e: {  	v4 =	vld.idx.msk [tilespmem:v2+s2+$0xFFFFFFD0 ss:$0x1], $0xffff;
	_ =	sdelay $0x4  }
0x22f: {  	[tilespmem:s2+$0x1AEB0] =	vst v4  }
0x230: {  	v4 =	vld.idx.msk [tilespmem:v3+s2+$0xFFFFFFE0 ss:$0x1], $0xffff;
	_ =	sdelay $0x4  }
0x231: {  	v4 =	vshll.u32 v4, $0x4  }
0x232: {  	v4 =	vor.u32 v1, v4  }
0x233: {  	[tilespmem:s2+$0x1A6C0] =	vst v4  }
0x234: {  	v4 =	vld.idx.msk [tilespmem:v2+s2+$0xFFFFFFE0 ss:$0x1], $0xffff;
	_ =	sdelay $0x4  }
0x235: {  	[tilespmem:s2+$0x1AEC0] =	vst v4  }
0x236: {  	v4 =	vld.idx.msk [tilespmem:v3+s2+$0xFFFFFFF0 ss:$0x1], $0xffff;
	_ =	sdelay $0x4  }
0x237: {  	v4 =	vshll.u32 v4, $0x4  }
0x238: {  	v4 =	vor.u32 v1, v4  }
0x239: {  	[tilespmem:s2+$0x1A6D0] =	vst v4  }
0x23a: {  	v4 =	vld.idx.msk [tilespmem:v2+s2+$0xFFFFFFF0 ss:$0x1], $0xffff;
	_ =	sdelay $0x4  }
0x23b: {  	[tilespmem:s2+$0x1AED0] =	vst v4  }
0x23c: {  	v4 =	vld.idx.msk [tilespmem:v3+s2+$0x0 ss:$0x1], $0xffff;
	_ =	sdelay $0x4  }
0x23d: {  	v4 =	vshll.u32 v4, $0x4  }
0x23e: {  	v4 =	vor.u32 v1, v4  }
0x23f: {  	[tilespmem:s2+$0x1A6E0] =	vst v4  }
0x240: {  	v4 =	vld.idx.msk [tilespmem:v2+s2+$0x0 ss:$0x1], $0xffff;
	_ =	sdelay $0x4  }
0x241: {  	[tilespmem:s2+$0x1AEE0] =	vst v4  }
0x242: {  	v4 =	vld.idx.msk [tilespmem:v3+s2+$0x10 ss:$0x1], $0xffff;
	_ =	sdelay $0x4  }
0x243: {  	v4 =	vshll.u32 v4, $0x4  }
0x244: {  	v4 =	vor.u32 v1, v4  }
0x245: {  	[tilespmem:s2+$0x1A6F0] =	vst v4  }
0x246: {  	v4 =	vld.idx.msk [tilespmem:v2+s2+$0x10 ss:$0x1], $0xffff;
	_ =	sdelay $0x4  }
0x247: {  	[tilespmem:s2+$0x1AEF0] =	vst v4  }
0x248: {  	v4 =	vld.idx.msk [tilespmem:v3+s2+$0x20 ss:$0x1], $0xffff;
	_ =	sdelay $0x4  }
0x249: {  	v4 =	vshll.u32 v4, $0x4  }
0x24a: {  	v4 =	vor.u32 v1, v4  }
0x24b: {  	[tilespmem:s2+$0x1A700] =	vst v4  }
0x24c: {  	v4 =	vld.idx.msk [tilespmem:v2+s2+$0x20 ss:$0x1], $0xffff;
	_ =	sdelay $0x4  }
0x24d: {  	[tilespmem:s2+$0x1AF00] =	vst v4  }
0x24e: {  	v3 =	vld.idx.msk [tilespmem:v3+s2+$0x30 ss:$0x1], $0xffff;
	_ =	sdelay $0x4  }
0x24f: {  	v3 =	vshll.u32 v3, $0x4  }
0x250: {  	v3 =	vor.u32 v1, v3  }
0x251: {  	[tilespmem:s2+$0x1A710] =	vst v3  }
0x252: {  	v2 =	vld.idx.msk [tilespmem:v2+s2+$0x30 ss:$0x1], $0xffff;
	_ =	sdelay $0x4  }
0x253: {  	s8 =	simm.s32 $0x1A6A0;
	s4 =	simm.s32 $0x1AEA0;
	[tilespmem:s2+$0x1AF10] =	vst v2  }
0x254: {  	[spmem:s1] =	stream.indirect.scatter.add.f32 [tilespmem:s4], [sflag:$0x3], $0x1, s8, s31, $0xb8;
	[tilespmem:$0x1C068] =	vst v63  }
0x255: {  	_ =	swait.ge [sflag:s9], $0x80  }
0x256: {  	[sflag:s9] =	ssyncset.done $0x0  }
0x257: {  	s4 =	simm.s32 $0x1A720;
	s8 =	simm.s32 $0x1AF20;
	[sflag:s9] =	ssyncadd.s32 $0xFFFFFF80  }
0x258: {  	[spmem:s1] =	stream.indirect.scatter.add.f32 [tilespmem:s8], [sflag:$0x3], $0x1, s4, s31, $0xb8;
	[tilespmem:$0x1C068] =	vst v63  }
0x259: {  	_ =	swait.ge [sflag:s9], $0x80  }
0x25a: {  	[sflag:s9] =	ssyncset.done $0x0  }
0x25b: {  	s4 =	simm.s32 $0x1A7A0;
	s8 =	simm.s32 $0x1AFA0;
	[sflag:s9] =	ssyncadd.s32 $0xFFFFFF80  }
0x25c: {  	[spmem:s1] =	stream.indirect.scatter.add.f32 [tilespmem:s8], [sflag:$0x3], $0x1, s4, s31, $0xb8;
	[tilespmem:$0x1C068] =	vst v63  }
0x25d: {  	_ =	swait.ge [sflag:s9], $0x80  }
0x25e: {  	[sflag:s9] =	ssyncset.done $0x0  }
0x25f: {  	s4 =	simm.s32 $0x1A820;
	s8 =	simm.s32 $0x1B020;
	[sflag:s9] =	ssyncadd.s32 $0xFFFFFF80  }
0x260: {  	[spmem:s1] =	stream.indirect.scatter.add.f32 [tilespmem:s8], [sflag:$0x3], $0x1, s4, s31, $0xb8;
	[tilespmem:$0x1C068] =	vst v63  }
0x261: {  	_ =	swait.ge [sflag:s9], $0x80  }
0x262: {  	[sflag:s9] =	ssyncset.done $0x0  }
0x263: {  	s4 =	simm.s32 $0x1A8A0;
	s8 =	simm.s32 $0x1B0A0;
	[sflag:s9] =	ssyncadd.s32 $0xFFFFFF80  }
0x264: {  	[spmem:s1] =	stream.indirect.scatter.add.f32 [tilespmem:s8], [sflag:$0x3], $0x1, s4, s31, $0xb8;
	[tilespmem:$0x1C068] =	vst v63  }
0x265: {  	_ =	swait.ge [sflag:s9], $0x80  }
0x266: {  	[sflag:s9] =	ssyncset.done $0x0  }
0x267: {  	s4 =	simm.s32 $0x1A920;
	s8 =	simm.s32 $0x1B120;
	[sflag:s9] =	ssyncadd.s32 $0xFFFFFF80  }
0x268: {  	[spmem:s1] =	stream.indirect.scatter.add.f32 [tilespmem:s8], [sflag:$0x3], $0x1, s4, s31, $0xb8;
	[tilespmem:$0x1C068] =	vst v63  }
0x269: {  	_ =	swait.ge [sflag:s9], $0x80  }
0x26a: {  	[sflag:s9] =	ssyncset.done $0x0  }
0x26b: {  	s4 =	simm.s32 $0x1A9A0;
	s8 =	simm.s32 $0x1B1A0;
	[sflag:s9] =	ssyncadd.s32 $0xFFFFFF80  }
0x26c: {  	[spmem:s1] =	stream.indirect.scatter.add.f32 [tilespmem:s8], [sflag:$0x3], $0x1, s4, s31, $0xb8;
	[tilespmem:$0x1C068] =	vst v63  }
0x26d: {  	_ =	swait.ge [sflag:s9], $0x80  }
0x26e: {  	[sflag:s9] =	ssyncset.done $0x0  }
0x26f: {  	s4 =	simm.s32 $0x1AA20;
	s8 =	simm.s32 $0x1B220;
	[sflag:s9] =	ssyncadd.s32 $0xFFFFFF80  }
0x270: {  	[spmem:s1] =	stream.indirect.scatter.add.f32 [tilespmem:s8], [sflag:$0x3], $0x1, s4, s31, $0xb8;
	[tilespmem:$0x1C068] =	vst v63  }
0x271: {  	_ =	swait.ge [sflag:s9], $0x80  }
0x272: {  	[sflag:s9] =	ssyncset.done $0x0  }
0x273: {  	s8 =	simm.s32 $0x1AAA0;
	[sflag:s9] =	ssyncadd.s32 $0xFFFFFF80  }
0x274: {  	[spmem:s1] =	stream.indirect.scatter.add.f32 [tilespmem:s5], [sflag:$0x3], $0x1, s8, s31, $0xb8;
	[tilespmem:$0x1C068] =	vst v63  }
0x275: {  	_ =	swait.ge [sflag:s9], $0x80  }
0x276: {  	[sflag:s9] =	ssyncset.done $0x0  }
0x277: {  	[sflag:s9] =	ssyncadd.s32 $0xFFFFFF80  }
0x278: {  	[spmem:s1] =	stream.indirect.scatter.add.f32 [tilespmem:s10], [sflag:$0x3], $0x1, s7, s31, $0xb8;
	[tilespmem:$0x1C068] =	vst v63  }
0x279: {  	_ =	swait.ge [sflag:s9], $0x80  }
0x27a: {  	[sflag:s9] =	ssyncset.done $0x0  }
0x27b: {  	[sflag:s9] =	ssyncadd.s32 $0xFFFFFF80  }
0x27c: {  	[spmem:s1] =	stream.indirect.scatter.add.f32 [tilespmem:s3], [sflag:$0x3], $0x1, s0, s31, $0xb8;
	[tilespmem:$0x1C068] =	vst v63  }
0x27d: {  	_ =	swait.ge [sflag:s9], $0x80  }
0x27e: {  	[sflag:s9] =	ssyncset.done $0x0  }
0x27f: {  	[sflag:s9] =	ssyncadd.s32 $0xFFFFFF80  }
0x280: {  	[spmem:s1] =	stream.indirect.scatter.add.f32 [tilespmem:s13], [sflag:$0x3], $0x1, s12, s31, $0xb8;
	[tilespmem:$0x1C068] =	vst v63  }
0x281: {  	_ =	swait.ge [sflag:s9], $0x80  }
0x282: {  	[sflag:s9] =	ssyncset.done $0x0  }
0x283: {  	[sflag:s9] =	ssyncadd.s32 $0xFFFFFF80  }
0x284: {  	[spmem:s1] =	stream.indirect.scatter.add.f32 [tilespmem:s16], [sflag:$0x3], $0x1, s15, s31, $0xb8;
	[tilespmem:$0x1C068] =	vst v63  }
0x285: {  	_ =	swait.ge [sflag:s9], $0x80  }
0x286: {  	[sflag:s9] =	ssyncset.done $0x0  }
0x287: {  	[sflag:s9] =	ssyncadd.s32 $0xFFFFFF80  }
0x288: {  	[spmem:s1] =	stream.indirect.scatter.add.f32 [tilespmem:s18], [sflag:$0x3], $0x1, s17, s31, $0xb8;
	[tilespmem:$0x1C068] =	vst v63  }
0x289: {  	_ =	swait.ge [sflag:s9], $0x80  }
0x28a: {  	[sflag:s9] =	ssyncset.done $0x0  }
0x28b: {  	[sflag:s9] =	ssyncadd.s32 $0xFFFFFF80  }
0x28c: {  	[spmem:s1] =	stream.indirect.scatter.add.f32 [tilespmem:s21], [sflag:$0x3], $0x1, s20, s31, $0xb8;
	[tilespmem:$0x1C068] =	vst v63  }
0x28d: {  	_ =	swait.ge [sflag:s9], $0x80  }
0x28e: {  	p1 =	seq.s32 s26, $0x7;
	[sflag:s9] =	ssyncset.done $0x0  }
.Ltmp16:
0x28f: {  	[sflag:s9] =	ssyncadd.s32 $0xFFFFFF80;
	(pc) =	sbr.rel @p1 .LBB2_30-.Ltmp16, $4  }
0x290: {  	[spmem:s1] =	stream.indirect.scatter.add.f32 [tilespmem:s25], [sflag:$0x3], $0x1, s11, s31, $0xb8;
	[tilespmem:$0x1C068] =	vst v63  }
0x291: {  	_ =	swait.ge [sflag:s9], $0x80  }
0x292: {  	[sflag:s9] =	ssyncset.done $0x0  }
0x293: {  	[sflag:s9] =	ssyncadd.s32 $0xFFFFFF80  }
0x294: {  	s2 =	sshll.u32 s26, $0xD  }
0x295: {  	s4 =	rddreg [dreg:$0x8];
	s2 =	sadd.s32 s19, s2  }
0x296: {  	s2 =	sor.u32 s4, s2  }
.Ltmp17:
0x297: {  	s8 =	rddreg [dreg:$0x7];
	s2 =	sshrl.u32 s2, $0x3;
	(pc) =	sbr.rel .LBB2_26-.Ltmp17, $4  }
0x298: {  	s26 =	sadd.s32 $0x1, s26;
	s4 =	ssub.s32 $0x18EA0, s14;
	s8 =	sadd.s32 s8, s2  }
0x299: {  	[tilespmem:s4], [sflag:$0x1] =	stream.strided.gather [hbm4b:s8+s23], $0x800, s24, s23, $0x38;
	[tilespmem:$0x1C068] =	vst v63  }
0x29a: {  	p0 =	por !p0, !p0;
	s14 =	ssub.s32 $0x19EA0, s14;
	s2 =	sadd.s32 s6, s2  }
0x29b: {  	[tilespmem:s14], [sflag:$0x2] =	stream.strided.gather [hbm4b:s2+s23], $0x800, s24, s23, $0x38;
	[tilespmem:$0x1C068] =	vst v63  }
.LBB2_30:
0x29c: {  	[bflag:$0x0] =	sbarrier.arrive $0xFFFF  }
0x29d: {  	s2 =	rddreg [dreg:$0x12]  }
0x29e: {  	s4 =	rddreg [dreg:$0x16]  }
0x29f: {  	s26 =	simm.s32 $0x5;
	s8 =	rddreg [dreg:$0x17]  }
0x2a0: {  	[hbm:s2], [sflag:s4] =	dma.local [spmem:s8], $0x30D4  }
0x2a1: {  	_ =	swait.ge [sflag:s26], $0x30D4  }
0x2a2: {  	[sflag:s26] =	ssyncset.done $0x0  }
0x2a3: {  	s2 =	simm.s32 $0x9C4;
	s8 =	rddreg [dreg:$0x9];
	[sflag:s26] =	ssyncadd.s32 $0xFFFFCF2C  }
0x2a4: {  	[spmem:s8] =	stream.linear.scatter [tilespmem:s22], [sflag:$0x4], $0x9C4, $0x38;
	[tilespmem:$0x1C068] =	vst v63  }
.LBB2_31:
0x2a5: {  	p0 =	sne.s32 s2, $0x17CDC  }
.Ltmp18:
0x2a6: {  	_ = 	snop;
	(pc) =	sbr.rel @p0 .LBB2_31-.Ltmp18, $3  }
0x2a7: {  	_ = 	snop  }
0x2a8: {  	s2 =	sadd.s32 $0x9C4, s2;
	s8 =	sadd.s32 $0x9C4, s8;
	_ =	sdelay $0x1  }
0x2a9: {  	[spmem:s8] =	stream.linear.scatter [tilespmem:s22], [sflag:$0x4], $0x9C4, $0x38;
	[tilespmem:$0x1C068] =	vst v63  }
0x2aa: {  	s2 =	rddreg [dreg:$0x13];
	s4 =	simm.s32 $0x186A0  }
0x2ab: {  	[tilespmem:s4], [sflag:$0x1] =	stream.strided.gather [hbm4b:s2+s23], $0x800, s24, s23, $0x38;
	[tilespmem:$0x1C068] =	vst v63  }
0x2ac: {  	s14 =	rddreg [dreg:$0xf];
	s26 =	simm.s32 $0x196A0  }
0x2ad: {  	[tilespmem:s26], [sflag:$0x2] =	stream.strided.gather [hbm4b:s14+s23], $0x800, s24, s23, $0x38;
	[tilespmem:$0x1C068] =	vst v63  }
0x2ae: {  	_ =	swait.ge [sflag:s28], $0x9C4  }
0x2af: {  	s2 =	simm.s32 $0x27;
	[sflag:s28] =	ssyncset.done $0x0  }
.LBB2_33:
0x2b0: {  	p0 =	sne.s32 s2, $0x1;
	s2 =	sadd.s32 $0xFFFFFFFF, s2;
	[sflag:s28] =	ssyncadd.s32 $0xFFFFF63C  }
.Ltmp19:
0x2b1: {  	(pc) =	sbr.rel @p0 .LBB2_33-.Ltmp19, $3  }
0x2b2: {  	_ =	sdelay $0x1  }
0x2b3: {  	_ =	swait.ge [sflag:s28], $0x9C4  }
0x2b4: {  	[sflag:s28] =	ssyncset.done $0x0  }
0x2b5: {  	[sflag:s28] =	ssyncadd.s32 $0xFFFFF63C  }
0x2b6: {  	s26 =	simm.s32 $0x0;
	p0 =	por $0x0, $0x0;
	[bflag:$0x0] =	sbarrier.arrive $0xFFFF  }
.LBB2_35:
0x2b7: {  	s2 =	simm.s32 $0x1  }
0x2b8: {  	s2 =	simm.s32 @!p0 $0x0  }
0x2b9: {  	s2 =	sshll.u32 s2, $0xB  }
0x2ba: {  	_ =	swait.ge [sflag:s29], $0x800;
	s4 =	sor.u32 $0x196E0, s2;
	s2 =	sor.u32 $0x186E0, s2  }
0x2bb: {  	[sflag:s29] =	ssyncset.done $0x0;
	v3 =	vmov s2  }
0x2bc: {  	[sflag:s29] =	ssyncadd.s32 $0xFFFFF800  }
0x2bd: {  	s8 =	sshll.u32 s26, $0xB;
	_ =	swait.ge [sflag:s30], $0x800  }
0x2be: {  	s14 =	sand.u32 $0x800, s8;
	[sflag:s30] =	ssyncset.done $0x0  }
0x2bf: {  	s8 =	simm.s32 $0x200;
	v2 =	vmov s4;
	s2 =	simm.s32 $0x0;
	[sflag:s30] =	ssyncadd.s32 $0xFFFFF800  }
.LBB2_36:
0x2c0: {  	p1 =	sne.s32 s8, $0x1E00;
	v4 =	vld.idx.msk [tilespmem:v3+s2+$0xFFFFFFC0 ss:$0x1], $0xffff;
	_ =	sdelay $0x5  }
0x2c1: {  	v4 =	vshll.u32 v4, $0x4  }
0x2c2: {  	v4 =	vor.u32 v1, v4  }
0x2c3: {  	[tilespmem:s2+$0x1A6A0] =	vst v4  }
0x2c4: {  	v4 =	vld.idx.msk [tilespmem:v2+s2+$0xFFFFFFC0 ss:$0x1], $0xffff;
	_ =	sdelay $0x5  }
0x2c5: {  	[tilespmem:s2+$0x1AEA0] =	vst v4  }
0x2c6: {  	v4 =	vld.idx.msk [tilespmem:v3+s2+$0xFFFFFFD0 ss:$0x1], $0xffff;
	_ =	sdelay $0x5  }
0x2c7: {  	v4 =	vshll.u32 v4, $0x4  }
0x2c8: {  	v4 =	vor.u32 v1, v4  }
0x2c9: {  	[tilespmem:s2+$0x1A6B0] =	vst v4  }
0x2ca: {  	v4 =	vld.idx.msk [tilespmem:v2+s2+$0xFFFFFFD0 ss:$0x1], $0xffff;
	_ =	sdelay $0x5  }
0x2cb: {  	[tilespmem:s2+$0x1AEB0] =	vst v4  }
0x2cc: {  	v4 =	vld.idx.msk [tilespmem:v3+s2+$0xFFFFFFE0 ss:$0x1], $0xffff;
	_ =	sdelay $0x5  }
0x2cd: {  	v4 =	vshll.u32 v4, $0x4  }
0x2ce: {  	v4 =	vor.u32 v1, v4  }
0x2cf: {  	[tilespmem:s2+$0x1A6C0] =	vst v4  }
0x2d0: {  	v4 =	vld.idx.msk [tilespmem:v2+s2+$0xFFFFFFE0 ss:$0x1], $0xffff;
	_ =	sdelay $0x5  }
0x2d1: {  	[tilespmem:s2+$0x1AEC0] =	vst v4  }
0x2d2: {  	v4 =	vld.idx.msk [tilespmem:v3+s2+$0xFFFFFFF0 ss:$0x1], $0xffff;
	_ =	sdelay $0x5  }
0x2d3: {  	v4 =	vshll.u32 v4, $0x4  }
0x2d4: {  	v4 =	vor.u32 v1, v4  }
0x2d5: {  	[tilespmem:s2+$0x1A6D0] =	vst v4  }
0x2d6: {  	v4 =	vld.idx.msk [tilespmem:v2+s2+$0xFFFFFFF0 ss:$0x1], $0xffff;
	_ =	sdelay $0x5  }
0x2d7: {  	[tilespmem:s2+$0x1AED0] =	vst v4  }
0x2d8: {  	v4 =	vld.idx.msk [tilespmem:v3+s2+$0x0 ss:$0x1], $0xffff;
	_ =	sdelay $0x5  }
0x2d9: {  	v4 =	vshll.u32 v4, $0x4  }
0x2da: {  	v4 =	vor.u32 v1, v4  }
0x2db: {  	[tilespmem:s2+$0x1A6E0] =	vst v4  }
0x2dc: {  	v4 =	vld.idx.msk [tilespmem:v2+s2+$0x0 ss:$0x1], $0xffff;
	_ =	sdelay $0x5  }
0x2dd: {  	[tilespmem:s2+$0x1AEE0] =	vst v4  }
0x2de: {  	v4 =	vld.idx.msk [tilespmem:v3+s2+$0x10 ss:$0x1], $0xffff;
	_ =	sdelay $0x5  }
0x2df: {  	v4 =	vshll.u32 v4, $0x4  }
0x2e0: {  	v4 =	vor.u32 v1, v4  }
0x2e1: {  	[tilespmem:s2+$0x1A6F0] =	vst v4  }
0x2e2: {  	v4 =	vld.idx.msk [tilespmem:v2+s2+$0x10 ss:$0x1], $0xffff;
	_ =	sdelay $0x5  }
0x2e3: {  	[tilespmem:s2+$0x1AEF0] =	vst v4  }
0x2e4: {  	v4 =	vld.idx.msk [tilespmem:v3+s2+$0x20 ss:$0x1], $0xffff;
	_ =	sdelay $0x5  }
0x2e5: {  	v4 =	vshll.u32 v4, $0x4  }
0x2e6: {  	v4 =	vor.u32 v1, v4  }
0x2e7: {  	[tilespmem:s2+$0x1A700] =	vst v4  }
0x2e8: {  	v4 =	vld.idx.msk [tilespmem:v2+s2+$0x20 ss:$0x1], $0xffff;
	_ =	sdelay $0x5  }
0x2e9: {  	[tilespmem:s2+$0x1AF00] =	vst v4  }
0x2ea: {  	v4 =	vld.idx.msk [tilespmem:v3+s2+$0x30 ss:$0x1], $0xffff;
	_ =	sdelay $0x5  }
0x2eb: {  	v4 =	vshll.u32 v4, $0x4  }
0x2ec: {  	v4 =	vor.u32 v1, v4  }
0x2ed: {  	[tilespmem:s2+$0x1A710] =	vst v4  }
0x2ee: {  	v4 =	vld.idx.msk [tilespmem:v2+s2+$0x30 ss:$0x1], $0xffff;
	_ =	sdelay $0x1  }
.Ltmp20:
0x2ef: {  	(pc) =	sbr.rel @p1 .LBB2_36-.Ltmp20, $2  }
0x2f0: {  	_ =	sdelay $0x2  }
0x2f1: {  	[tilespmem:s2+$0x1AF10] =	vst v4;
	s2 =	sshra.s32 s8, $0x2;
	s8 =	sadd.s32 $0x200, s8  }
0x2f2: {  	_ =	sdelay $0x3  }
0x2f3: {  	v4 =	vld.idx.msk [tilespmem:v3+s2+$0xFFFFFFC0 ss:$0x1], $0xffff;
	_ =	sdelay $0x4  }
0x2f4: {  	v4 =	vshll.u32 v4, $0x4  }
0x2f5: {  	v4 =	vor.u32 v1, v4  }
0x2f6: {  	[tilespmem:s2+$0x1A6A0] =	vst v4  }
0x2f7: {  	v4 =	vld.idx.msk [tilespmem:v2+s2+$0xFFFFFFC0 ss:$0x1], $0xffff;
	_ =	sdelay $0x4  }
0x2f8: {  	[tilespmem:s2+$0x1AEA0] =	vst v4  }
0x2f9: {  	v4 =	vld.idx.msk [tilespmem:v3+s2+$0xFFFFFFD0 ss:$0x1], $0xffff;
	_ =	sdelay $0x4  }
0x2fa: {  	v4 =	vshll.u32 v4, $0x4  }
0x2fb: {  	v4 =	vor.u32 v1, v4  }
0x2fc: {  	[tilespmem:s2+$0x1A6B0] =	vst v4  }
0x2fd: {  	v4 =	vld.idx.msk [tilespmem:v2+s2+$0xFFFFFFD0 ss:$0x1], $0xffff;
	_ =	sdelay $0x4  }
0x2fe: {  	[tilespmem:s2+$0x1AEB0] =	vst v4  }
0x2ff: {  	v4 =	vld.idx.msk [tilespmem:v3+s2+$0xFFFFFFE0 ss:$0x1], $0xffff;
	_ =	sdelay $0x4  }
0x300: {  	v4 =	vshll.u32 v4, $0x4  }
0x301: {  	v4 =	vor.u32 v1, v4  }
0x302: {  	[tilespmem:s2+$0x1A6C0] =	vst v4  }
0x303: {  	v4 =	vld.idx.msk [tilespmem:v2+s2+$0xFFFFFFE0 ss:$0x1], $0xffff;
	_ =	sdelay $0x4  }
0x304: {  	[tilespmem:s2+$0x1AEC0] =	vst v4  }
0x305: {  	v4 =	vld.idx.msk [tilespmem:v3+s2+$0xFFFFFFF0 ss:$0x1], $0xffff;
	_ =	sdelay $0x4  }
0x306: {  	v4 =	vshll.u32 v4, $0x4  }
0x307: {  	v4 =	vor.u32 v1, v4  }
0x308: {  	[tilespmem:s2+$0x1A6D0] =	vst v4  }
0x309: {  	v4 =	vld.idx.msk [tilespmem:v2+s2+$0xFFFFFFF0 ss:$0x1], $0xffff;
	_ =	sdelay $0x4  }
0x30a: {  	[tilespmem:s2+$0x1AED0] =	vst v4  }
0x30b: {  	v4 =	vld.idx.msk [tilespmem:v3+s2+$0x0 ss:$0x1], $0xffff;
	_ =	sdelay $0x4  }
0x30c: {  	v4 =	vshll.u32 v4, $0x4  }
0x30d: {  	v4 =	vor.u32 v1, v4  }
0x30e: {  	[tilespmem:s2+$0x1A6E0] =	vst v4  }
0x30f: {  	v4 =	vld.idx.msk [tilespmem:v2+s2+$0x0 ss:$0x1], $0xffff;
	_ =	sdelay $0x4  }
0x310: {  	[tilespmem:s2+$0x1AEE0] =	vst v4  }
0x311: {  	v4 =	vld.idx.msk [tilespmem:v3+s2+$0x10 ss:$0x1], $0xffff;
	_ =	sdelay $0x4  }
0x312: {  	v4 =	vshll.u32 v4, $0x4  }
0x313: {  	v4 =	vor.u32 v1, v4  }
0x314: {  	[tilespmem:s2+$0x1A6F0] =	vst v4  }
0x315: {  	v4 =	vld.idx.msk [tilespmem:v2+s2+$0x10 ss:$0x1], $0xffff;
	_ =	sdelay $0x4  }
0x316: {  	[tilespmem:s2+$0x1AEF0] =	vst v4  }
0x317: {  	v4 =	vld.idx.msk [tilespmem:v3+s2+$0x20 ss:$0x1], $0xffff;
	_ =	sdelay $0x4  }
0x318: {  	v4 =	vshll.u32 v4, $0x4  }
0x319: {  	v4 =	vor.u32 v1, v4  }
0x31a: {  	[tilespmem:s2+$0x1A700] =	vst v4  }
0x31b: {  	v4 =	vld.idx.msk [tilespmem:v2+s2+$0x20 ss:$0x1], $0xffff;
	_ =	sdelay $0x4  }
0x31c: {  	[tilespmem:s2+$0x1AF00] =	vst v4  }
0x31d: {  	v3 =	vld.idx.msk [tilespmem:v3+s2+$0x30 ss:$0x1], $0xffff;
	_ =	sdelay $0x4  }
0x31e: {  	v3 =	vshll.u32 v3, $0x4  }
0x31f: {  	v3 =	vor.u32 v1, v3  }
0x320: {  	[tilespmem:s2+$0x1A710] =	vst v3  }
0x321: {  	v2 =	vld.idx.msk [tilespmem:v2+s2+$0x30 ss:$0x1], $0xffff;
	_ =	sdelay $0x4  }
0x322: {  	s8 =	simm.s32 $0x1A6A0;
	s4 =	simm.s32 $0x1AEA0;
	[tilespmem:s2+$0x1AF10] =	vst v2  }
0x323: {  	[spmem:s1] =	stream.indirect.scatter.add.f32 [tilespmem:s4], [sflag:$0x3], $0x1, s8, s31, $0xb8;
	[tilespmem:$0x1C068] =	vst v63  }
0x324: {  	_ =	swait.ge [sflag:s9], $0x80  }
0x325: {  	[sflag:s9] =	ssyncset.done $0x0  }
0x326: {  	s4 =	simm.s32 $0x1A720;
	s8 =	simm.s32 $0x1AF20;
	[sflag:s9] =	ssyncadd.s32 $0xFFFFFF80  }
0x327: {  	[spmem:s1] =	stream.indirect.scatter.add.f32 [tilespmem:s8], [sflag:$0x3], $0x1, s4, s31, $0xb8;
	[tilespmem:$0x1C068] =	vst v63  }
0x328: {  	_ =	swait.ge [sflag:s9], $0x80  }
0x329: {  	[sflag:s9] =	ssyncset.done $0x0  }
0x32a: {  	s4 =	simm.s32 $0x1A7A0;
	s8 =	simm.s32 $0x1AFA0;
	[sflag:s9] =	ssyncadd.s32 $0xFFFFFF80  }
0x32b: {  	[spmem:s1] =	stream.indirect.scatter.add.f32 [tilespmem:s8], [sflag:$0x3], $0x1, s4, s31, $0xb8;
	[tilespmem:$0x1C068] =	vst v63  }
0x32c: {  	_ =	swait.ge [sflag:s9], $0x80  }
0x32d: {  	[sflag:s9] =	ssyncset.done $0x0  }
0x32e: {  	s4 =	simm.s32 $0x1A820;
	s8 =	simm.s32 $0x1B020;
	[sflag:s9] =	ssyncadd.s32 $0xFFFFFF80  }
0x32f: {  	[spmem:s1] =	stream.indirect.scatter.add.f32 [tilespmem:s8], [sflag:$0x3], $0x1, s4, s31, $0xb8;
	[tilespmem:$0x1C068] =	vst v63  }
0x330: {  	_ =	swait.ge [sflag:s9], $0x80  }
0x331: {  	[sflag:s9] =	ssyncset.done $0x0  }
0x332: {  	s4 =	simm.s32 $0x1A8A0;
	s8 =	simm.s32 $0x1B0A0;
	[sflag:s9] =	ssyncadd.s32 $0xFFFFFF80  }
0x333: {  	[spmem:s1] =	stream.indirect.scatter.add.f32 [tilespmem:s8], [sflag:$0x3], $0x1, s4, s31, $0xb8;
	[tilespmem:$0x1C068] =	vst v63  }
0x334: {  	_ =	swait.ge [sflag:s9], $0x80  }
0x335: {  	[sflag:s9] =	ssyncset.done $0x0  }
0x336: {  	s4 =	simm.s32 $0x1A920;
	s8 =	simm.s32 $0x1B120;
	[sflag:s9] =	ssyncadd.s32 $0xFFFFFF80  }
0x337: {  	[spmem:s1] =	stream.indirect.scatter.add.f32 [tilespmem:s8], [sflag:$0x3], $0x1, s4, s31, $0xb8;
	[tilespmem:$0x1C068] =	vst v63  }
0x338: {  	_ =	swait.ge [sflag:s9], $0x80  }
0x339: {  	[sflag:s9] =	ssyncset.done $0x0  }
0x33a: {  	s4 =	simm.s32 $0x1A9A0;
	s8 =	simm.s32 $0x1B1A0;
	[sflag:s9] =	ssyncadd.s32 $0xFFFFFF80  }
0x33b: {  	[spmem:s1] =	stream.indirect.scatter.add.f32 [tilespmem:s8], [sflag:$0x3], $0x1, s4, s31, $0xb8;
	[tilespmem:$0x1C068] =	vst v63  }
0x33c: {  	_ =	swait.ge [sflag:s9], $0x80  }
0x33d: {  	[sflag:s9] =	ssyncset.done $0x0  }
0x33e: {  	s4 =	simm.s32 $0x1AA20;
	s8 =	simm.s32 $0x1B220;
	[sflag:s9] =	ssyncadd.s32 $0xFFFFFF80  }
0x33f: {  	[spmem:s1] =	stream.indirect.scatter.add.f32 [tilespmem:s8], [sflag:$0x3], $0x1, s4, s31, $0xb8;
	[tilespmem:$0x1C068] =	vst v63  }
0x340: {  	_ =	swait.ge [sflag:s9], $0x80  }
0x341: {  	[sflag:s9] =	ssyncset.done $0x0  }
0x342: {  	s8 =	simm.s32 $0x1AAA0;
	[sflag:s9] =	ssyncadd.s32 $0xFFFFFF80  }
0x343: {  	[spmem:s1] =	stream.indirect.scatter.add.f32 [tilespmem:s5], [sflag:$0x3], $0x1, s8, s31, $0xb8;
	[tilespmem:$0x1C068] =	vst v63  }
0x344: {  	_ =	swait.ge [sflag:s9], $0x80  }
0x345: {  	[sflag:s9] =	ssyncset.done $0x0  }
0x346: {  	[sflag:s9] =	ssyncadd.s32 $0xFFFFFF80  }
0x347: {  	[spmem:s1] =	stream.indirect.scatter.add.f32 [tilespmem:s10], [sflag:$0x3], $0x1, s7, s31, $0xb8;
	[tilespmem:$0x1C068] =	vst v63  }
0x348: {  	_ =	swait.ge [sflag:s9], $0x80  }
0x349: {  	[sflag:s9] =	ssyncset.done $0x0  }
0x34a: {  	[sflag:s9] =	ssyncadd.s32 $0xFFFFFF80  }
0x34b: {  	[spmem:s1] =	stream.indirect.scatter.add.f32 [tilespmem:s3], [sflag:$0x3], $0x1, s0, s31, $0xb8;
	[tilespmem:$0x1C068] =	vst v63  }
0x34c: {  	_ =	swait.ge [sflag:s9], $0x80  }
0x34d: {  	[sflag:s9] =	ssyncset.done $0x0  }
0x34e: {  	[sflag:s9] =	ssyncadd.s32 $0xFFFFFF80  }
0x34f: {  	[spmem:s1] =	stream.indirect.scatter.add.f32 [tilespmem:s13], [sflag:$0x3], $0x1, s12, s31, $0xb8;
	[tilespmem:$0x1C068] =	vst v63  }
0x350: {  	_ =	swait.ge [sflag:s9], $0x80  }
0x351: {  	[sflag:s9] =	ssyncset.done $0x0  }
0x352: {  	[sflag:s9] =	ssyncadd.s32 $0xFFFFFF80  }
0x353: {  	[spmem:s1] =	stream.indirect.scatter.add.f32 [tilespmem:s16], [sflag:$0x3], $0x1, s15, s31, $0xb8;
	[tilespmem:$0x1C068] =	vst v63  }
0x354: {  	_ =	swait.ge [sflag:s9], $0x80  }
0x355: {  	[sflag:s9] =	ssyncset.done $0x0  }
0x356: {  	[sflag:s9] =	ssyncadd.s32 $0xFFFFFF80  }
0x357: {  	[spmem:s1] =	stream.indirect.scatter.add.f32 [tilespmem:s18], [sflag:$0x3], $0x1, s17, s31, $0xb8;
	[tilespmem:$0x1C068] =	vst v63  }
0x358: {  	_ =	swait.ge [sflag:s9], $0x80  }
0x359: {  	[sflag:s9] =	ssyncset.done $0x0  }
0x35a: {  	[sflag:s9] =	ssyncadd.s32 $0xFFFFFF80  }
0x35b: {  	[spmem:s1] =	stream.indirect.scatter.add.f32 [tilespmem:s21], [sflag:$0x3], $0x1, s20, s31, $0xb8;
	[tilespmem:$0x1C068] =	vst v63  }
0x35c: {  	_ =	swait.ge [sflag:s9], $0x80  }
0x35d: {  	p1 =	seq.s32 s26, $0x7;
	[sflag:s9] =	ssyncset.done $0x0  }
.Ltmp21:
0x35e: {  	[sflag:s9] =	ssyncadd.s32 $0xFFFFFF80;
	(pc) =	sbr.rel @p1 .LBB2_39-.Ltmp21, $4  }
0x35f: {  	[spmem:s1] =	stream.indirect.scatter.add.f32 [tilespmem:s25], [sflag:$0x3], $0x1, s11, s31, $0xb8;
	[tilespmem:$0x1C068] =	vst v63  }
0x360: {  	_ =	swait.ge [sflag:s9], $0x80  }
0x361: {  	[sflag:s9] =	ssyncset.done $0x0  }
0x362: {  	[sflag:s9] =	ssyncadd.s32 $0xFFFFFF80  }
0x363: {  	s2 =	sshll.u32 s26, $0xD  }
0x364: {  	s4 =	rddreg [dreg:$0xb];
	s2 =	sadd.s32 s2, s19  }
0x365: {  	s2 =	sor.u32 s4, s2  }
.Ltmp22:
0x366: {  	s8 =	rddreg [dreg:$0x7];
	s2 =	sshrl.u32 s2, $0x3;
	(pc) =	sbr.rel .LBB2_35-.Ltmp22, $4  }
0x367: {  	s26 =	sadd.s32 $0x1, s26;
	s4 =	ssub.s32 $0x18EA0, s14;
	s8 =	sadd.s32 s8, s2  }
0x368: {  	[tilespmem:s4], [sflag:$0x1] =	stream.strided.gather [hbm4b:s8+s23], $0x800, s24, s23, $0x38;
	[tilespmem:$0x1C068] =	vst v63  }
0x369: {  	p0 =	por !p0, !p0;
	s14 =	ssub.s32 $0x19EA0, s14;
	s2 =	sadd.s32 s6, s2  }
0x36a: {  	[tilespmem:s14], [sflag:$0x2] =	stream.strided.gather [hbm4b:s2+s23], $0x800, s24, s23, $0x38;
	[tilespmem:$0x1C068] =	vst v63  }
.LBB2_40:
0x36b: {  	_ =	sfence.sel $0x180000  }
0x36c: {  	[bflag:$0x0] =	sbarrier.arrive $0xFFFF  }
0x36d: {  	_ =	strace $0x90000047  }
0x36e: {  	s0 =	stileid.u32;
	[bflag:$0x2] =	sbarrier.arrive $0xFFFF  }
0x36f: {  	p0 =	sne.s32 s0, $0x0;
	s0 =	rddreg [dreg:$0x4]  }
0x370: {  	s0 =	sadd.s32 @!p0 $0x100000, s0  }
0x371: {  	[sflag:s0] =	ssyncadd.tile.s32 @!p0 $0x1;
	_ =	shalt  }
.Lfunc_end2:
_tile_overlayer_lowered:
.L_overlay_start_2:
0x372: {  	(tag) =	ssettag $0x2  }
0x373: {  	s0 =	rddreg [dreg:$0x0];
	s2 =	stileid.u32  }
0x374: {  	s1 =	rddreg [dreg:$0x1];
	p0 =	sne.s32 s2, $0x0  }
0x375: {  	s3 =	rddreg [dreg:$0x2];
	[bflag:$0x3] =	sbarrier.arrive $0xFFFF;
	s2 =	simm.s32 @!p0 $0x1C05  }
0x376: {  	[timem:s3], [sflag:s2] =	dma.local @!p0 [hbm:s0], s1  }
0x377: {  	s0 =	simm.s32 @!p0 $0x5  }
0x378: {  	_ =	swait.ge @!p0 [sflag:s0], s1  }
0x379: {  	s1 =	ssub.s32 @!p0 $0x0, s1;
	[sflag:s0] =	ssyncset.done @!p0 $0x0  }
0x37a: {  	[sflag:s0] =	ssyncadd.s32 @!p0 s1  }
0x37b: {  	[bflag:$0x3] =	sbarrier.arrive $0xFFFF  }
0x37c: {  	_ =	shalt  }

</sc_bundles>
